<compile_context>
chip_gen: v7x
topology: tpu7x:2x2x1
jax: 0.10.2.dev20260603
libtpu: 0.0.44.dev20260713+nightly
codegen_flags: <defaults>
</compile_context>

<pallas_src>
import functools

import jax
import jax.numpy as jnp
from jax import lax
from jax.experimental import pallas as pl
from jax.experimental.pallas import tpu as pltpu
from jax.experimental.pallas import tpu_sc as plsc

N = 10000
DEG = 16
E = N * DEG
L = 7
NR = 128
EA = 128
EE = 128
ET = 32
ERBF = 16
EBIL = 32
CUTOFF = 6.0
INV_SQRT2 = 0.7071067811865476

BN = 200
BE = BN * DEG
GN = 8
GR = GN * DEG
NG = BN // GN
NBLK = N // BN

SC_NC = 2
SC_NS = 16
SC_NW = SC_NC * SC_NS
SC_CH = 40
SC_SUB = 5
SC_SUPER = SC_CH * SC_SUB


LOG2E = 1.4426950408889634


def _swish(x):
    return x / (1.0 + jnp.exp2(x * -LOG2E))


def _bdot(x, w):
    return jnp.dot(x.astype(jnp.bfloat16), w.astype(jnp.bfloat16),
                   preferred_element_type=jnp.float32)


def _res_stack(x, layers):
    for w1, w2 in layers:
        x = (x + _swish(_bdot(_swish(_bdot(x, w1)), w2))) * INV_SQRT2
    return x


def _out_block_partial(m, rbf_out, o_rbf, o_e2a, o_r1a, o_r1b, o_r2a, o_r2b,
                       o_finT):
    x = m * jnp.dot(rbf_out, o_rbf)
    xa = x.reshape(BN, DEG, EA).sum(axis=1)
    xa = _swish(_bdot(xa, o_e2a))
    xa = _res_stack(xa, [(o_r1a, o_r1b), (o_r2a, o_r2b)])
    return jnp.sum(xa * o_finT)


def _edge_geometry(ps, posn):
    pos_t = jnp.broadcast_to(posn[:, None, :], (BN, DEG, 128)).reshape(BE, 128)
    vec = ps - pos_t
    d2 = jnp.sum(vec * vec, axis=1, keepdims=True) + 1e-10
    u = vec * lax.rsqrt(d2)
    return u, d2


def _triplet_mask():
    r = lax.broadcasted_iota(jnp.int32, (GR, GR), 0)
    c = lax.broadcasted_iota(jnp.int32, (GR, GR), 1)
    same_node = (r // DEG) == (c // DEG)
    return jnp.where(same_node & (r != c), 1.0, 0.0).astype(jnp.float32)


def _interaction(m, rbf3, rbf_h, u, h_in,
                 dense_ba, rbf_trip, down, bil, up_ca,
                 rb1a, rb1b, ra1a, ra1b,
                 atom_dense, rbf_hp, ar1a, ar1b, ar2a, ar2b,
                 cw_s, cw_t, cw_m, cb):
    x_ba = _swish(_bdot(m, dense_ba)) * jnp.dot(rbf3, rbf_trip)
    x_ba = _swish(_bdot(x_ba, down))

    ug = u.reshape(NG, GR, 128)
    cos = lax.dot_general(ug, ug, (((2,), (2,)), ((0,), (0,))),
                          preferred_element_type=jnp.float32)
    mask = jnp.broadcast_to(_triplet_mask()[None], (NG, GR, GR))

    z_all = _bdot(x_ba, bil)
    agg = jnp.zeros((NG, GR, EBIL), jnp.float32)
    p_prev = mask
    p_cur = cos * mask
    for l in range(L):
        if l == 0:
            p = p_prev
        elif l == 1:
            p = p_cur
        else:
            p = ((2 * l - 1) * cos * p_cur - (l - 1) * p_prev) * (1.0 / l)
            p_prev, p_cur = p_cur, p
        z = z_all[:, l * EBIL:(l + 1) * EBIL].reshape(NG, GR, EBIL)
        agg = agg + lax.dot_general(p.astype(jnp.bfloat16),
                                    z.astype(jnp.bfloat16),
                                    (((2,), (1,)), ((0,), (0,))),
                                    preferred_element_type=jnp.float32)

    x3 = _swish(_bdot(agg.reshape(BE, EBIL), up_ca))
    x3 = _res_stack(x3, [(rb1a, rb1b)])
    m2 = (x3 + m) * INV_SQRT2
    m2 = _res_stack(m2, [(ra1a, ra1b)])

    xa = _swish(_bdot(m2, atom_dense)) * jnp.dot(rbf_h, rbf_hp)
    ha = xa.reshape(BN, DEG, EA).sum(axis=1)
    ha = _res_stack(ha, [(ar1a, ar1b), (ar2a, ar2b)])
    h_new = h_in + ha

    t_next = _bdot(h_new, cw_s)
    h_term = _bdot(h_new, cw_t)
    m_pre = (_bdot(m2, cw_m)
             + jnp.broadcast_to(h_term[:, None, :], (BN, DEG, EA)).reshape(BE, EA)
             + cb)
    return h_new, t_next, m_pre


def _acc_scalar(e_ref, val):
    @pl.when(pl.program_id(0) == 0)
    def _():
        e_ref[...] = jnp.zeros_like(e_ref)
    e_ref[...] = e_ref[...] + jnp.full((1, 1), 0.0, jnp.float32) + val



def _p0_body(an_ref, emb_ref, ews_ref, pos_ref, h_ref, t_ref):
    a = an_ref[...] % 83
    cols = lax.broadcasted_iota(jnp.int32, (N, 96), 1)
    oh = (a == cols).astype(jnp.float32)
    h = jnp.dot(oh, emb_ref[...])
    h_ref[...] = h
    t_ref[...] = jnp.concatenate([jnp.dot(h, ews_ref[...]), pos_ref[...]],
                                 axis=1)



def _p1_body(gps_ref, posn_ref, h_ref,
             ewt_ref, ewr_ref, eb_ref, wr3_ref, wrh_ref, wro_ref,
             o_rbf_ref, o_e2a_ref, o_r1a_ref, o_r1b_ref, o_r2a_ref,
             o_r2b_ref, o_finT_ref,
             dba_ref, rtr_ref, dwn_ref, bil_ref, upc_ref,
             rb1a_ref, rb1b_ref, ra1a_ref, ra1b_ref,
             adn_ref, rhp_ref, ar1a_ref, ar1b_ref, ar2a_ref, ar2b_ref,
             cws_ref, cwt_ref, cwm_ref, cb_ref,
             e_ref, hout_ref, tout_ref, mpre_ref, rpack_ref):
    gps = gps_ref[...]
    u, d2 = _edge_geometry(gps[:, EE:], posn_ref[...])
    d = jnp.sqrt(d2)
    ds = d * (1.0 / CUTOFF)
    ds2 = ds * ds
    ds4 = ds2 * ds2
    ds5 = ds4 * ds
    env = 1.0 - 21.0 * ds5 + 35.0 * ds5 * ds - 15.0 * ds5 * ds2
    env = jnp.where(ds < 1.0, env, 0.0)
    offs = (lax.broadcasted_iota(jnp.int32, (1, NR), 1).astype(jnp.float32)
            * (1.0 / (NR - 1)))
    coeff = -0.5 / (1.0 / (NR - 1)) ** 2 * LOG2E
    diff = ds - offs
    rbf = env * jnp.exp2(coeff * (diff * diff))

    rbf3 = jnp.dot(rbf, wr3_ref[...])
    rbf_h = jnp.dot(rbf, wrh_ref[...])
    rbf_out = jnp.dot(rbf, wro_ref[...])
    rpack_ref[...] = jnp.concatenate([rbf3, rbf_h, rbf_out], axis=1)

    h_in = h_ref[...]
    h_t = jnp.dot(h_in, ewt_ref[...])
    m = _swish(gps[:, :EE]
               + jnp.broadcast_to(h_t[:, None, :], (BN, DEG, EA)).reshape(BE, EA)
               + _bdot(rbf, ewr_ref[...]) + eb_ref[...])

    part = _out_block_partial(m, rbf_out, o_rbf_ref[...], o_e2a_ref[...],
                              o_r1a_ref[...], o_r1b_ref[...], o_r2a_ref[...],
                              o_r2b_ref[...], o_finT_ref[...])

    h_new, t_next, m_pre = _interaction(
        m, rbf3, rbf_h, u, h_in,
        dba_ref[...], rtr_ref[...], dwn_ref[...], bil_ref[...], upc_ref[...],
        rb1a_ref[...], rb1b_ref[...], ra1a_ref[...], ra1b_ref[...],
        adn_ref[...], rhp_ref[...], ar1a_ref[...], ar1b_ref[...],
        ar2a_ref[...], ar2b_ref[...],
        cws_ref[...], cwt_ref[...], cwm_ref[...], cb_ref[...])

    hout_ref[...] = h_new
    tout_ref[...] = t_next
    mpre_ref[...] = m_pre
    _acc_scalar(e_ref, part)



def _p2_body(g_ref, mprein_ref, rpack_ref, gps_ref, posn_ref, h_ref,
             rca_ref, rcb_ref,
             o_rbf_ref, o_e2a_ref, o_r1a_ref, o_r1b_ref, o_r2a_ref,
             o_r2b_ref, o_finT_ref,
             dba_ref, rtr_ref, dwn_ref, bil_ref, upc_ref,
             rb1a_ref, rb1b_ref, ra1a_ref, ra1b_ref,
             adn_ref, rhp_ref, ar1a_ref, ar1b_ref, ar2a_ref, ar2b_ref,
             cws_ref, cwt_ref, cwm_ref, cb_ref,
             e_ref, hout_ref, tout_ref, mpre_ref):
    u, _ = _edge_geometry(gps_ref[...][:, EE:], posn_ref[...])
    rpack = rpack_ref[...]
    rbf3 = rpack[:, 0:ERBF]
    rbf_h = rpack[:, ERBF:2 * ERBF]
    rbf_out = rpack[:, 2 * ERBF:3 * ERBF]

    m = _swish(mprein_ref[...] + g_ref[...])
    m = _res_stack(m, [(rca_ref[...], rcb_ref[...])])

    part = _out_block_partial(m, rbf_out, o_rbf_ref[...], o_e2a_ref[...],
                              o_r1a_ref[...], o_r1b_ref[...], o_r2a_ref[...],
                              o_r2b_ref[...], o_finT_ref[...])

    h_new, t_next, m_pre = _interaction(
        m, rbf3, rbf_h, u, h_ref[...],
        dba_ref[...], rtr_ref[...], dwn_ref[...], bil_ref[...], upc_ref[...],
        rb1a_ref[...], rb1b_ref[...], ra1a_ref[...], ra1b_ref[...],
        adn_ref[...], rhp_ref[...], ar1a_ref[...], ar1b_ref[...],
        ar2a_ref[...], ar2b_ref[...],
        cws_ref[...], cwt_ref[...], cwm_ref[...], cb_ref[...])

    hout_ref[...] = h_new
    tout_ref[...] = t_next
    mpre_ref[...] = m_pre
    _acc_scalar(e_ref, part)



def _p3_body(g_ref, mprein_ref, rpack_ref,
             rca_ref, rcb_ref,
             o_rbf_ref, o_e2a_ref, o_r1a_ref, o_r1b_ref, o_r2a_ref,
             o_r2b_ref, o_finT_ref,
             e_ref):
    rbf_out = rpack_ref[...][:, 2 * ERBF:3 * ERBF]
    m = _swish(mprein_ref[...] + g_ref[...])
    m = _res_stack(m, [(rca_ref[...], rcb_ref[...])])
    part = _out_block_partial(m, rbf_out, o_rbf_ref[...], o_e2a_ref[...],
                              o_r1a_ref[...], o_r1b_ref[...], o_r2a_ref[...],
                              o_r2b_ref[...], o_finT_ref[...])
    _acc_scalar(e_ref, part)



def _sc_gather(table, idx):
    v, dcols = table.shape
    e_rows = idx.shape[0]
    per_w = e_rows // SC_NW
    ch = SC_CH
    super_rows = ch * SC_SUB
    n_super = per_w // super_rows
    mesh = plsc.VectorSubcoreMesh(core_axis_name="c", subcore_axis_name="s")

    @functools.partial(
        pl.kernel, mesh=mesh,
        out_type=jax.ShapeDtypeStruct((e_rows, dcols), table.dtype),
        scratch_types=[
            pltpu.VMEM((per_w,), jnp.int32),
            pltpu.VMEM((super_rows, dcols), table.dtype),
            pltpu.SemaphoreType.DMA,
        ],
    )
    def gk(table_hbm, idx_hbm, out_hbm, idx_v, rows_v, sem):
        wid = lax.axis_index("s") * SC_NC + lax.axis_index("c")
        base = wid * per_w
        pltpu.sync_copy(idx_hbm.at[pl.ds(base, per_w)], idx_v)

        def body(s, carry):
            off = s * super_rows
            cps = []
            for b in range(SC_SUB):
                cp = pltpu.async_copy(
                    table_hbm.at[idx_v.at[pl.ds(off + b * ch, ch)]],
                    rows_v.at[pl.ds(b * ch, ch)], sem)
                cps.append(cp)
            for cp in cps:
                cp.wait()
            pltpu.sync_copy(rows_v, out_hbm.at[pl.ds(base + off, super_rows)])
            return carry

        lax.fori_loop(0, n_super, body, 0)

    return gk(table, idx)



def _full(shape_dtype):
    return pl.BlockSpec(shape_dtype, lambda i: tuple(0 for _ in shape_dtype))


def _wspecs(ws):
    return [pl.BlockSpec(w.shape, (lambda nd: (lambda i: (0,) * nd))(w.ndim))
            for w in ws]


def kernel(atomic_numbers, pos, edge_index, id3_ba, id3_ca, params):
    idx_s = edge_index[0]
    pos128 = jnp.pad(pos, ((0, 0), (0, 125)))
    emb96 = jnp.pad(params['atom_emb'], ((0, 13), (0, 0)))
    ew = params['edge_W']
    ew_s, ew_t, ew_r = ew[0:EA], ew[EA:2 * EA], ew[2 * EA:]
    eb = params['edge_b'].reshape(1, EE)

    bf = lambda w: w.astype(jnp.bfloat16)

    def out_ws(k):
        ob = params['out'][k]
        return [ob['rbf_proj'], bf(ob['edge2atom']),
                bf(ob['res'][0][0]), bf(ob['res'][0][1]),
                bf(ob['res'][1][0]), bf(ob['res'][1][1]),
                ob['final'].reshape(1, EA)]

    def blk_ws(b):
        blk = params['blocks'][b]
        cw = blk['concat_W']
        return [bf(blk['dense_ba']), blk['rbf_trip'], bf(blk['down']),
                bf(blk['bil'].transpose(1, 0, 2).reshape(ET, L * EBIL)),
                bf(blk['up_ca']),
                bf(blk['res_before'][0][0]), bf(blk['res_before'][0][1]),
                bf(blk['res_after'][0][0]), bf(blk['res_after'][0][1]),
                bf(blk['atom_dense']), blk['rbf_h_proj'],
                bf(blk['atom_res'][0][0]), bf(blk['atom_res'][0][1]),
                bf(blk['atom_res'][1][0]), bf(blk['atom_res'][1][1]),
                bf(cw[0:EA]), bf(cw[EA:2 * EA]), bf(cw[2 * EA:]),
                blk['concat_b'].reshape(1, EE)]

    def rc_ws(b):
        blk = params['blocks'][b]
        return [bf(blk['res_concat'][0][0]), bf(blk['res_concat'][0][1])]

    an2 = atomic_numbers.reshape(N, 1)
    h0, t0p = pl.pallas_call(
        _p0_body,
        grid=(1,),
        in_specs=[pl.BlockSpec((N, 1), lambda i: (0, 0)),
                  pl.BlockSpec((96, EA), lambda i: (0, 0)),
                  pl.BlockSpec((EA, EE), lambda i: (0, 0)),
                  pl.BlockSpec((N, 128), lambda i: (0, 0))],
        out_specs=[pl.BlockSpec((N, EA), lambda i: (0, 0)),
                   pl.BlockSpec((N, EE + 128), lambda i: (0, 0))],
        out_shape=[jax.ShapeDtypeStruct((N, EA), jnp.float32),
                   jax.ShapeDtypeStruct((N, EE + 128), jnp.float32)],
    )(an2, emb96, ew_s, pos128)

    gps = _sc_gather(t0p, idx_s)

    edge_spec = pl.BlockSpec((BE, EE), lambda i: (i, 0))
    gps_spec = pl.BlockSpec((BE, EE + 128), lambda i: (i, 0))
    posn_spec = pl.BlockSpec((BN, 128), lambda i: (i, 0))
    node_spec = pl.BlockSpec((BN, EA), lambda i: (i, 0))
    rpack_spec = pl.BlockSpec((BE, 3 * ERBF), lambda i: (i, 0))
    e_spec = pl.BlockSpec((1, 1), lambda i: (0, 0))

    w1 = [ew_t, bf(ew_r), eb, params['W_rbf3'], params['W_rbf_h'],
          params['W_rbf_out']] + out_ws(0) + blk_ws(0)
    e0, h1, t1, mp0, rpack = pl.pallas_call(
        _p1_body,
        grid=(NBLK,),
        in_specs=[gps_spec, posn_spec, node_spec] + _wspecs(w1),
        out_specs=[e_spec, node_spec, node_spec, edge_spec, rpack_spec],
        out_shape=[jax.ShapeDtypeStruct((1, 1), jnp.float32),
                   jax.ShapeDtypeStruct((N, EA), jnp.float32),
                   jax.ShapeDtypeStruct((N, EE), jnp.float32),
                   jax.ShapeDtypeStruct((E, EE), jnp.float32),
                   jax.ShapeDtypeStruct((E, 3 * ERBF), jnp.float32)],
    )(gps, pos128, h0, *w1)

    g1 = _sc_gather(t1, idx_s)
    w2 = rc_ws(0) + out_ws(1) + blk_ws(1)
    e1, h2, t2, mp1 = pl.pallas_call(
        _p2_body,
        grid=(NBLK,),
        in_specs=[edge_spec, edge_spec, rpack_spec, gps_spec, posn_spec,
                  node_spec] + _wspecs(w2),
        out_specs=[e_spec, node_spec, node_spec, edge_spec],
        out_shape=[jax.ShapeDtypeStruct((1, 1), jnp.float32),
                   jax.ShapeDtypeStruct((N, EA), jnp.float32),
                   jax.ShapeDtypeStruct((N, EE), jnp.float32),
                   jax.ShapeDtypeStruct((E, EE), jnp.float32)],
    )(g1, mp0, rpack, gps, pos128, h1, *w2)

    g2 = _sc_gather(t2, idx_s)
    w3 = rc_ws(1) + out_ws(2)
    (e2,) = pl.pallas_call(
        _p3_body,
        grid=(NBLK,),
        in_specs=[edge_spec, edge_spec, rpack_spec] + _wspecs(w3),
        out_specs=[e_spec],
        out_shape=[jax.ShapeDtypeStruct((1, 1), jnp.float32)],
    )(g2, mp1, rpack, *w3)

    return (e0 + e1 + e2).reshape(1)

# --- scband reference (transcript-rebuilt; emitter-appended) ---
"""Pipeline reference for scband-gem-net-t-15281493639525 (READ-ONLY COPY).

The authoritative reference and input builder live on the scoring server;
editing this copy changes nothing except your own understanding.
"""

import jax, jax.numpy as jnp
import numpy as np

N = 10000
DEG = 16
E = N * DEG
L = 7
NR = 128
EA = 128
EE = 128
ET = 32
ERBF = 16
EBIL = 32
NB = 2
CUTOFF = 6.0
INV_SQRT2 = 0.7071067811865476


def swish(x):
    return x * jax.nn.sigmoid(x)


def residual_stack(x, layers):
    for W1, W2 in layers:
        x = (x + swish(swish(x @ W1) @ W2)) * INV_SQRT2
    return x


def radial_basis(d):
    ds = d / CUTOFF
    env = 1.0 - 21.0 * ds**5 + 35.0 * ds**6 - 15.0 * ds**7
    env = jnp.where(ds < 1.0, env, 0.0)
    offsets = jnp.linspace(0.0, 1.0, NR)
    coeff = -0.5 / (1.0 / (NR - 1)) ** 2
    return env[:, None] * jnp.exp(coeff * (ds[:, None] - offsets[None, :]) ** 2)


def legendre(x):
    ps = [jnp.ones_like(x), x]
    for l in range(2, L):
        ps.append(((2 * l - 1) * x * ps[-1] - (l - 1) * ps[-2]) / l)
    return jnp.stack(ps[:L], axis=-1)


def setup_inputs():
    rng = np.random.default_rng(0)
    pos = jnp.asarray(rng.uniform(0.0, 3.0, size=(N, 3)).astype(np.float32))
    atomic_numbers = jnp.asarray(rng.integers(0, 83, size=(N,)), dtype=jnp.int32)
    idx_t = np.repeat(np.arange(N), DEG)
    idx_s = rng.integers(0, N, size=(E,))
    edge_index = jnp.asarray(np.stack([idx_s, idx_t]).astype(np.int32))
    base = np.arange(E).reshape(N, DEG)
    ii, jj = np.nonzero(~np.eye(DEG, dtype=bool))
    id3_ca = jnp.asarray(base[:, ii].reshape(-1).astype(np.int32))
    id3_ba = jnp.asarray(base[:, jj].reshape(-1).astype(np.int32))

    def p(*s):
        return jnp.asarray(rng.normal(0.0, 0.02, size=s).astype(np.float32))

    blocks = []
    for _ in range(NB):
        blocks.append({
            'dense_ba': p(EE, EE),
            'rbf_trip': p(ERBF, EE),
            'down': p(EE, ET),
            'bil': p(L, ET, EBIL),
            'up_ca': p(EBIL, EE),
            'res_before': [[p(EE, EE), p(EE, EE)] for _ in range(1)],
            'res_after': [[p(EE, EE), p(EE, EE)] for _ in range(1)],
            'atom_dense': p(EE, EA),
            'rbf_h_proj': p(ERBF, EA),
            'atom_res': [[p(EA, EA), p(EA, EA)] for _ in range(2)],
            'concat_W': p(2 * EA + EE, EE),
            'concat_b': jnp.zeros((EE,), jnp.float32),
            'res_concat': [[p(EE, EE), p(EE, EE)] for _ in range(1)],
        })
    outs = []
    for _ in range(NB + 1):
        outs.append({
            'rbf_proj': p(ERBF, EE),
            'edge2atom': p(EE, EA),
            'res': [[p(EA, EA), p(EA, EA)] for _ in range(2)],
            'final': p(EA, 1),
        })
    params = {
        'atom_emb': p(83, EA),
        'edge_W': p(2 * EA + NR, EE),
        'edge_b': jnp.zeros((EE,), jnp.float32),
        'W_rbf3': p(NR, ERBF),
        'W_rbf_h': p(NR, ERBF),
        'W_rbf_out': p(NR, ERBF),
        'blocks': blocks,
        'out': outs,
    }
    return {'atomic_numbers': atomic_numbers, 'pos': pos, 'edge_index': edge_index,
            'id3_ba': id3_ba, 'id3_ca': id3_ca, 'params': params}


def _forward(pos, params, atomic_numbers, edge_index, id3_ba, id3_ca):
    idx_s = edge_index[0]
    idx_t = edge_index[1]
    vec = pos[idx_s] - pos[idx_t]
    d = jnp.sqrt(jnp.sum(vec * vec, axis=-1) + 1e-10)
    rbf = radial_basis(d)
    vba = vec[id3_ba]
    vca = vec[id3_ca]
    cosphi = jnp.sum(vba * vca, axis=-1) / (
        jnp.linalg.norm(vba, axis=-1) * jnp.linalg.norm(vca, axis=-1) + 1e-9)
    cosphi = jnp.clip(cosphi, -1.0, 1.0)
    cbf = legendre(cosphi)
    rbf3 = rbf @ params['W_rbf3']
    rbf_h = rbf @ params['W_rbf_h']
    rbf_out = rbf @ params['W_rbf_out']
    h = params['atom_emb'][atomic_numbers % 83]
    m = swish(jnp.concatenate([h[idx_s], h[idx_t], rbf], axis=-1) @ params['edge_W'] + params['edge_b'])

    def out_block(ob, m_in):
        x = m_in * (rbf_out @ ob['rbf_proj'])
        xa = jax.ops.segment_sum(x, idx_t, num_segments=N)
        xa = swish(xa @ ob['edge2atom'])
        xa = residual_stack(xa, ob['res'])
        return xa @ ob['final']

    e_atom = out_block(params['out'][0], m)
    for b in range(NB):
        blk = params['blocks'][b]
        x_ba = swish(m @ blk['dense_ba'])
        x_ba = x_ba * (rbf3 @ blk['rbf_trip'])
        x_ba = swish(x_ba @ blk['down'])
        x_t = x_ba[id3_ba]
        agg = jnp.zeros((E, EBIL), jnp.float32)
        for l in range(L):
            A = jax.ops.segment_sum(cbf[:, l:l + 1] * x_t, id3_ca, num_segments=E)
            agg = agg + A @ blk['bil'][l]
        x3 = swish(agg @ blk['up_ca'])
        x3 = residual_stack(x3, blk['res_before'])
        m2 = (x3 + m) * INV_SQRT2
        m2 = residual_stack(m2, blk['res_after'])
        xa = swish(m2 @ blk['atom_dense']) * (rbf_h @ blk['rbf_h_proj'])
        ha = jax.ops.segment_sum(xa, idx_t, num_segments=N)
        ha = residual_stack(ha, blk['atom_res'])
        h = h + ha
        m = swish(jnp.concatenate([h[idx_s], h[idx_t], m2], axis=-1) @ blk['concat_W'] + blk['concat_b'])
        m = residual_stack(m, blk['res_concat'])
        e_atom = e_atom + out_block(params['out'][b + 1], m)
    return jnp.sum(e_atom).reshape(1)


def reference(atomic_numbers, pos, edge_index, id3_ba, id3_ca, params):
    return _forward(pos, params, atomic_numbers, edge_index, id3_ba, id3_ca)

if __name__ == "__main__":
    import jax
    _d = setup_inputs()
    print(jax.jit(kernel)(*tuple(_d.values())))

</pallas_src>

<mosaic_0001>
#map = affine_map<(d0, d1) -> (0, 0)>
#map1 = affine_map<(d0, d1) -> (0)>
module attributes {stable_mosaic.version = 14 : i64} {
  func.func @gk(%arg0: i32, %arg1: i32, %arg2: memref<10000x128xf32, #tpu.memory_space<hbm>>, %arg3: memref<160000xi32, #tpu.memory_space<hbm>>, %arg4: memref<160000x128xf32, #tpu.memory_space<hbm>>, %arg5: memref<5000xi32, #tpu.memory_space<vmem>>, %arg6: memref<200x128xf32, #tpu.memory_space<vmem>>, %arg7: memref<!tpu.dma_semaphore, #tpu.memory_space<semaphore_mem>>) attributes {dimension_semantics = [#tpu.dimension_semantics<core_parallel>, #tpu.dimension_semantics<subcore_parallel>], iteration_bounds = array<i64: 2, 16>, scalar_prefetch = 0 : i64, scratch_operands = 3 : i64, tpu.core_type = #tpu.core_type<sc_vector_subcore>, window_params = [{transform_indices = #map}, {transform_indices = #map1}, {transform_indices = #map}]} {
    %mul3A = arith.constant 2 : i32
    %mul3A_0 = arith.muli %arg1, %mul3A : i32
    %add3A = arith.addi %mul3A_0, %arg0 : i32
    %mul3A_1 = arith.constant 5000 : i32
    %mul3A_2 = arith.muli %add3A, %mul3A_1 : i32
    "tpu.region"() ({
      %run_scoped3A = tpu.sem_alloc : memref<!tpu.dma_semaphore, #tpu.memory_space<semaphore_mem>>
      %dma_start3A = tpu.memref_slice %arg3[%mul3A_2] : memref<160000xi32, #tpu.memory_space<hbm>> -> memref<5000xi32, #tpu.memory_space<hbm>>
      %dma_start3A_8 = tpu.memref_slice %arg3[%mul3A_2] : memref<160000xi32, #tpu.memory_space<hbm>> -> memref<5000xi32, #tpu.memory_space<hbm>>
      tpu.enqueue_dma source(%dma_start3A_8 : memref<5000xi32, #tpu.memory_space<hbm>>) target(%arg5 : memref<5000xi32, #tpu.memory_space<vmem>>) target_semaphore(%run_scoped3A : memref<!tpu.dma_semaphore, #tpu.memory_space<semaphore_mem>>)
      %dma_wait3A = tpu.memref_slice %arg3[%mul3A_2] : memref<160000xi32, #tpu.memory_space<hbm>> -> memref<5000xi32, #tpu.memory_space<hbm>>
      %dma_wait3A_9 = tpu.memref_slice %arg3[%mul3A_2] : memref<160000xi32, #tpu.memory_space<hbm>> -> memref<5000xi32, #tpu.memory_space<hbm>>
      tpu.wait_dma2 semaphore(%run_scoped3A : memref<!tpu.dma_semaphore, #tpu.memory_space<semaphore_mem>>) src(%dma_wait3A_9 : memref<5000xi32, #tpu.memory_space<hbm>>) dst(%arg5 : memref<5000xi32, #tpu.memory_space<vmem>>)
      tpu.yield
    }) : () -> ()
    %scan3A = arith.constant 0 : i32
    %scan3A_3 = arith.constant 0 : i32
    %scan3A_4 = arith.constant 25 : i32
    %scan3A_5 = arith.addi %scan3A_3, %scan3A_4 : i32
    %scan3A_6 = arith.constant 1 : i32
    scf.for %scan3A_8 = %scan3A_3 to %scan3A_5 step %scan3A_6  : i32 {
      %mul3A_9 = arith.constant 200 : i32
      %mul3A_10 = arith.muli %scan3A_8, %mul3A_9 : i32
      %add3A_11 = arith.constant 0 : i32
      %add3A_12 = arith.addi %mul3A_10, %add3A_11 : i32
      %dma_start3A = arith.constant 0 : i32
      %dma_start3A_13 = arith.constant 0 : i32
      %dma_start3A_14 = tpu.memref_slice %arg6[%dma_start3A, %dma_start3A_13] : memref<200x128xf32, #tpu.memory_space<vmem>> -> memref<40x128xf32, #tpu.memory_space<vmem>>
      %dma_start3A_15 = tpu.memref_slice %arg5[%add3A_12] : memref<5000xi32, #tpu.memory_space<vmem>> -> memref<40xi32, #tpu.memory_space<vmem>>
      %dma_start3A_16 = arith.constant 0 : i32
      %dma_start3A_17 = arith.constant 0 : i32
      %dma_start3A_18 = tpu.memref_slice %arg2[%dma_start3A_16, %dma_start3A_17] : memref<10000x128xf32, #tpu.memory_space<hbm>> -> memref<10000x128xf32, #tpu.memory_space<hbm>>
      tpu.enqueue_indirect_dma source(%dma_start3A_18 : memref<10000x128xf32, #tpu.memory_space<hbm>>) target(%dma_start3A_14 : memref<40x128xf32, #tpu.memory_space<vmem>>) offsets(%dma_start3A_15 : memref<40xi32, #tpu.memory_space<vmem>>) semaphore(%arg7 : memref<!tpu.dma_semaphore, #tpu.memory_space<semaphore_mem>>)
      %add3A_19 = arith.constant 40 : i32
      %add3A_20 = arith.addi %mul3A_10, %add3A_19 : i32
      %dma_start3A_21 = arith.constant 40 : i32
      %dma_start3A_22 = arith.constant 0 : i32
      %dma_start3A_23 = tpu.memref_slice %arg6[%dma_start3A_21, %dma_start3A_22] : memref<200x128xf32, #tpu.memory_space<vmem>> -> memref<40x128xf32, #tpu.memory_space<vmem>>
      %dma_start3A_24 = tpu.memref_slice %arg5[%add3A_20] : memref<5000xi32, #tpu.memory_space<vmem>> -> memref<40xi32, #tpu.memory_space<vmem>>
      %dma_start3A_25 = arith.constant 0 : i32
      %dma_start3A_26 = arith.constant 0 : i32
      %dma_start3A_27 = tpu.memref_slice %arg2[%dma_start3A_25, %dma_start3A_26] : memref<10000x128xf32, #tpu.memory_space<hbm>> -> memref<10000x128xf32, #tpu.memory_space<hbm>>
      tpu.enqueue_indirect_dma source(%dma_start3A_27 : memref<10000x128xf32, #tpu.memory_space<hbm>>) target(%dma_start3A_23 : memref<40x128xf32, #tpu.memory_space<vmem>>) offsets(%dma_start3A_24 : memref<40xi32, #tpu.memory_space<vmem>>) semaphore(%arg7 : memref<!tpu.dma_semaphore, #tpu.memory_space<semaphore_mem>>)
      %add3A_28 = arith.constant 80 : i32
      %add3A_29 = arith.addi %mul3A_10, %add3A_28 : i32
      %dma_start3A_30 = arith.constant 80 : i32
      %dma_start3A_31 = arith.constant 0 : i32
      %dma_start3A_32 = tpu.memref_slice %arg6[%dma_start3A_30, %dma_start3A_31] : memref<200x128xf32, #tpu.memory_space<vmem>> -> memref<40x128xf32, #tpu.memory_space<vmem>>
      %dma_start3A_33 = tpu.memref_slice %arg5[%add3A_29] : memref<5000xi32, #tpu.memory_space<vmem>> -> memref<40xi32, #tpu.memory_space<vmem>>
      %dma_start3A_34 = arith.constant 0 : i32
      %dma_start3A_35 = arith.constant 0 : i32
      %dma_start3A_36 = tpu.memref_slice %arg2[%dma_start3A_34, %dma_start3A_35] : memref<10000x128xf32, #tpu.memory_space<hbm>> -> memref<10000x128xf32, #tpu.memory_space<hbm>>
      tpu.enqueue_indirect_dma source(%dma_start3A_36 : memref<10000x128xf32, #tpu.memory_space<hbm>>) target(%dma_start3A_32 : memref<40x128xf32, #tpu.memory_space<vmem>>) offsets(%dma_start3A_33 : memref<40xi32, #tpu.memory_space<vmem>>) semaphore(%arg7 : memref<!tpu.dma_semaphore, #tpu.memory_space<semaphore_mem>>)
      %add3A_37 = arith.constant 120 : i32
      %add3A_38 = arith.addi %mul3A_10, %add3A_37 : i32
      %dma_start3A_39 = arith.constant 120 : i32
      %dma_start3A_40 = arith.constant 0 : i32
      %dma_start3A_41 = tpu.memref_slice %arg6[%dma_start3A_39, %dma_start3A_40] : memref<200x128xf32, #tpu.memory_space<vmem>> -> memref<40x128xf32, #tpu.memory_space<vmem>>
      %dma_start3A_42 = tpu.memref_slice %arg5[%add3A_38] : memref<5000xi32, #tpu.memory_space<vmem>> -> memref<40xi32, #tpu.memory_space<vmem>>
      %dma_start3A_43 = arith.constant 0 : i32
      %dma_start3A_44 = arith.constant 0 : i32
      %dma_start3A_45 = tpu.memref_slice %arg2[%dma_start3A_43, %dma_start3A_44] : memref<10000x128xf32, #tpu.memory_space<hbm>> -> memref<10000x128xf32, #tpu.memory_space<hbm>>
      tpu.enqueue_indirect_dma source(%dma_start3A_45 : memref<10000x128xf32, #tpu.memory_space<hbm>>) target(%dma_start3A_41 : memref<40x128xf32, #tpu.memory_space<vmem>>) offsets(%dma_start3A_42 : memref<40xi32, #tpu.memory_space<vmem>>) semaphore(%arg7 : memref<!tpu.dma_semaphore, #tpu.memory_space<semaphore_mem>>)
      %add3A_46 = arith.constant 160 : i32
      %add3A_47 = arith.addi %mul3A_10, %add3A_46 : i32
      %dma_start3A_48 = arith.constant 160 : i32
      %dma_start3A_49 = arith.constant 0 : i32
      %dma_start3A_50 = tpu.memref_slice %arg6[%dma_start3A_48, %dma_start3A_49] : memref<200x128xf32, #tpu.memory_space<vmem>> -> memref<40x128xf32, #tpu.memory_space<vmem>>
      %dma_start3A_51 = tpu.memref_slice %arg5[%add3A_47] : memref<5000xi32, #tpu.memory_space<vmem>> -> memref<40xi32, #tpu.memory_space<vmem>>
      %dma_start3A_52 = arith.constant 0 : i32
      %dma_start3A_53 = arith.constant 0 : i32
      %dma_start3A_54 = tpu.memref_slice %arg2[%dma_start3A_52, %dma_start3A_53] : memref<10000x128xf32, #tpu.memory_space<hbm>> -> memref<10000x128xf32, #tpu.memory_space<hbm>>
      tpu.enqueue_indirect_dma source(%dma_start3A_54 : memref<10000x128xf32, #tpu.memory_space<hbm>>) target(%dma_start3A_50 : memref<40x128xf32, #tpu.memory_space<vmem>>) offsets(%dma_start3A_51 : memref<40xi32, #tpu.memory_space<vmem>>) semaphore(%arg7 : memref<!tpu.dma_semaphore, #tpu.memory_space<semaphore_mem>>)
      %dma_wait3A = arith.constant 0 : i32
      %dma_wait3A_55 = arith.constant 0 : i32
      %dma_wait3A_56 = tpu.memref_slice %arg6[%dma_wait3A, %dma_wait3A_55] : memref<200x128xf32, #tpu.memory_space<vmem>> -> memref<40x128xf32, #tpu.memory_space<vmem>>
      %dma_wait3A_57 = tpu.memref_slice %arg5[%add3A_12] : memref<5000xi32, #tpu.memory_space<vmem>> -> memref<40xi32, #tpu.memory_space<vmem>>
      %dma_wait3A_58 = arith.constant 0 : i32
      %dma_wait3A_59 = arith.constant 0 : i32
      %dma_wait3A_60 = tpu.memref_slice %arg2[%dma_wait3A_58, %dma_wait3A_59] : memref<10000x128xf32, #tpu.memory_space<hbm>> -> memref<10000x128xf32, #tpu.memory_space<hbm>>
      tpu.wait_indirect_dma semaphore(%arg7 : memref<!tpu.dma_semaphore, #tpu.memory_space<semaphore_mem>>) src(%dma_wait3A_60 : memref<10000x128xf32, #tpu.memory_space<hbm>>) dst(%dma_wait3A_56 : memref<40x128xf32, #tpu.memory_space<vmem>>)
      %dma_wait3A_61 = arith.constant 40 : i32
      %dma_wait3A_62 = arith.constant 0 : i32
      %dma_wait3A_63 = tpu.memref_slice %arg6[%dma_wait3A_61, %dma_wait3A_62] : memref<200x128xf32, #tpu.memory_space<vmem>> -> memref<40x128xf32, #tpu.memory_space<vmem>>
      %dma_wait3A_64 = tpu.memref_slice %arg5[%add3A_20] : memref<5000xi32, #tpu.memory_space<vmem>> -> memref<40xi32, #tpu.memory_space<vmem>>
      %dma_wait3A_65 = arith.constant 0 : i32
      %dma_wait3A_66 = arith.constant 0 : i32
      %dma_wait3A_67 = tpu.memref_slice %arg2[%dma_wait3A_65, %dma_wait3A_66] : memref<10000x128xf32, #tpu.memory_space<hbm>> -> memref<10000x128xf32, #tpu.memory_space<hbm>>
      tpu.wait_indirect_dma semaphore(%arg7 : memref<!tpu.dma_semaphore, #tpu.memory_space<semaphore_mem>>) src(%dma_wait3A_67 : memref<10000x128xf32, #tpu.memory_space<hbm>>) dst(%dma_wait3A_63 : memref<40x128xf32, #tpu.memory_space<vmem>>)
      %dma_wait3A_68 = arith.constant 80 : i32
      %dma_wait3A_69 = arith.constant 0 : i32
      %dma_wait3A_70 = tpu.memref_slice %arg6[%dma_wait3A_68, %dma_wait3A_69] : memref<200x128xf32, #tpu.memory_space<vmem>> -> memref<40x128xf32, #tpu.memory_space<vmem>>
      %dma_wait3A_71 = tpu.memref_slice %arg5[%add3A_29] : memref<5000xi32, #tpu.memory_space<vmem>> -> memref<40xi32, #tpu.memory_space<vmem>>
      %dma_wait3A_72 = arith.constant 0 : i32
      %dma_wait3A_73 = arith.constant 0 : i32
      %dma_wait3A_74 = tpu.memref_slice %arg2[%dma_wait3A_72, %dma_wait3A_73] : memref<10000x128xf32, #tpu.memory_space<hbm>> -> memref<10000x128xf32, #tpu.memory_space<hbm>>
      tpu.wait_indirect_dma semaphore(%arg7 : memref<!tpu.dma_semaphore, #tpu.memory_space<semaphore_mem>>) src(%dma_wait3A_74 : memref<10000x128xf32, #tpu.memory_space<hbm>>) dst(%dma_wait3A_70 : memref<40x128xf32, #tpu.memory_space<vmem>>)
      %dma_wait3A_75 = arith.constant 120 : i32
      %dma_wait3A_76 = arith.constant 0 : i32
      %dma_wait3A_77 = tpu.memref_slice %arg6[%dma_wait3A_75, %dma_wait3A_76] : memref<200x128xf32, #tpu.memory_space<vmem>> -> memref<40x128xf32, #tpu.memory_space<vmem>>
      %dma_wait3A_78 = tpu.memref_slice %arg5[%add3A_38] : memref<5000xi32, #tpu.memory_space<vmem>> -> memref<40xi32, #tpu.memory_space<vmem>>
      %dma_wait3A_79 = arith.constant 0 : i32
      %dma_wait3A_80 = arith.constant 0 : i32
      %dma_wait3A_81 = tpu.memref_slice %arg2[%dma_wait3A_79, %dma_wait3A_80] : memref<10000x128xf32, #tpu.memory_space<hbm>> -> memref<10000x128xf32, #tpu.memory_space<hbm>>
      tpu.wait_indirect_dma semaphore(%arg7 : memref<!tpu.dma_semaphore, #tpu.memory_space<semaphore_mem>>) src(%dma_wait3A_81 : memref<10000x128xf32, #tpu.memory_space<hbm>>) dst(%dma_wait3A_77 : memref<40x128xf32, #tpu.memory_space<vmem>>)
      %dma_wait3A_82 = arith.constant 160 : i32
      %dma_wait3A_83 = arith.constant 0 : i32
      %dma_wait3A_84 = tpu.memref_slice %arg6[%dma_wait3A_82, %dma_wait3A_83] : memref<200x128xf32, #tpu.memory_space<vmem>> -> memref<40x128xf32, #tpu.memory_space<vmem>>
      %dma_wait3A_85 = tpu.memref_slice %arg5[%add3A_47] : memref<5000xi32, #tpu.memory_space<vmem>> -> memref<40xi32, #tpu.memory_space<vmem>>
      %dma_wait3A_86 = arith.constant 0 : i32
      %dma_wait3A_87 = arith.constant 0 : i32
      %dma_wait3A_88 = tpu.memref_slice %arg2[%dma_wait3A_86, %dma_wait3A_87] : memref<10000x128xf32, #tpu.memory_space<hbm>> -> memref<10000x128xf32, #tpu.memory_space<hbm>>
      tpu.wait_indirect_dma semaphore(%arg7 : memref<!tpu.dma_semaphore, #tpu.memory_space<semaphore_mem>>) src(%dma_wait3A_88 : memref<10000x128xf32, #tpu.memory_space<hbm>>) dst(%dma_wait3A_84 : memref<40x128xf32, #tpu.memory_space<vmem>>)
      %add3A_89 = arith.addi %mul3A_2, %mul3A_10 : i32
      "tpu.region"() ({
        %run_scoped3A = tpu.sem_alloc : memref<!tpu.dma_semaphore, #tpu.memory_space<semaphore_mem>>
        %dma_start3A_90 = arith.constant 0 : i32
        %dma_start3A_91 = tpu.memref_slice %arg4[%add3A_89, %dma_start3A_90] : memref<160000x128xf32, #tpu.memory_space<hbm>> -> memref<200x128xf32, #tpu.memory_space<hbm>>
        %dma_start3A_92 = arith.constant 0 : i32
        %dma_start3A_93 = tpu.memref_slice %arg4[%add3A_89, %dma_start3A_92] : memref<160000x128xf32, #tpu.memory_space<hbm>> -> memref<200x128xf32, #tpu.memory_space<hbm>>
        tpu.enqueue_dma source(%arg6 : memref<200x128xf32, #tpu.memory_space<vmem>>) target(%dma_start3A_93 : memref<200x128xf32, #tpu.memory_space<hbm>>) target_semaphore(%run_scoped3A : memref<!tpu.dma_semaphore, #tpu.memory_space<semaphore_mem>>)
        %dma_wait3A_94 = arith.constant 0 : i32
        %dma_wait3A_95 = tpu.memref_slice %arg4[%add3A_89, %dma_wait3A_94] : memref<160000x128xf32, #tpu.memory_space<hbm>> -> memref<200x128xf32, #tpu.memory_space<hbm>>
        %dma_wait3A_96 = arith.constant 0 : i32
        %dma_wait3A_97 = tpu.memref_slice %arg4[%add3A_89, %dma_wait3A_96] : memref<160000x128xf32, #tpu.memory_space<hbm>> -> memref<200x128xf32, #tpu.memory_space<hbm>>
        tpu.wait_dma2 semaphore(%run_scoped3A : memref<!tpu.dma_semaphore, #tpu.memory_space<semaphore_mem>>) src(%arg6 : memref<200x128xf32, #tpu.memory_space<vmem>>) dst(%dma_wait3A_97 : memref<200x128xf32, #tpu.memory_space<hbm>>)
        tpu.yield
      }) : () -> ()
    }
    %scan3A_7 = arith.constant 25 : i32
    return
  }
}

#map = affine_map<(d0, d1) -> (0, 0)>
#map1 = affine_map<(d0, d1) -> (0)>
module attributes {stable_mosaic.version = 14 : i64} {
  func.func @gk(%arg0: i32, %arg1: i32, %arg2: memref<10000x256xf32, #tpu.memory_space<hbm>>, %arg3: memref<160000xi32, #tpu.memory_space<hbm>>, %arg4: memref<160000x256xf32, #tpu.memory_space<hbm>>, %arg5: memref<5000xi32, #tpu.memory_space<vmem>>, %arg6: memref<200x256xf32, #tpu.memory_space<vmem>>, %arg7: memref<!tpu.dma_semaphore, #tpu.memory_space<semaphore_mem>>) attributes {dimension_semantics = [#tpu.dimension_semantics<core_parallel>, #tpu.dimension_semantics<subcore_parallel>], iteration_bounds = array<i64: 2, 16>, scalar_prefetch = 0 : i64, scratch_operands = 3 : i64, tpu.core_type = #tpu.core_type<sc_vector_subcore>, window_params = [{transform_indices = #map}, {transform_indices = #map1}, {transform_indices = #map}]} {
    %mul3A = arith.constant 2 : i32
    %mul3A_0 = arith.muli %arg1, %mul3A : i32
    %add3A = arith.addi %mul3A_0, %arg0 : i32
    %mul3A_1 = arith.constant 5000 : i32
    %mul3A_2 = arith.muli %add3A, %mul3A_1 : i32
    "tpu.region"() ({
      %run_scoped3A = tpu.sem_alloc : memref<!tpu.dma_semaphore, #tpu.memory_space<semaphore_mem>>
      %dma_start3A = tpu.memref_slice %arg3[%mul3A_2] : memref<160000xi32, #tpu.memory_space<hbm>> -> memref<5000xi32, #tpu.memory_space<hbm>>
      %dma_start3A_8 = tpu.memref_slice %arg3[%mul3A_2] : memref<160000xi32, #tpu.memory_space<hbm>> -> memref<5000xi32, #tpu.memory_space<hbm>>
      tpu.enqueue_dma source(%dma_start3A_8 : memref<5000xi32, #tpu.memory_space<hbm>>) target(%arg5 : memref<5000xi32, #tpu.memory_space<vmem>>) target_semaphore(%run_scoped3A : memref<!tpu.dma_semaphore, #tpu.memory_space<semaphore_mem>>)
      %dma_wait3A = tpu.memref_slice %arg3[%mul3A_2] : memref<160000xi32, #tpu.memory_space<hbm>> -> memref<5000xi32, #tpu.memory_space<hbm>>
      %dma_wait3A_9 = tpu.memref_slice %arg3[%mul3A_2] : memref<160000xi32, #tpu.memory_space<hbm>> -> memref<5000xi32, #tpu.memory_space<hbm>>
      tpu.wait_dma2 semaphore(%run_scoped3A : memref<!tpu.dma_semaphore, #tpu.memory_space<semaphore_mem>>) src(%dma_wait3A_9 : memref<5000xi32, #tpu.memory_space<hbm>>) dst(%arg5 : memref<5000xi32, #tpu.memory_space<vmem>>)
      tpu.yield
    }) : () -> ()
    %scan3A = arith.constant 0 : i32
    %scan3A_3 = arith.constant 0 : i32
    %scan3A_4 = arith.constant 25 : i32
    %scan3A_5 = arith.addi %scan3A_3, %scan3A_4 : i32
    %scan3A_6 = arith.constant 1 : i32
    scf.for %scan3A_8 = %scan3A_3 to %scan3A_5 step %scan3A_6  : i32 {
      %mul3A_9 = arith.constant 200 : i32
      %mul3A_10 = arith.muli %scan3A_8, %mul3A_9 : i32
      %add3A_11 = arith.constant 0 : i32
      %add3A_12 = arith.addi %mul3A_10, %add3A_11 : i32
      %dma_start3A = arith.constant 0 : i32
      %dma_start3A_13 = arith.constant 0 : i32
      %dma_start3A_14 = tpu.memref_slice %arg6[%dma_start3A, %dma_start3A_13] : memref<200x256xf32, #tpu.memory_space<vmem>> -> memref<40x256xf32, #tpu.memory_space<vmem>>
      %dma_start3A_15 = tpu.memref_slice %arg5[%add3A_12] : memref<5000xi32, #tpu.memory_space<vmem>> -> memref<40xi32, #tpu.memory_space<vmem>>
      %dma_start3A_16 = arith.constant 0 : i32
      %dma_start3A_17 = arith.constant 0 : i32
      %dma_start3A_18 = tpu.memref_slice %arg2[%dma_start3A_16, %dma_start3A_17] : memref<10000x256xf32, #tpu.memory_space<hbm>> -> memref<10000x256xf32, #tpu.memory_space<hbm>>
      tpu.enqueue_indirect_dma source(%dma_start3A_18 : memref<10000x256xf32, #tpu.memory_space<hbm>>) target(%dma_start3A_14 : memref<40x256xf32, #tpu.memory_space<vmem>>) offsets(%dma_start3A_15 : memref<40xi32, #tpu.memory_space<vmem>>) semaphore(%arg7 : memref<!tpu.dma_semaphore, #tpu.memory_space<semaphore_mem>>)
      %add3A_19 = arith.constant 40 : i32
      %add3A_20 = arith.addi %mul3A_10, %add3A_19 : i32
      %dma_start3A_21 = arith.constant 40 : i32
      %dma_start3A_22 = arith.constant 0 : i32
      %dma_start3A_23 = tpu.memref_slice %arg6[%dma_start3A_21, %dma_start3A_22] : memref<200x256xf32, #tpu.memory_space<vmem>> -> memref<40x256xf32, #tpu.memory_space<vmem>>
      %dma_start3A_24 = tpu.memref_slice %arg5[%add3A_20] : memref<5000xi32, #tpu.memory_space<vmem>> -> memref<40xi32, #tpu.memory_space<vmem>>
      %dma_start3A_25 = arith.constant 0 : i32
      %dma_start3A_26 = arith.constant 0 : i32
      %dma_start3A_27 = tpu.memref_slice %arg2[%dma_start3A_25, %dma_start3A_26] : memref<10000x256xf32, #tpu.memory_space<hbm>> -> memref<10000x256xf32, #tpu.memory_space<hbm>>
      tpu.enqueue_indirect_dma source(%dma_start3A_27 : memref<10000x256xf32, #tpu.memory_space<hbm>>) target(%dma_start3A_23 : memref<40x256xf32, #tpu.memory_space<vmem>>) offsets(%dma_start3A_24 : memref<40xi32, #tpu.memory_space<vmem>>) semaphore(%arg7 : memref<!tpu.dma_semaphore, #tpu.memory_space<semaphore_mem>>)
      %add3A_28 = arith.constant 80 : i32
      %add3A_29 = arith.addi %mul3A_10, %add3A_28 : i32
      %dma_start3A_30 = arith.constant 80 : i32
      %dma_start3A_31 = arith.constant 0 : i32
      %dma_start3A_32 = tpu.memref_slice %arg6[%dma_start3A_30, %dma_start3A_31] : memref<200x256xf32, #tpu.memory_space<vmem>> -> memref<40x256xf32, #tpu.memory_space<vmem>>
      %dma_start3A_33 = tpu.memref_slice %arg5[%add3A_29] : memref<5000xi32, #tpu.memory_space<vmem>> -> memref<40xi32, #tpu.memory_space<vmem>>
      %dma_start3A_34 = arith.constant 0 : i32
      %dma_start3A_35 = arith.constant 0 : i32
      %dma_start3A_36 = tpu.memref_slice %arg2[%dma_start3A_34, %dma_start3A_35] : memref<10000x256xf32, #tpu.memory_space<hbm>> -> memref<10000x256xf32, #tpu.memory_space<hbm>>
      tpu.enqueue_indirect_dma source(%dma_start3A_36 : memref<10000x256xf32, #tpu.memory_space<hbm>>) target(%dma_start3A_32 : memref<40x256xf32, #tpu.memory_space<vmem>>) offsets(%dma_start3A_33 : memref<40xi32, #tpu.memory_space<vmem>>) semaphore(%arg7 : memref<!tpu.dma_semaphore, #tpu.memory_space<semaphore_mem>>)
      %add3A_37 = arith.constant 120 : i32
      %add3A_38 = arith.addi %mul3A_10, %add3A_37 : i32
      %dma_start3A_39 = arith.constant 120 : i32
      %dma_start3A_40 = arith.constant 0 : i32
      %dma_start3A_41 = tpu.memref_slice %arg6[%dma_start3A_39, %dma_start3A_40] : memref<200x256xf32, #tpu.memory_space<vmem>> -> memref<40x256xf32, #tpu.memory_space<vmem>>
      %dma_start3A_42 = tpu.memref_slice %arg5[%add3A_38] : memref<5000xi32, #tpu.memory_space<vmem>> -> memref<40xi32, #tpu.memory_space<vmem>>
      %dma_start3A_43 = arith.constant 0 : i32
      %dma_start3A_44 = arith.constant 0 : i32
      %dma_start3A_45 = tpu.memref_slice %arg2[%dma_start3A_43, %dma_start3A_44] : memref<10000x256xf32, #tpu.memory_space<hbm>> -> memref<10000x256xf32, #tpu.memory_space<hbm>>
      tpu.enqueue_indirect_dma source(%dma_start3A_45 : memref<10000x256xf32, #tpu.memory_space<hbm>>) target(%dma_start3A_41 : memref<40x256xf32, #tpu.memory_space<vmem>>) offsets(%dma_start3A_42 : memref<40xi32, #tpu.memory_space<vmem>>) semaphore(%arg7 : memref<!tpu.dma_semaphore, #tpu.memory_space<semaphore_mem>>)
      %add3A_46 = arith.constant 160 : i32
      %add3A_47 = arith.addi %mul3A_10, %add3A_46 : i32
      %dma_start3A_48 = arith.constant 160 : i32
      %dma_start3A_49 = arith.constant 0 : i32
      %dma_start3A_50 = tpu.memref_slice %arg6[%dma_start3A_48, %dma_start3A_49] : memref<200x256xf32, #tpu.memory_space<vmem>> -> memref<40x256xf32, #tpu.memory_space<vmem>>
      %dma_start3A_51 = tpu.memref_slice %arg5[%add3A_47] : memref<5000xi32, #tpu.memory_space<vmem>> -> memref<40xi32, #tpu.memory_space<vmem>>
      %dma_start3A_52 = arith.constant 0 : i32
      %dma_start3A_53 = arith.constant 0 : i32
      %dma_start3A_54 = tpu.memref_slice %arg2[%dma_start3A_52, %dma_start3A_53] : memref<10000x256xf32, #tpu.memory_space<hbm>> -> memref<10000x256xf32, #tpu.memory_space<hbm>>
      tpu.enqueue_indirect_dma source(%dma_start3A_54 : memref<10000x256xf32, #tpu.memory_space<hbm>>) target(%dma_start3A_50 : memref<40x256xf32, #tpu.memory_space<vmem>>) offsets(%dma_start3A_51 : memref<40xi32, #tpu.memory_space<vmem>>) semaphore(%arg7 : memref<!tpu.dma_semaphore, #tpu.memory_space<semaphore_mem>>)
      %dma_wait3A = arith.constant 0 : i32
      %dma_wait3A_55 = arith.constant 0 : i32
      %dma_wait3A_56 = tpu.memref_slice %arg6[%dma_wait3A, %dma_wait3A_55] : memref<200x256xf32, #tpu.memory_space<vmem>> -> memref<40x256xf32, #tpu.memory_space<vmem>>
      %dma_wait3A_57 = tpu.memref_slice %arg5[%add3A_12] : memref<5000xi32, #tpu.memory_space<vmem>> -> memref<40xi32, #tpu.memory_space<vmem>>
      %dma_wait3A_58 = arith.constant 0 : i32
      %dma_wait3A_59 = arith.constant 0 : i32
      %dma_wait3A_60 = tpu.memref_slice %arg2[%dma_wait3A_58, %dma_wait3A_59] : memref<10000x256xf32, #tpu.memory_space<hbm>> -> memref<10000x256xf32, #tpu.memory_space<hbm>>
      tpu.wait_indirect_dma semaphore(%arg7 : memref<!tpu.dma_semaphore, #tpu.memory_space<semaphore_mem>>) src(%dma_wait3A_60 : memref<10000x256xf32, #tpu.memory_space<hbm>>) dst(%dma_wait3A_56 : memref<40x256xf32, #tpu.memory_space<vmem>>)
      %dma_wait3A_61 = arith.constant 40 : i32
      %dma_wait3A_62 = arith.constant 0 : i32
      %dma_wait3A_63 = tpu.memref_slice %arg6[%dma_wait3A_61, %dma_wait3A_62] : memref<200x256xf32, #tpu.memory_space<vmem>> -> memref<40x256xf32, #tpu.memory_space<vmem>>
      %dma_wait3A_64 = tpu.memref_slice %arg5[%add3A_20] : memref<5000xi32, #tpu.memory_space<vmem>> -> memref<40xi32, #tpu.memory_space<vmem>>
      %dma_wait3A_65 = arith.constant 0 : i32
      %dma_wait3A_66 = arith.constant 0 : i32
      %dma_wait3A_67 = tpu.memref_slice %arg2[%dma_wait3A_65, %dma_wait3A_66] : memref<10000x256xf32, #tpu.memory_space<hbm>> -> memref<10000x256xf32, #tpu.memory_space<hbm>>
      tpu.wait_indirect_dma semaphore(%arg7 : memref<!tpu.dma_semaphore, #tpu.memory_space<semaphore_mem>>) src(%dma_wait3A_67 : memref<10000x256xf32, #tpu.memory_space<hbm>>) dst(%dma_wait3A_63 : memref<40x256xf32, #tpu.memory_space<vmem>>)
      %dma_wait3A_68 = arith.constant 80 : i32
      %dma_wait3A_69 = arith.constant 0 : i32
      %dma_wait3A_70 = tpu.memref_slice %arg6[%dma_wait3A_68, %dma_wait3A_69] : memref<200x256xf32, #tpu.memory_space<vmem>> -> memref<40x256xf32, #tpu.memory_space<vmem>>
      %dma_wait3A_71 = tpu.memref_slice %arg5[%add3A_29] : memref<5000xi32, #tpu.memory_space<vmem>> -> memref<40xi32, #tpu.memory_space<vmem>>
      %dma_wait3A_72 = arith.constant 0 : i32
      %dma_wait3A_73 = arith.constant 0 : i32
      %dma_wait3A_74 = tpu.memref_slice %arg2[%dma_wait3A_72, %dma_wait3A_73] : memref<10000x256xf32, #tpu.memory_space<hbm>> -> memref<10000x256xf32, #tpu.memory_space<hbm>>
      tpu.wait_indirect_dma semaphore(%arg7 : memref<!tpu.dma_semaphore, #tpu.memory_space<semaphore_mem>>) src(%dma_wait3A_74 : memref<10000x256xf32, #tpu.memory_space<hbm>>) dst(%dma_wait3A_70 : memref<40x256xf32, #tpu.memory_space<vmem>>)
      %dma_wait3A_75 = arith.constant 120 : i32
      %dma_wait3A_76 = arith.constant 0 : i32
      %dma_wait3A_77 = tpu.memref_slice %arg6[%dma_wait3A_75, %dma_wait3A_76] : memref<200x256xf32, #tpu.memory_space<vmem>> -> memref<40x256xf32, #tpu.memory_space<vmem>>
      %dma_wait3A_78 = tpu.memref_slice %arg5[%add3A_38] : memref<5000xi32, #tpu.memory_space<vmem>> -> memref<40xi32, #tpu.memory_space<vmem>>
      %dma_wait3A_79 = arith.constant 0 : i32
      %dma_wait3A_80 = arith.constant 0 : i32
      %dma_wait3A_81 = tpu.memref_slice %arg2[%dma_wait3A_79, %dma_wait3A_80] : memref<10000x256xf32, #tpu.memory_space<hbm>> -> memref<10000x256xf32, #tpu.memory_space<hbm>>
      tpu.wait_indirect_dma semaphore(%arg7 : memref<!tpu.dma_semaphore, #tpu.memory_space<semaphore_mem>>) src(%dma_wait3A_81 : memref<10000x256xf32, #tpu.memory_space<hbm>>) dst(%dma_wait3A_77 : memref<40x256xf32, #tpu.memory_space<vmem>>)
      %dma_wait3A_82 = arith.constant 160 : i32
      %dma_wait3A_83 = arith.constant 0 : i32
      %dma_wait3A_84 = tpu.memref_slice %arg6[%dma_wait3A_82, %dma_wait3A_83] : memref<200x256xf32, #tpu.memory_space<vmem>> -> memref<40x256xf32, #tpu.memory_space<vmem>>
      %dma_wait3A_85 = tpu.memref_slice %arg5[%add3A_47] : memref<5000xi32, #tpu.memory_space<vmem>> -> memref<40xi32, #tpu.memory_space<vmem>>
      %dma_wait3A_86 = arith.constant 0 : i32
      %dma_wait3A_87 = arith.constant 0 : i32
      %dma_wait3A_88 = tpu.memref_slice %arg2[%dma_wait3A_86, %dma_wait3A_87] : memref<10000x256xf32, #tpu.memory_space<hbm>> -> memref<10000x256xf32, #tpu.memory_space<hbm>>
      tpu.wait_indirect_dma semaphore(%arg7 : memref<!tpu.dma_semaphore, #tpu.memory_space<semaphore_mem>>) src(%dma_wait3A_88 : memref<10000x256xf32, #tpu.memory_space<hbm>>) dst(%dma_wait3A_84 : memref<40x256xf32, #tpu.memory_space<vmem>>)
      %add3A_89 = arith.addi %mul3A_2, %mul3A_10 : i32
      "tpu.region"() ({
        %run_scoped3A = tpu.sem_alloc : memref<!tpu.dma_semaphore, #tpu.memory_space<semaphore_mem>>
        %dma_start3A_90 = arith.constant 0 : i32
        %dma_start3A_91 = tpu.memref_slice %arg4[%add3A_89, %dma_start3A_90] : memref<160000x256xf32, #tpu.memory_space<hbm>> -> memref<200x256xf32, #tpu.memory_space<hbm>>
        %dma_start3A_92 = arith.constant 0 : i32
        %dma_start3A_93 = tpu.memref_slice %arg4[%add3A_89, %dma_start3A_92] : memref<160000x256xf32, #tpu.memory_space<hbm>> -> memref<200x256xf32, #tpu.memory_space<hbm>>
        tpu.enqueue_dma source(%arg6 : memref<200x256xf32, #tpu.memory_space<vmem>>) target(%dma_start3A_93 : memref<200x256xf32, #tpu.memory_space<hbm>>) target_semaphore(%run_scoped3A : memref<!tpu.dma_semaphore, #tpu.memory_space<semaphore_mem>>)
        %dma_wait3A_94 = arith.constant 0 : i32
        %dma_wait3A_95 = tpu.memref_slice %arg4[%add3A_89, %dma_wait3A_94] : memref<160000x256xf32, #tpu.memory_space<hbm>> -> memref<200x256xf32, #tpu.memory_space<hbm>>
        %dma_wait3A_96 = arith.constant 0 : i32
        %dma_wait3A_97 = tpu.memref_slice %arg4[%add3A_89, %dma_wait3A_96] : memref<160000x256xf32, #tpu.memory_space<hbm>> -> memref<200x256xf32, #tpu.memory_space<hbm>>
        tpu.wait_dma2 semaphore(%run_scoped3A : memref<!tpu.dma_semaphore, #tpu.memory_space<semaphore_mem>>) src(%arg6 : memref<200x256xf32, #tpu.memory_space<vmem>>) dst(%dma_wait3A_97 : memref<200x256xf32, #tpu.memory_space<hbm>>)
        tpu.yield
      }) : () -> ()
    }
    %scan3A_7 = arith.constant 25 : i32
    return
  }
}

#map = affine_map<(d0, d1) -> (0, 0)>
#map1 = affine_map<(d0, d1) -> (0)>
module attributes {stable_mosaic.version = 14 : i64} {
  func.func @gk(%arg0: i32, %arg1: i32, %arg2: memref<10000x128xf32, #tpu.memory_space<hbm>>, %arg3: memref<160000xi32, #tpu.memory_space<hbm>>, %arg4: memref<160000x128xf32, #tpu.memory_space<hbm>>, %arg5: memref<5000xi32, #tpu.memory_space<vmem>>, %arg6: memref<200x128xf32, #tpu.memory_space<vmem>>, %arg7: memref<!tpu.dma_semaphore, #tpu.memory_space<semaphore_mem>>) attributes {dimension_semantics = [#tpu.dimension_semantics<core_parallel>, #tpu.dimension_semantics<subcore_parallel>], iteration_bounds = array<i64: 2, 16>, scalar_prefetch = 0 : i64, scratch_operands = 3 : i64, tpu.core_type = #tpu.core_type<sc_vector_subcore>, window_params = [{transform_indices = #map}, {transform_indices = #map1}, {transform_indices = #map}]} {
    %mul3A = arith.constant 2 : i32
    %mul3A_0 = arith.muli %arg1, %mul3A : i32
    %add3A = arith.addi %mul3A_0, %arg0 : i32
    %mul3A_1 = arith.constant 5000 : i32
    %mul3A_2 = arith.muli %add3A, %mul3A_1 : i32
    "tpu.region"() ({
      %run_scoped3A = tpu.sem_alloc : memref<!tpu.dma_semaphore, #tpu.memory_space<semaphore_mem>>
      %dma_start3A = tpu.memref_slice %arg3[%mul3A_2] : memref<160000xi32, #tpu.memory_space<hbm>> -> memref<5000xi32, #tpu.memory_space<hbm>>
      %dma_start3A_8 = tpu.memref_slice %arg3[%mul3A_2] : memref<160000xi32, #tpu.memory_space<hbm>> -> memref<5000xi32, #tpu.memory_space<hbm>>
      tpu.enqueue_dma source(%dma_start3A_8 : memref<5000xi32, #tpu.memory_space<hbm>>) target(%arg5 : memref<5000xi32, #tpu.memory_space<vmem>>) target_semaphore(%run_scoped3A : memref<!tpu.dma_semaphore, #tpu.memory_space<semaphore_mem>>)
      %dma_wait3A = tpu.memref_slice %arg3[%mul3A_2] : memref<160000xi32, #tpu.memory_space<hbm>> -> memref<5000xi32, #tpu.memory_space<hbm>>
      %dma_wait3A_9 = tpu.memref_slice %arg3[%mul3A_2] : memref<160000xi32, #tpu.memory_space<hbm>> -> memref<5000xi32, #tpu.memory_space<hbm>>
      tpu.wait_dma2 semaphore(%run_scoped3A : memref<!tpu.dma_semaphore, #tpu.memory_space<semaphore_mem>>) src(%dma_wait3A_9 : memref<5000xi32, #tpu.memory_space<hbm>>) dst(%arg5 : memref<5000xi32, #tpu.memory_space<vmem>>)
      tpu.yield
    }) : () -> ()
    %scan3A = arith.constant 0 : i32
    %scan3A_3 = arith.constant 0 : i32
    %scan3A_4 = arith.constant 25 : i32
    %scan3A_5 = arith.addi %scan3A_3, %scan3A_4 : i32
    %scan3A_6 = arith.constant 1 : i32
    scf.for %scan3A_8 = %scan3A_3 to %scan3A_5 step %scan3A_6  : i32 {
      %mul3A_9 = arith.constant 200 : i32
      %mul3A_10 = arith.muli %scan3A_8, %mul3A_9 : i32
      %add3A_11 = arith.constant 0 : i32
      %add3A_12 = arith.addi %mul3A_10, %add3A_11 : i32
      %dma_start3A = arith.constant 0 : i32
      %dma_start3A_13 = arith.constant 0 : i32
      %dma_start3A_14 = tpu.memref_slice %arg6[%dma_start3A, %dma_start3A_13] : memref<200x128xf32, #tpu.memory_space<vmem>> -> memref<40x128xf32, #tpu.memory_space<vmem>>
      %dma_start3A_15 = tpu.memref_slice %arg5[%add3A_12] : memref<5000xi32, #tpu.memory_space<vmem>> -> memref<40xi32, #tpu.memory_space<vmem>>
      %dma_start3A_16 = arith.constant 0 : i32
      %dma_start3A_17 = arith.constant 0 : i32
      %dma_start3A_18 = tpu.memref_slice %arg2[%dma_start3A_16, %dma_start3A_17] : memref<10000x128xf32, #tpu.memory_space<hbm>> -> memref<10000x128xf32, #tpu.memory_space<hbm>>
      tpu.enqueue_indirect_dma source(%dma_start3A_18 : memref<10000x128xf32, #tpu.memory_space<hbm>>) target(%dma_start3A_14 : memref<40x128xf32, #tpu.memory_space<vmem>>) offsets(%dma_start3A_15 : memref<40xi32, #tpu.memory_space<vmem>>) semaphore(%arg7 : memref<!tpu.dma_semaphore, #tpu.memory_space<semaphore_mem>>)
      %add3A_19 = arith.constant 40 : i32
      %add3A_20 = arith.addi %mul3A_10, %add3A_19 : i32
      %dma_start3A_21 = arith.constant 40 : i32
      %dma_start3A_22 = arith.constant 0 : i32
      %dma_start3A_23 = tpu.memref_slice %arg6[%dma_start3A_21, %dma_start3A_22] : memref<200x128xf32, #tpu.memory_space<vmem>> -> memref<40x128xf32, #tpu.memory_space<vmem>>
      %dma_start3A_24 = tpu.memref_slice %arg5[%add3A_20] : memref<5000xi32, #tpu.memory_space<vmem>> -> memref<40xi32, #tpu.memory_space<vmem>>
      %dma_start3A_25 = arith.constant 0 : i32
      %dma_start3A_26 = arith.constant 0 : i32
      %dma_start3A_27 = tpu.memref_slice %arg2[%dma_start3A_25, %dma_start3A_26] : memref<10000x128xf32, #tpu.memory_space<hbm>> -> memref<10000x128xf32, #tpu.memory_space<hbm>>
      tpu.enqueue_indirect_dma source(%dma_start3A_27 : memref<10000x128xf32, #tpu.memory_space<hbm>>) target(%dma_start3A_23 : memref<40x128xf32, #tpu.memory_space<vmem>>) offsets(%dma_start3A_24 : memref<40xi32, #tpu.memory_space<vmem>>) semaphore(%arg7 : memref<!tpu.dma_semaphore, #tpu.memory_space<semaphore_mem>>)
      %add3A_28 = arith.constant 80 : i32
      %add3A_29 = arith.addi %mul3A_10, %add3A_28 : i32
      %dma_start3A_30 = arith.constant 80 : i32
      %dma_start3A_31 = arith.constant 0 : i32
      %dma_start3A_32 = tpu.memref_slice %arg6[%dma_start3A_30, %dma_start3A_31] : memref<200x128xf32, #tpu.memory_space<vmem>> -> memref<40x128xf32, #tpu.memory_space<vmem>>
      %dma_start3A_33 = tpu.memref_slice %arg5[%add3A_29] : memref<5000xi32, #tpu.memory_space<vmem>> -> memref<40xi32, #tpu.memory_space<vmem>>
      %dma_start3A_34 = arith.constant 0 : i32
      %dma_start3A_35 = arith.constant 0 : i32
      %dma_start3A_36 = tpu.memref_slice %arg2[%dma_start3A_34, %dma_start3A_35] : memref<10000x128xf32, #tpu.memory_space<hbm>> -> memref<10000x128xf32, #tpu.memory_space<hbm>>
      tpu.enqueue_indirect_dma source(%dma_start3A_36 : memref<10000x128xf32, #tpu.memory_space<hbm>>) target(%dma_start3A_32 : memref<40x128xf32, #tpu.memory_space<vmem>>) offsets(%dma_start3A_33 : memref<40xi32, #tpu.memory_space<vmem>>) semaphore(%arg7 : memref<!tpu.dma_semaphore, #tpu.memory_space<semaphore_mem>>)
      %add3A_37 = arith.constant 120 : i32
      %add3A_38 = arith.addi %mul3A_10, %add3A_37 : i32
      %dma_start3A_39 = arith.constant 120 : i32
      %dma_start3A_40 = arith.constant 0 : i32
      %dma_start3A_41 = tpu.memref_slice %arg6[%dma_start3A_39, %dma_start3A_40] : memref<200x128xf32, #tpu.memory_space<vmem>> -> memref<40x128xf32, #tpu.memory_space<vmem>>
      %dma_start3A_42 = tpu.memref_slice %arg5[%add3A_38] : memref<5000xi32, #tpu.memory_space<vmem>> -> memref<40xi32, #tpu.memory_space<vmem>>
      %dma_start3A_43 = arith.constant 0 : i32
      %dma_start3A_44 = arith.constant 0 : i32
      %dma_start3A_45 = tpu.memref_slice %arg2[%dma_start3A_43, %dma_start3A_44] : memref<10000x128xf32, #tpu.memory_space<hbm>> -> memref<10000x128xf32, #tpu.memory_space<hbm>>
      tpu.enqueue_indirect_dma source(%dma_start3A_45 : memref<10000x128xf32, #tpu.memory_space<hbm>>) target(%dma_start3A_41 : memref<40x128xf32, #tpu.memory_space<vmem>>) offsets(%dma_start3A_42 : memref<40xi32, #tpu.memory_space<vmem>>) semaphore(%arg7 : memref<!tpu.dma_semaphore, #tpu.memory_space<semaphore_mem>>)
      %add3A_46 = arith.constant 160 : i32
      %add3A_47 = arith.addi %mul3A_10, %add3A_46 : i32
      %dma_start3A_48 = arith.constant 160 : i32
      %dma_start3A_49 = arith.constant 0 : i32
      %dma_start3A_50 = tpu.memref_slice %arg6[%dma_start3A_48, %dma_start3A_49] : memref<200x128xf32, #tpu.memory_space<vmem>> -> memref<40x128xf32, #tpu.memory_space<vmem>>
      %dma_start3A_51 = tpu.memref_slice %arg5[%add3A_47] : memref<5000xi32, #tpu.memory_space<vmem>> -> memref<40xi32, #tpu.memory_space<vmem>>
      %dma_start3A_52 = arith.constant 0 : i32
      %dma_start3A_53 = arith.constant 0 : i32
      %dma_start3A_54 = tpu.memref_slice %arg2[%dma_start3A_52, %dma_start3A_53] : memref<10000x128xf32, #tpu.memory_space<hbm>> -> memref<10000x128xf32, #tpu.memory_space<hbm>>
      tpu.enqueue_indirect_dma source(%dma_start3A_54 : memref<10000x128xf32, #tpu.memory_space<hbm>>) target(%dma_start3A_50 : memref<40x128xf32, #tpu.memory_space<vmem>>) offsets(%dma_start3A_51 : memref<40xi32, #tpu.memory_space<vmem>>) semaphore(%arg7 : memref<!tpu.dma_semaphore, #tpu.memory_space<semaphore_mem>>)
      %dma_wait3A = arith.constant 0 : i32
      %dma_wait3A_55 = arith.constant 0 : i32
      %dma_wait3A_56 = tpu.memref_slice %arg6[%dma_wait3A, %dma_wait3A_55] : memref<200x128xf32, #tpu.memory_space<vmem>> -> memref<40x128xf32, #tpu.memory_space<vmem>>
      %dma_wait3A_57 = tpu.memref_slice %arg5[%add3A_12] : memref<5000xi32, #tpu.memory_space<vmem>> -> memref<40xi32, #tpu.memory_space<vmem>>
      %dma_wait3A_58 = arith.constant 0 : i32
      %dma_wait3A_59 = arith.constant 0 : i32
      %dma_wait3A_60 = tpu.memref_slice %arg2[%dma_wait3A_58, %dma_wait3A_59] : memref<10000x128xf32, #tpu.memory_space<hbm>> -> memref<10000x128xf32, #tpu.memory_space<hbm>>
      tpu.wait_indirect_dma semaphore(%arg7 : memref<!tpu.dma_semaphore, #tpu.memory_space<semaphore_mem>>) src(%dma_wait3A_60 : memref<10000x128xf32, #tpu.memory_space<hbm>>) dst(%dma_wait3A_56 : memref<40x128xf32, #tpu.memory_space<vmem>>)
      %dma_wait3A_61 = arith.constant 40 : i32
      %dma_wait3A_62 = arith.constant 0 : i32
      %dma_wait3A_63 = tpu.memref_slice %arg6[%dma_wait3A_61, %dma_wait3A_62] : memref<200x128xf32, #tpu.memory_space<vmem>> -> memref<40x128xf32, #tpu.memory_space<vmem>>
      %dma_wait3A_64 = tpu.memref_slice %arg5[%add3A_20] : memref<5000xi32, #tpu.memory_space<vmem>> -> memref<40xi32, #tpu.memory_space<vmem>>
      %dma_wait3A_65 = arith.constant 0 : i32
      %dma_wait3A_66 = arith.constant 0 : i32
      %dma_wait3A_67 = tpu.memref_slice %arg2[%dma_wait3A_65, %dma_wait3A_66] : memref<10000x128xf32, #tpu.memory_space<hbm>> -> memref<10000x128xf32, #tpu.memory_space<hbm>>
      tpu.wait_indirect_dma semaphore(%arg7 : memref<!tpu.dma_semaphore, #tpu.memory_space<semaphore_mem>>) src(%dma_wait3A_67 : memref<10000x128xf32, #tpu.memory_space<hbm>>) dst(%dma_wait3A_63 : memref<40x128xf32, #tpu.memory_space<vmem>>)
      %dma_wait3A_68 = arith.constant 80 : i32
      %dma_wait3A_69 = arith.constant 0 : i32
      %dma_wait3A_70 = tpu.memref_slice %arg6[%dma_wait3A_68, %dma_wait3A_69] : memref<200x128xf32, #tpu.memory_space<vmem>> -> memref<40x128xf32, #tpu.memory_space<vmem>>
      %dma_wait3A_71 = tpu.memref_slice %arg5[%add3A_29] : memref<5000xi32, #tpu.memory_space<vmem>> -> memref<40xi32, #tpu.memory_space<vmem>>
      %dma_wait3A_72 = arith.constant 0 : i32
      %dma_wait3A_73 = arith.constant 0 : i32
      %dma_wait3A_74 = tpu.memref_slice %arg2[%dma_wait3A_72, %dma_wait3A_73] : memref<10000x128xf32, #tpu.memory_space<hbm>> -> memref<10000x128xf32, #tpu.memory_space<hbm>>
      tpu.wait_indirect_dma semaphore(%arg7 : memref<!tpu.dma_semaphore, #tpu.memory_space<semaphore_mem>>) src(%dma_wait3A_74 : memref<10000x128xf32, #tpu.memory_space<hbm>>) dst(%dma_wait3A_70 : memref<40x128xf32, #tpu.memory_space<vmem>>)
      %dma_wait3A_75 = arith.constant 120 : i32
      %dma_wait3A_76 = arith.constant 0 : i32
      %dma_wait3A_77 = tpu.memref_slice %arg6[%dma_wait3A_75, %dma_wait3A_76] : memref<200x128xf32, #tpu.memory_space<vmem>> -> memref<40x128xf32, #tpu.memory_space<vmem>>
      %dma_wait3A_78 = tpu.memref_slice %arg5[%add3A_38] : memref<5000xi32, #tpu.memory_space<vmem>> -> memref<40xi32, #tpu.memory_space<vmem>>
      %dma_wait3A_79 = arith.constant 0 : i32
      %dma_wait3A_80 = arith.constant 0 : i32
      %dma_wait3A_81 = tpu.memref_slice %arg2[%dma_wait3A_79, %dma_wait3A_80] : memref<10000x128xf32, #tpu.memory_space<hbm>> -> memref<10000x128xf32, #tpu.memory_space<hbm>>
      tpu.wait_indirect_dma semaphore(%arg7 : memref<!tpu.dma_semaphore, #tpu.memory_space<semaphore_mem>>) src(%dma_wait3A_81 : memref<10000x128xf32, #tpu.memory_space<hbm>>) dst(%dma_wait3A_77 : memref<40x128xf32, #tpu.memory_space<vmem>>)
      %dma_wait3A_82 = arith.constant 160 : i32
      %dma_wait3A_83 = arith.constant 0 : i32
      %dma_wait3A_84 = tpu.memref_slice %arg6[%dma_wait3A_82, %dma_wait3A_83] : memref<200x128xf32, #tpu.memory_space<vmem>> -> memref<40x128xf32, #tpu.memory_space<vmem>>
      %dma_wait3A_85 = tpu.memref_slice %arg5[%add3A_47] : memref<5000xi32, #tpu.memory_space<vmem>> -> memref<40xi32, #tpu.memory_space<vmem>>
      %dma_wait3A_86 = arith.constant 0 : i32
      %dma_wait3A_87 = arith.constant 0 : i32
      %dma_wait3A_88 = tpu.memref_slice %arg2[%dma_wait3A_86, %dma_wait3A_87] : memref<10000x128xf32, #tpu.memory_space<hbm>> -> memref<10000x128xf32, #tpu.memory_space<hbm>>
      tpu.wait_indirect_dma semaphore(%arg7 : memref<!tpu.dma_semaphore, #tpu.memory_space<semaphore_mem>>) src(%dma_wait3A_88 : memref<10000x128xf32, #tpu.memory_space<hbm>>) dst(%dma_wait3A_84 : memref<40x128xf32, #tpu.memory_space<vmem>>)
      %add3A_89 = arith.addi %mul3A_2, %mul3A_10 : i32
      "tpu.region"() ({
        %run_scoped3A = tpu.sem_alloc : memref<!tpu.dma_semaphore, #tpu.memory_space<semaphore_mem>>
        %dma_start3A_90 = arith.constant 0 : i32
        %dma_start3A_91 = tpu.memref_slice %arg4[%add3A_89, %dma_start3A_90] : memref<160000x128xf32, #tpu.memory_space<hbm>> -> memref<200x128xf32, #tpu.memory_space<hbm>>
        %dma_start3A_92 = arith.constant 0 : i32
        %dma_start3A_93 = tpu.memref_slice %arg4[%add3A_89, %dma_start3A_92] : memref<160000x128xf32, #tpu.memory_space<hbm>> -> memref<200x128xf32, #tpu.memory_space<hbm>>
        tpu.enqueue_dma source(%arg6 : memref<200x128xf32, #tpu.memory_space<vmem>>) target(%dma_start3A_93 : memref<200x128xf32, #tpu.memory_space<hbm>>) target_semaphore(%run_scoped3A : memref<!tpu.dma_semaphore, #tpu.memory_space<semaphore_mem>>)
        %dma_wait3A_94 = arith.constant 0 : i32
        %dma_wait3A_95 = tpu.memref_slice %arg4[%add3A_89, %dma_wait3A_94] : memref<160000x128xf32, #tpu.memory_space<hbm>> -> memref<200x128xf32, #tpu.memory_space<hbm>>
        %dma_wait3A_96 = arith.constant 0 : i32
        %dma_wait3A_97 = tpu.memref_slice %arg4[%add3A_89, %dma_wait3A_96] : memref<160000x128xf32, #tpu.memory_space<hbm>> -> memref<200x128xf32, #tpu.memory_space<hbm>>
        tpu.wait_dma2 semaphore(%run_scoped3A : memref<!tpu.dma_semaphore, #tpu.memory_space<semaphore_mem>>) src(%arg6 : memref<200x128xf32, #tpu.memory_space<vmem>>) dst(%dma_wait3A_97 : memref<200x128xf32, #tpu.memory_space<hbm>>)
        tpu.yield
      }) : () -> ()
    }
    %scan3A_7 = arith.constant 25 : i32
    return
  }
}

module attributes {stable_mosaic.version = 14 : i64} {
  func.func @_p0_body(%arg0: i32, %arg1: memref<10000x1xi32, #tpu.memory_space<vmem>>, %arg2: memref<96x128xf32, #tpu.memory_space<vmem>>, %arg3: memref<128x128xf32, #tpu.memory_space<vmem>>, %arg4: memref<10000x128xf32, #tpu.memory_space<vmem>>, %arg5: memref<10000x128xf32, #tpu.memory_space<vmem>>, %arg6: memref<10000x256xf32, #tpu.memory_space<vmem>>) attributes {dimension_semantics = [#tpu.dimension_semantics<arbitrary>], iteration_bounds = array<i64: 1>, scalar_prefetch = 0 : i64, scratch_operands = 0 : i64, tpu.core_type = #tpu.core_type<tc>, window_params = [{pipeline_mode = #tpu.pipeline_mode<synchronous>, transform_indices = @transform_0, window_bounds = array<i64: 10000, 1>}, {pipeline_mode = #tpu.pipeline_mode<synchronous>, transform_indices = @transform_1, window_bounds = array<i64: 96, 128>}, {pipeline_mode = #tpu.pipeline_mode<synchronous>, transform_indices = @transform_2, window_bounds = array<i64: 128, 128>}, {pipeline_mode = #tpu.pipeline_mode<synchronous>, transform_indices = @transform_3, window_bounds = array<i64: 10000, 128>}, {pipeline_mode = #tpu.pipeline_mode<synchronous>, transform_indices = @transform_4, window_bounds = array<i64: 10000, 128>}, {pipeline_mode = #tpu.pipeline_mode<synchronous>, transform_indices = @transform_5, window_bounds = array<i64: 10000, 256>}]} {
    %get3A = arith.constant 0 : index
    %get3A_0 = arith.constant 0 : index
    %get3A_1 = vector.load %arg1[%get3A, %get3A_0] : memref<10000x1xi32, #tpu.memory_space<vmem>>, vector<10000x1xi32>
    %jit3A = arith.constant 83 : i32
    %eq3A = arith.constant 0 : i32
    %eq3A_2 = arith.cmpi eq, %jit3A, %eq3A : i32
    %jit3A_3 = arith.constant 1 : i32
    %select_n3A = arith.select %eq3A_2, %jit3A_3, %jit3A : i32
    %rem3A = vector.broadcast %select_n3A : i32 to vector<10000x1xi32>
    %rem3A_4 = arith.remsi %get3A_1, %rem3A : vector<10000x1xi32>
    %ne3A = arith.constant 0 : i32
    %ne3A_5 = vector.broadcast %ne3A : i32 to vector<10000x1xi32>
    %ne3A_6 = arith.cmpi ne, %rem3A_4, %ne3A_5 : vector<10000x1xi32>
    %lt3A = arith.constant 0 : i32
    %lt3A_7 = vector.broadcast %lt3A : i32 to vector<10000x1xi32>
    %lt3A_8 = arith.cmpi slt, %rem3A_4, %lt3A_7 : vector<10000x1xi32>
    %lt3A_9 = arith.constant 0 : i32
    %lt3A_10 = arith.cmpi slt, %select_n3A, %lt3A_9 : i32
    %ne3A_11 = vector.broadcast %lt3A_10 : i1 to vector<10000x1xi1>
    %ne3A_12 = vector.broadcast %ne3A_11 : vector<10000x1xi1> to vector<10000x1xi1>
    %ne3A_13 = arith.xori %lt3A_8, %ne3A_12 : vector<10000x1xi1>
    %and3A = arith.andi %ne3A_13, %ne3A_6 : vector<10000x1xi1>
    %add3A = vector.broadcast %select_n3A : i32 to vector<10000x1xi32>
    %add3A_14 = arith.addi %rem3A_4, %add3A : vector<10000x1xi32>
    %select_n3A_15 = arith.select %and3A, %add3A_14, %rem3A_4 : vector<10000x1xi1>, vector<10000x1xi32>
    %iota3A = tpu.iota {dimensions = array<i32: 1>} : vector<10000x96xi32>
    %eq3A_16 = vector.broadcast %select_n3A_15 : vector<10000x1xi32> to vector<10000x96xi32>
    %eq3A_17 = arith.cmpi eq, %eq3A_16, %iota3A : vector<10000x96xi32>
    %convert_element_type3A = arith.extui %eq3A_17 : vector<10000x96xi1> to vector<10000x96xi32>
    %convert_element_type3A_18 = arith.sitofp %convert_element_type3A : vector<10000x96xi32> to vector<10000x96xf32>
    %get3A_19 = arith.constant 0 : index
    %get3A_20 = arith.constant 0 : index
    %get3A_21 = vector.load %arg2[%get3A_19, %get3A_20] : memref<96x128xf32, #tpu.memory_space<vmem>>, vector<96x128xf32>
    %dot_general3A = arith.constant dense<0.000000e+00> : vector<10000x128xf32>
    %dot_general3A_22 = tpu.matmul %convert_element_type3A_18, %get3A_21, %dot_general3A {dimension_numbers = #tpu.dot_dimension_numbers<[1], [0], [0], [1], [0, 0, 1, 1], [], []>, transpose_lhs_hint = false} : vector<10000x96xf32>, vector<96x128xf32>, vector<10000x128xf32> -> vector<10000x128xf32>
    %swap3A = arith.constant 0 : index
    %swap3A_23 = arith.constant 0 : index
    %swap3A_24 = vector.load %arg5[%swap3A, %swap3A_23] : memref<10000x128xf32, #tpu.memory_space<vmem>>, vector<10000x128xf32>
    tpu.vector_store %arg5[%swap3A, %swap3A_23], %dot_general3A_22 {strides = array<i32>} : memref<10000x128xf32, #tpu.memory_space<vmem>>, vector<10000x128xf32>,
    %get3A_25 = arith.constant 0 : index
    %get3A_26 = arith.constant 0 : index
    %get3A_27 = vector.load %arg3[%get3A_25, %get3A_26] : memref<128x128xf32, #tpu.memory_space<vmem>>, vector<128x128xf32>
    %dot_general3A_28 = arith.constant dense<0.000000e+00> : vector<10000x128xf32>
    %dot_general3A_29 = tpu.matmul %dot_general3A_22, %get3A_27, %dot_general3A_28 {dimension_numbers = #tpu.dot_dimension_numbers<[1], [0], [0], [1], [0, 0, 1, 1], [], []>, transpose_lhs_hint = false} : vector<10000x128xf32>, vector<128x128xf32>, vector<10000x128xf32> -> vector<10000x128xf32>
    %get3A_30 = arith.constant 0 : index
    %get3A_31 = arith.constant 0 : index
    %get3A_32 = vector.load %arg4[%get3A_30, %get3A_31] : memref<10000x128xf32, #tpu.memory_space<vmem>>, vector<10000x128xf32>
    %concatenate3A = tpu.concatenate %dot_general3A_29, %get3A_32 in 1 : vector<10000x128xf32>, vector<10000x128xf32> -> vector<10000x256xf32>
    %swap3A_33 = arith.constant 0 : index
    %swap3A_34 = arith.constant 0 : index
    %swap3A_35 = vector.load %arg6[%swap3A_33, %swap3A_34] : memref<10000x256xf32, #tpu.memory_space<vmem>>, vector<10000x256xf32>
    tpu.vector_store %arg6[%swap3A_33, %swap3A_34], %concatenate3A {strides = array<i32>} : memref<10000x256xf32, #tpu.memory_space<vmem>>, vector<10000x256xf32>,
    return
  }
  func.func @transform_0(%arg0: i32) -> (i32, i32) {
    %c0_i32 = arith.constant 0 : i32
    %c0_i32_0 = arith.constant 0 : i32
    %c0_i32_1 = arith.constant 0 : i32
    return %c0_i32, %c0_i32_0 : i32, i32
  }
  func.func @transform_1(%arg0: i32) -> (i32, i32) {
    %c0_i32 = arith.constant 0 : i32
    %c0_i32_0 = arith.constant 0 : i32
    %c0_i32_1 = arith.constant 0 : i32
    return %c0_i32, %c0_i32_0 : i32, i32
  }
  func.func @transform_2(%arg0: i32) -> (i32, i32) {
    %c0_i32 = arith.constant 0 : i32
    %c0_i32_0 = arith.constant 0 : i32
    %c0_i32_1 = arith.constant 0 : i32
    return %c0_i32, %c0_i32_0 : i32, i32
  }
  func.func @transform_3(%arg0: i32) -> (i32, i32) {
    %c0_i32 = arith.constant 0 : i32
    %c0_i32_0 = arith.constant 0 : i32
    %c0_i32_1 = arith.constant 0 : i32
    return %c0_i32, %c0_i32_0 : i32, i32
  }
  func.func @transform_4(%arg0: i32) -> (i32, i32) {
    %c0_i32 = arith.constant 0 : i32
    %c0_i32_0 = arith.constant 0 : i32
    %c0_i32_1 = arith.constant 0 : i32
    return %c0_i32, %c0_i32_0 : i32, i32
  }
  func.func @transform_5(%arg0: i32) -> (i32, i32) {
    %c0_i32 = arith.constant 0 : i32
    %c0_i32_0 = arith.constant 0 : i32
    %c0_i32_1 = arith.constant 0 : i32
    return %c0_i32, %c0_i32_0 : i32, i32
  }
}

module attributes {stable_mosaic.version = 14 : i64} {
  func.func @_p2_body(%arg0: i32, %arg1: memref<3200x128xf32, #tpu.memory_space<vmem>>, %arg2: memref<3200x128xf32, #tpu.memory_space<vmem>>, %arg3: memref<3200x48xf32, #tpu.memory_space<vmem>>, %arg4: memref<3200x256xf32, #tpu.memory_space<vmem>>, %arg5: memref<200x128xf32, #tpu.memory_space<vmem>>, %arg6: memref<200x128xf32, #tpu.memory_space<vmem>>, %arg7: memref<128x128xbf16, #tpu.memory_space<vmem>>, %arg8: memref<128x128xbf16, #tpu.memory_space<vmem>>, %arg9: memref<16x128xf32, #tpu.memory_space<vmem>>, %arg10: memref<128x128xbf16, #tpu.memory_space<vmem>>, %arg11: memref<128x128xbf16, #tpu.memory_space<vmem>>, %arg12: memref<128x128xbf16, #tpu.memory_space<vmem>>, %arg13: memref<128x128xbf16, #tpu.memory_space<vmem>>, %arg14: memref<128x128xbf16, #tpu.memory_space<vmem>>, %arg15: memref<1x128xf32, #tpu.memory_space<vmem>>, %arg16: memref<128x128xbf16, #tpu.memory_space<vmem>>, %arg17: memref<16x128xf32, #tpu.memory_space<vmem>>, %arg18: memref<128x32xbf16, #tpu.memory_space<vmem>>, %arg19: memref<32x224xbf16, #tpu.memory_space<vmem>>, %arg20: memref<32x128xbf16, #tpu.memory_space<vmem>>, %arg21: memref<128x128xbf16, #tpu.memory_space<vmem>>, %arg22: memref<128x128xbf16, #tpu.memory_space<vmem>>, %arg23: memref<128x128xbf16, #tpu.memory_space<vmem>>, %arg24: memref<128x128xbf16, #tpu.memory_space<vmem>>, %arg25: memref<128x128xbf16, #tpu.memory_space<vmem>>, %arg26: memref<16x128xf32, #tpu.memory_space<vmem>>, %arg27: memref<128x128xbf16, #tpu.memory_space<vmem>>, %arg28: memref<128x128xbf16, #tpu.memory_space<vmem>>, %arg29: memref<128x128xbf16, #tpu.memory_space<vmem>>, %arg30: memref<128x128xbf16, #tpu.memory_space<vmem>>, %arg31: memref<128x128xbf16, #tpu.memory_space<vmem>>, %arg32: memref<128x128xbf16, #tpu.memory_space<vmem>>, %arg33: memref<128x128xbf16, #tpu.memory_space<vmem>>, %arg34: memref<1x128xf32, #tpu.memory_space<vmem>>, %arg35: memref<1x1xf32, #tpu.memory_space<vmem>>, %arg36: memref<200x128xf32, #tpu.memory_space<vmem>>, %arg37: memref<200x128xf32, #tpu.memory_space<vmem>>, %arg38: memref<3200x128xf32, #tpu.memory_space<vmem>>) attributes {dimension_semantics = [#tpu.dimension_semantics<arbitrary>], iteration_bounds = array<i64: 50>, scalar_prefetch = 0 : i64, scratch_operands = 0 : i64, tpu.core_type = #tpu.core_type<tc>, window_params = [{transform_indices = @transform_0, window_bounds = array<i64: 3200, 128>}, {transform_indices = @transform_1, window_bounds = array<i64: 3200, 128>}, {transform_indices = @transform_2, window_bounds = array<i64: 3200, 48>}, {transform_indices = @transform_3, window_bounds = array<i64: 3200, 256>}, {transform_indices = @transform_4, window_bounds = array<i64: 200, 128>}, {transform_indices = @transform_5, window_bounds = array<i64: 200, 128>}, {pipeline_mode = #tpu.pipeline_mode<synchronous>, transform_indices = @transform_6, window_bounds = array<i64: 128, 128>}, {pipeline_mode = #tpu.pipeline_mode<synchronous>, transform_indices = @transform_7, window_bounds = array<i64: 128, 128>}, {pipeline_mode = #tpu.pipeline_mode<synchronous>, transform_indices = @transform_8, window_bounds = array<i64: 16, 128>}, {pipeline_mode = #tpu.pipeline_mode<synchronous>, transform_indices = @transform_9, window_bounds = array<i64: 128, 128>}, {pipeline_mode = #tpu.pipeline_mode<synchronous>, transform_indices = @transform_10, window_bounds = array<i64: 128, 128>}, {pipeline_mode = #tpu.pipeline_mode<synchronous>, transform_indices = @transform_11, window_bounds = array<i64: 128, 128>}, {pipeline_mode = #tpu.pipeline_mode<synchronous>, transform_indices = @transform_12, window_bounds = array<i64: 128, 128>}, {pipeline_mode = #tpu.pipeline_mode<synchronous>, transform_indices = @transform_13, window_bounds = array<i64: 128, 128>}, {pipeline_mode = #tpu.pipeline_mode<synchronous>, transform_indices = @transform_14, window_bounds = array<i64: 1, 128>}, {pipeline_mode = #tpu.pipeline_mode<synchronous>, transform_indices = @transform_15, window_bounds = array<i64: 128, 128>}, {pipeline_mode = #tpu.pipeline_mode<synchronous>, transform_indices = @transform_16, window_bounds = array<i64: 16, 128>}, {pipeline_mode = #tpu.pipeline_mode<synchronous>, transform_indices = @transform_17, window_bounds = array<i64: 128, 32>}, {pipeline_mode = #tpu.pipeline_mode<synchronous>, transform_indices = @transform_18, window_bounds = array<i64: 32, 224>}, {pipeline_mode = #tpu.pipeline_mode<synchronous>, transform_indices = @transform_19, window_bounds = array<i64: 32, 128>}, {pipeline_mode = #tpu.pipeline_mode<synchronous>, transform_indices = @transform_20, window_bounds = array<i64: 128, 128>}, {pipeline_mode = #tpu.pipeline_mode<synchronous>, transform_indices = @transform_21, window_bounds = array<i64: 128, 128>}, {pipeline_mode = #tpu.pipeline_mode<synchronous>, transform_indices = @transform_22, window_bounds = array<i64: 128, 128>}, {pipeline_mode = #tpu.pipeline_mode<synchronous>, transform_indices = @transform_23, window_bounds = array<i64: 128, 128>}, {pipeline_mode = #tpu.pipeline_mode<synchronous>, transform_indices = @transform_24, window_bounds = array<i64: 128, 128>}, {pipeline_mode = #tpu.pipeline_mode<synchronous>, transform_indices = @transform_25, window_bounds = array<i64: 16, 128>}, {pipeline_mode = #tpu.pipeline_mode<synchronous>, transform_indices = @transform_26, window_bounds = array<i64: 128, 128>}, {pipeline_mode = #tpu.pipeline_mode<synchronous>, transform_indices = @transform_27, window_bounds = array<i64: 128, 128>}, {pipeline_mode = #tpu.pipeline_mode<synchronous>, transform_indices = @transform_28, window_bounds = array<i64: 128, 128>}, {pipeline_mode = #tpu.pipeline_mode<synchronous>, transform_indices = @transform_29, window_bounds = array<i64: 128, 128>}, {pipeline_mode = #tpu.pipeline_mode<synchronous>, transform_indices = @transform_30, window_bounds = array<i64: 128, 128>}, {pipeline_mode = #tpu.pipeline_mode<synchronous>, transform_indices = @transform_31, window_bounds = array<i64: 128, 128>}, {pipeline_mode = #tpu.pipeline_mode<synchronous>, transform_indices = @transform_32, window_bounds = array<i64: 128, 128>}, {pipeline_mode = #tpu.pipeline_mode<synchronous>, transform_indices = @transform_33, window_bounds = array<i64: 1, 128>}, {pipeline_mode = #tpu.pipeline_mode<synchronous>, transform_indices = @transform_34, window_bounds = array<i64: 1, 1>}, {transform_indices = @transform_35, window_bounds = array<i64: 200, 128>}, {transform_indices = @transform_36, window_bounds = array<i64: 200, 128>}, {transform_indices = @transform_37, window_bounds = array<i64: 3200, 128>}]} {
    %get3A = arith.constant 0 : index
    %get3A_0 = arith.constant 0 : index
    %get3A_1 = vector.load %arg4[%get3A, %get3A_0] : memref<3200x256xf32, #tpu.memory_space<vmem>>, vector<3200x256xf32>
    %slice3A = vector.extract_strided_slice %get3A_1 {offsets = [0, 128], sizes = [3200, 128], strides = [1, 1]} : vector<3200x256xf32> to vector<3200x128xf32>
    %get3A_2 = arith.constant 0 : index
    %get3A_3 = arith.constant 0 : index
    %get3A_4 = vector.load %arg5[%get3A_2, %get3A_3] : memref<200x128xf32, #tpu.memory_space<vmem>>, vector<200x128xf32>
    %broadcast_in_dim3A = vector.shape_cast %get3A_4 : vector<200x128xf32> to vector<200x1x128xf32>
    %broadcast_in_dim3A_5 = vector.shape_cast %broadcast_in_dim3A : vector<200x1x128xf32> to vector<200x1x128xf32>
    %broadcast_in_dim3A_6 = vector.broadcast %broadcast_in_dim3A_5 : vector<200x1x128xf32> to vector<200x16x128xf32>
    %reshape3A = vector.shape_cast %broadcast_in_dim3A_6 : vector<200x16x128xf32> to vector<3200x128xf32>
    %sub3A = arith.subf %slice3A, %reshape3A : vector<3200x128xf32>
    %mul3A = arith.mulf %sub3A, %sub3A : vector<3200x128xf32>
    %reduce_sum3A = arith.constant dense<0.000000e+00> : vector<3200xf32>
    %reduce_sum3A_7 = vector.multi_reduction <add>, %mul3A, %reduce_sum3A [1] : vector<3200x128xf32> to vector<3200xf32>
    %broadcast_in_dim3A_8 = vector.shape_cast %reduce_sum3A_7 : vector<3200xf32> to vector<3200x1xf32>
    %add3A = arith.constant 1.000000e-10 : f32
    %add3A_9 = vector.broadcast %add3A : f32 to vector<3200x1xf32>
    %add3A_10 = arith.addf %broadcast_in_dim3A_8, %add3A_9 : vector<3200x1xf32>
    %rsqrt3A = math.rsqrt %add3A_10 : vector<3200x1xf32>
    %mul3A_11 = vector.broadcast %rsqrt3A : vector<3200x1xf32> to vector<3200x128xf32>
    %mul3A_12 = arith.mulf %sub3A, %mul3A_11 : vector<3200x128xf32>
    %get3A_13 = arith.constant 0 : index
    %get3A_14 = arith.constant 0 : index
    %get3A_15 = vector.load %arg3[%get3A_13, %get3A_14] : memref<3200x48xf32, #tpu.memory_space<vmem>>, vector<3200x48xf32>
    %slice3A_16 = vector.extract_strided_slice %get3A_15 {offsets = [0, 0], sizes = [3200, 16], strides = [1, 1]} : vector<3200x48xf32> to vector<3200x16xf32>
    %slice3A_17 = vector.extract_strided_slice %get3A_15 {offsets = [0, 16], sizes = [3200, 16], strides = [1, 1]} : vector<3200x48xf32> to vector<3200x16xf32>
    %slice3A_18 = vector.extract_strided_slice %get3A_15 {offsets = [0, 32], sizes = [3200, 16], strides = [1, 1]} : vector<3200x48xf32> to vector<3200x16xf32>
    %get3A_19 = arith.constant 0 : index
    %get3A_20 = arith.constant 0 : index
    %get3A_21 = vector.load %arg2[%get3A_19, %get3A_20] : memref<3200x128xf32, #tpu.memory_space<vmem>>, vector<3200x128xf32>
    %get3A_22 = arith.constant 0 : index
    %get3A_23 = arith.constant 0 : index
    %get3A_24 = vector.load %arg1[%get3A_22, %get3A_23] : memref<3200x128xf32, #tpu.memory_space<vmem>>, vector<3200x128xf32>
    %add3A_25 = arith.addf %get3A_21, %get3A_24 : vector<3200x128xf32>
    %mul3A_26 = arith.constant -1.44269502 : f32
    %mul3A_27 = vector.broadcast %mul3A_26 : f32 to vector<3200x128xf32>
    %mul3A_28 = arith.mulf %add3A_25, %mul3A_27 : vector<3200x128xf32>
    %exp23A = math.exp2 %mul3A_28 : vector<3200x128xf32>
    %add3A_29 = arith.constant 1.000000e+00 : f32
    %add3A_30 = vector.broadcast %add3A_29 : f32 to vector<3200x128xf32>
    %add3A_31 = arith.addf %add3A_30, %exp23A : vector<3200x128xf32>
    %div3A = arith.divf %add3A_25, %add3A_31 : vector<3200x128xf32>
    %get3A_32 = arith.constant 0 : index
    %get3A_33 = arith.constant 0 : index
    %get3A_34 = vector.load %arg7[%get3A_32, %get3A_33] : memref<128x128xbf16, #tpu.memory_space<vmem>>, vector<128x128xbf16>
    %get3A_35 = arith.constant 0 : index
    %get3A_36 = arith.constant 0 : index
    %get3A_37 = vector.load %arg8[%get3A_35, %get3A_36] : memref<128x128xbf16, #tpu.memory_space<vmem>>, vector<128x128xbf16>
    %convert_element_type3A = arith.truncf %div3A : vector<3200x128xf32> to vector<3200x128xbf16>
    %dot_general3A = arith.constant dense<0.000000e+00> : vector<3200x128xf32>
    %dot_general3A_38 = tpu.matmul %convert_element_type3A, %get3A_34, %dot_general3A {dimension_numbers = #tpu.dot_dimension_numbers<[1], [0], [0], [1], [0, 0, 1, 1], [], []>, transpose_lhs_hint = false} : vector<3200x128xbf16>, vector<128x128xbf16>, vector<3200x128xf32> -> vector<3200x128xf32>
    %mul3A_39 = arith.constant -1.44269502 : f32
    %mul3A_40 = vector.broadcast %mul3A_39 : f32 to vector<3200x128xf32>
    %mul3A_41 = arith.mulf %dot_general3A_38, %mul3A_40 : vector<3200x128xf32>
    %exp23A_42 = math.exp2 %mul3A_41 : vector<3200x128xf32>
    %add3A_43 = arith.constant 1.000000e+00 : f32
    %add3A_44 = vector.broadcast %add3A_43 : f32 to vector<3200x128xf32>
    %add3A_45 = arith.addf %add3A_44, %exp23A_42 : vector<3200x128xf32>
    %div3A_46 = arith.divf %dot_general3A_38, %add3A_45 : vector<3200x128xf32>
    %convert_element_type3A_47 = arith.truncf %div3A_46 : vector<3200x128xf32> to vector<3200x128xbf16>
    %dot_general3A_48 = arith.constant dense<0.000000e+00> : vector<3200x128xf32>
    %dot_general3A_49 = tpu.matmul %convert_element_type3A_47, %get3A_37, %dot_general3A_48 {dimension_numbers = #tpu.dot_dimension_numbers<[1], [0], [0], [1], [0, 0, 1, 1], [], []>, transpose_lhs_hint = false} : vector<3200x128xbf16>, vector<128x128xbf16>, vector<3200x128xf32> -> vector<3200x128xf32>
    %mul3A_50 = arith.constant -1.44269502 : f32
    %mul3A_51 = vector.broadcast %mul3A_50 : f32 to vector<3200x128xf32>
    %mul3A_52 = arith.mulf %dot_general3A_49, %mul3A_51 : vector<3200x128xf32>
    %exp23A_53 = math.exp2 %mul3A_52 : vector<3200x128xf32>
    %add3A_54 = arith.constant 1.000000e+00 : f32
    %add3A_55 = vector.broadcast %add3A_54 : f32 to vector<3200x128xf32>
    %add3A_56 = arith.addf %add3A_55, %exp23A_53 : vector<3200x128xf32>
    %div3A_57 = arith.divf %dot_general3A_49, %add3A_56 : vector<3200x128xf32>
    %add3A_58 = arith.addf %div3A, %div3A_57 : vector<3200x128xf32>
    %mul3A_59 = arith.constant 0.707106769 : f32
    %mul3A_60 = vector.broadcast %mul3A_59 : f32 to vector<3200x128xf32>
    %mul3A_61 = arith.mulf %add3A_58, %mul3A_60 : vector<3200x128xf32>
    %get3A_62 = arith.constant 0 : index
    %get3A_63 = arith.constant 0 : index
    %get3A_64 = vector.load %arg9[%get3A_62, %get3A_63] : memref<16x128xf32, #tpu.memory_space<vmem>>, vector<16x128xf32>
    %get3A_65 = arith.constant 0 : index
    %get3A_66 = arith.constant 0 : index
    %get3A_67 = vector.load %arg10[%get3A_65, %get3A_66] : memref<128x128xbf16, #tpu.memory_space<vmem>>, vector<128x128xbf16>
    %get3A_68 = arith.constant 0 : index
    %get3A_69 = arith.constant 0 : index
    %get3A_70 = vector.load %arg11[%get3A_68, %get3A_69] : memref<128x128xbf16, #tpu.memory_space<vmem>>, vector<128x128xbf16>
    %get3A_71 = arith.constant 0 : index
    %get3A_72 = arith.constant 0 : index
    %get3A_73 = vector.load %arg12[%get3A_71, %get3A_72] : memref<128x128xbf16, #tpu.memory_space<vmem>>, vector<128x128xbf16>
    %get3A_74 = arith.constant 0 : index
    %get3A_75 = arith.constant 0 : index
    %get3A_76 = vector.load %arg13[%get3A_74, %get3A_75] : memref<128x128xbf16, #tpu.memory_space<vmem>>, vector<128x128xbf16>
    %get3A_77 = arith.constant 0 : index
    %get3A_78 = arith.constant 0 : index
    %get3A_79 = vector.load %arg14[%get3A_77, %get3A_78] : memref<128x128xbf16, #tpu.memory_space<vmem>>, vector<128x128xbf16>
    %get3A_80 = arith.constant 0 : index
    %get3A_81 = arith.constant 0 : index
    %get3A_82 = vector.load %arg15[%get3A_80, %get3A_81] : memref<1x128xf32, #tpu.memory_space<vmem>>, vector<1x128xf32>
    %dot_general3A_83 = arith.constant dense<0.000000e+00> : vector<3200x128xf32>
    %dot_general3A_84 = tpu.matmul %slice3A_18, %get3A_64, %dot_general3A_83 {dimension_numbers = #tpu.dot_dimension_numbers<[1], [0], [0], [1], [0, 0, 1, 1], [], []>, transpose_lhs_hint = false} : vector<3200x16xf32>, vector<16x128xf32>, vector<3200x128xf32> -> vector<3200x128xf32>
    %mul3A_85 = arith.mulf %mul3A_61, %dot_general3A_84 : vector<3200x128xf32>
    %reshape3A_86 = vector.shape_cast %mul3A_85 : vector<3200x128xf32> to vector<200x16x128xf32>
    %reduce_sum3A_87 = arith.constant dense<0.000000e+00> : vector<200x128xf32>
    %reduce_sum3A_88 = vector.multi_reduction <add>, %reshape3A_86, %reduce_sum3A_87 [1] : vector<200x16x128xf32> to vector<200x128xf32>
    %convert_element_type3A_89 = arith.truncf %reduce_sum3A_88 : vector<200x128xf32> to vector<200x128xbf16>
    %dot_general3A_90 = arith.constant dense<0.000000e+00> : vector<200x128xf32>
    %dot_general3A_91 = tpu.matmul %convert_element_type3A_89, %get3A_67, %dot_general3A_90 {dimension_numbers = #tpu.dot_dimension_numbers<[1], [0], [0], [1], [0, 0, 1, 1], [], []>, transpose_lhs_hint = false} : vector<200x128xbf16>, vector<128x128xbf16>, vector<200x128xf32> -> vector<200x128xf32>
    %mul3A_92 = arith.constant -1.44269502 : f32
    %mul3A_93 = vector.broadcast %mul3A_92 : f32 to vector<200x128xf32>
    %mul3A_94 = arith.mulf %dot_general3A_91, %mul3A_93 : vector<200x128xf32>
    %exp23A_95 = math.exp2 %mul3A_94 : vector<200x128xf32>
    %add3A_96 = arith.constant 1.000000e+00 : f32
    %add3A_97 = vector.broadcast %add3A_96 : f32 to vector<200x128xf32>
    %add3A_98 = arith.addf %add3A_97, %exp23A_95 : vector<200x128xf32>
    %div3A_99 = arith.divf %dot_general3A_91, %add3A_98 : vector<200x128xf32>
    %convert_element_type3A_100 = arith.truncf %div3A_99 : vector<200x128xf32> to vector<200x128xbf16>
    %dot_general3A_101 = arith.constant dense<0.000000e+00> : vector<200x128xf32>
    %dot_general3A_102 = tpu.matmul %convert_element_type3A_100, %get3A_70, %dot_general3A_101 {dimension_numbers = #tpu.dot_dimension_numbers<[1], [0], [0], [1], [0, 0, 1, 1], [], []>, transpose_lhs_hint = false} : vector<200x128xbf16>, vector<128x128xbf16>, vector<200x128xf32> -> vector<200x128xf32>
    %mul3A_103 = arith.constant -1.44269502 : f32
    %mul3A_104 = vector.broadcast %mul3A_103 : f32 to vector<200x128xf32>
    %mul3A_105 = arith.mulf %dot_general3A_102, %mul3A_104 : vector<200x128xf32>
    %exp23A_106 = math.exp2 %mul3A_105 : vector<200x128xf32>
    %add3A_107 = arith.constant 1.000000e+00 : f32
    %add3A_108 = vector.broadcast %add3A_107 : f32 to vector<200x128xf32>
    %add3A_109 = arith.addf %add3A_108, %exp23A_106 : vector<200x128xf32>
    %div3A_110 = arith.divf %dot_general3A_102, %add3A_109 : vector<200x128xf32>
    %convert_element_type3A_111 = arith.truncf %div3A_110 : vector<200x128xf32> to vector<200x128xbf16>
    %dot_general3A_112 = arith.constant dense<0.000000e+00> : vector<200x128xf32>
    %dot_general3A_113 = tpu.matmul %convert_element_type3A_111, %get3A_73, %dot_general3A_112 {dimension_numbers = #tpu.dot_dimension_numbers<[1], [0], [0], [1], [0, 0, 1, 1], [], []>, transpose_lhs_hint = false} : vector<200x128xbf16>, vector<128x128xbf16>, vector<200x128xf32> -> vector<200x128xf32>
    %mul3A_114 = arith.constant -1.44269502 : f32
    %mul3A_115 = vector.broadcast %mul3A_114 : f32 to vector<200x128xf32>
    %mul3A_116 = arith.mulf %dot_general3A_113, %mul3A_115 : vector<200x128xf32>
    %exp23A_117 = math.exp2 %mul3A_116 : vector<200x128xf32>
    %add3A_118 = arith.constant 1.000000e+00 : f32
    %add3A_119 = vector.broadcast %add3A_118 : f32 to vector<200x128xf32>
    %add3A_120 = arith.addf %add3A_119, %exp23A_117 : vector<200x128xf32>
    %div3A_121 = arith.divf %dot_general3A_113, %add3A_120 : vector<200x128xf32>
    %add3A_122 = arith.addf %div3A_99, %div3A_121 : vector<200x128xf32>
    %mul3A_123 = arith.constant 0.707106769 : f32
    %mul3A_124 = vector.broadcast %mul3A_123 : f32 to vector<200x128xf32>
    %mul3A_125 = arith.mulf %add3A_122, %mul3A_124 : vector<200x128xf32>
    %convert_element_type3A_126 = arith.truncf %mul3A_125 : vector<200x128xf32> to vector<200x128xbf16>
    %dot_general3A_127 = arith.constant dense<0.000000e+00> : vector<200x128xf32>
    %dot_general3A_128 = tpu.matmul %convert_element_type3A_126, %get3A_76, %dot_general3A_127 {dimension_numbers = #tpu.dot_dimension_numbers<[1], [0], [0], [1], [0, 0, 1, 1], [], []>, transpose_lhs_hint = false} : vector<200x128xbf16>, vector<128x128xbf16>, vector<200x128xf32> -> vector<200x128xf32>
    %mul3A_129 = arith.constant -1.44269502 : f32
    %mul3A_130 = vector.broadcast %mul3A_129 : f32 to vector<200x128xf32>
    %mul3A_131 = arith.mulf %dot_general3A_128, %mul3A_130 : vector<200x128xf32>
    %exp23A_132 = math.exp2 %mul3A_131 : vector<200x128xf32>
    %add3A_133 = arith.constant 1.000000e+00 : f32
    %add3A_134 = vector.broadcast %add3A_133 : f32 to vector<200x128xf32>
    %add3A_135 = arith.addf %add3A_134, %exp23A_132 : vector<200x128xf32>
    %div3A_136 = arith.divf %dot_general3A_128, %add3A_135 : vector<200x128xf32>
    %convert_element_type3A_137 = arith.truncf %div3A_136 : vector<200x128xf32> to vector<200x128xbf16>
    %dot_general3A_138 = arith.constant dense<0.000000e+00> : vector<200x128xf32>
    %dot_general3A_139 = tpu.matmul %convert_element_type3A_137, %get3A_79, %dot_general3A_138 {dimension_numbers = #tpu.dot_dimension_numbers<[1], [0], [0], [1], [0, 0, 1, 1], [], []>, transpose_lhs_hint = false} : vector<200x128xbf16>, vector<128x128xbf16>, vector<200x128xf32> -> vector<200x128xf32>
    %mul3A_140 = arith.constant -1.44269502 : f32
    %mul3A_141 = vector.broadcast %mul3A_140 : f32 to vector<200x128xf32>
    %mul3A_142 = arith.mulf %dot_general3A_139, %mul3A_141 : vector<200x128xf32>
    %exp23A_143 = math.exp2 %mul3A_142 : vector<200x128xf32>
    %add3A_144 = arith.constant 1.000000e+00 : f32
    %add3A_145 = vector.broadcast %add3A_144 : f32 to vector<200x128xf32>
    %add3A_146 = arith.addf %add3A_145, %exp23A_143 : vector<200x128xf32>
    %div3A_147 = arith.divf %dot_general3A_139, %add3A_146 : vector<200x128xf32>
    %add3A_148 = arith.addf %mul3A_125, %div3A_147 : vector<200x128xf32>
    %mul3A_149 = arith.constant 0.707106769 : f32
    %mul3A_150 = vector.broadcast %mul3A_149 : f32 to vector<200x128xf32>
    %mul3A_151 = arith.mulf %add3A_148, %mul3A_150 : vector<200x128xf32>
    %mul3A_152 = vector.broadcast %get3A_82 : vector<1x128xf32> to vector<200x128xf32>
    %mul3A_153 = arith.mulf %mul3A_151, %mul3A_152 : vector<200x128xf32>
    %reduce_sum3A_154 = vector.shape_cast %mul3A_153 : vector<200x128xf32> to vector<1x200x128xf32>
    %reduce_sum3A_155 = arith.constant dense<0.000000e+00> : vector<1xf32>
    %reduce_sum3A_156 = vector.multi_reduction <add>, %reduce_sum3A_154, %reduce_sum3A_155 [1, 2] : vector<1x200x128xf32> to vector<1xf32>
    %reduce_sum3A_157 = vector.shape_cast %reduce_sum3A_156 : vector<1xf32> to vector<1x1x1xf32>
    %reduce_sum3A_158 = vector.extract %reduce_sum3A_157[0, 0, 0] : f32 from vector<1x1x1xf32>
    %get3A_159 = arith.constant 0 : index
    %get3A_160 = arith.constant 0 : index
    %get3A_161 = vector.load %arg6[%get3A_159, %get3A_160] : memref<200x128xf32, #tpu.memory_space<vmem>>, vector<200x128xf32>
    %get3A_162 = arith.constant 0 : index
    %get3A_163 = arith.constant 0 : index
    %get3A_164 = vector.load %arg16[%get3A_162, %get3A_163] : memref<128x128xbf16, #tpu.memory_space<vmem>>, vector<128x128xbf16>
    %get3A_165 = arith.constant 0 : index
    %get3A_166 = arith.constant 0 : index
    %get3A_167 = vector.load %arg17[%get3A_165, %get3A_166] : memref<16x128xf32, #tpu.memory_space<vmem>>, vector<16x128xf32>
    %get3A_168 = arith.constant 0 : index
    %get3A_169 = arith.constant 0 : index
    %get3A_170 = vector.load %arg18[%get3A_168, %get3A_169] : memref<128x32xbf16, #tpu.memory_space<vmem>>, vector<128x32xbf16>
    %get3A_171 = arith.constant 0 : index
    %get3A_172 = arith.constant 0 : index
    %get3A_173 = vector.load %arg19[%get3A_171, %get3A_172] : memref<32x224xbf16, #tpu.memory_space<vmem>>, vector<32x224xbf16>
    %get3A_174 = arith.constant 0 : index
    %get3A_175 = arith.constant 0 : index
    %get3A_176 = vector.load %arg20[%get3A_174, %get3A_175] : memref<32x128xbf16, #tpu.memory_space<vmem>>, vector<32x128xbf16>
    %get3A_177 = arith.constant 0 : index
    %get3A_178 = arith.constant 0 : index
    %get3A_179 = vector.load %arg21[%get3A_177, %get3A_178] : memref<128x128xbf16, #tpu.memory_space<vmem>>, vector<128x128xbf16>
    %get3A_180 = arith.constant 0 : index
    %get3A_181 = arith.constant 0 : index
    %get3A_182 = vector.load %arg22[%get3A_180, %get3A_181] : memref<128x128xbf16, #tpu.memory_space<vmem>>, vector<128x128xbf16>
    %get3A_183 = arith.constant 0 : index
    %get3A_184 = arith.constant 0 : index
    %get3A_185 = vector.load %arg23[%get3A_183, %get3A_184] : memref<128x128xbf16, #tpu.memory_space<vmem>>, vector<128x128xbf16>
    %get3A_186 = arith.constant 0 : index
    %get3A_187 = arith.constant 0 : index
    %get3A_188 = vector.load %arg24[%get3A_186, %get3A_187] : memref<128x128xbf16, #tpu.memory_space<vmem>>, vector<128x128xbf16>
    %get3A_189 = arith.constant 0 : index
    %get3A_190 = arith.constant 0 : index
    %get3A_191 = vector.load %arg25[%get3A_189, %get3A_190] : memref<128x128xbf16, #tpu.memory_space<vmem>>, vector<128x128xbf16>
    %get3A_192 = arith.constant 0 : index
    %get3A_193 = arith.constant 0 : index
    %get3A_194 = vector.load %arg26[%get3A_192, %get3A_193] : memref<16x128xf32, #tpu.memory_space<vmem>>, vector<16x128xf32>
    %get3A_195 = arith.constant 0 : index
    %get3A_196 = arith.constant 0 : index
    %get3A_197 = vector.load %arg27[%get3A_195, %get3A_196] : memref<128x128xbf16, #tpu.memory_space<vmem>>, vector<128x128xbf16>
    %get3A_198 = arith.constant 0 : index
    %get3A_199 = arith.constant 0 : index
    %get3A_200 = vector.load %arg28[%get3A_198, %get3A_199] : memref<128x128xbf16, #tpu.memory_space<vmem>>, vector<128x128xbf16>
    %get3A_201 = arith.constant 0 : index
    %get3A_202 = arith.constant 0 : index
    %get3A_203 = vector.load %arg29[%get3A_201, %get3A_202] : memref<128x128xbf16, #tpu.memory_space<vmem>>, vector<128x128xbf16>
    %get3A_204 = arith.constant 0 : index
    %get3A_205 = arith.constant 0 : index
    %get3A_206 = vector.load %arg30[%get3A_204, %get3A_205] : memref<128x128xbf16, #tpu.memory_space<vmem>>, vector<128x128xbf16>
    %get3A_207 = arith.constant 0 : index
    %get3A_208 = arith.constant 0 : index
    %get3A_209 = vector.load %arg31[%get3A_207, %get3A_208] : memref<128x128xbf16, #tpu.memory_space<vmem>>, vector<128x128xbf16>
    %get3A_210 = arith.constant 0 : index
    %get3A_211 = arith.constant 0 : index
    %get3A_212 = vector.load %arg32[%get3A_210, %get3A_211] : memref<128x128xbf16, #tpu.memory_space<vmem>>, vector<128x128xbf16>
    %get3A_213 = arith.constant 0 : index
    %get3A_214 = arith.constant 0 : index
    %get3A_215 = vector.load %arg33[%get3A_213, %get3A_214] : memref<128x128xbf16, #tpu.memory_space<vmem>>, vector<128x128xbf16>
    %get3A_216 = arith.constant 0 : index
    %get3A_217 = arith.constant 0 : index
    %get3A_218 = vector.load %arg34[%get3A_216, %get3A_217] : memref<1x128xf32, #tpu.memory_space<vmem>>, vector<1x128xf32>
    %convert_element_type3A_219 = arith.truncf %mul3A_61 : vector<3200x128xf32> to vector<3200x128xbf16>
    %dot_general3A_220 = arith.constant dense<0.000000e+00> : vector<3200x128xf32>
    %dot_general3A_221 = tpu.matmul %convert_element_type3A_219, %get3A_164, %dot_general3A_220 {dimension_numbers = #tpu.dot_dimension_numbers<[1], [0], [0], [1], [0, 0, 1, 1], [], []>, transpose_lhs_hint = false} : vector<3200x128xbf16>, vector<128x128xbf16>, vector<3200x128xf32> -> vector<3200x128xf32>
    %mul3A_222 = arith.constant -1.44269502 : f32
    %mul3A_223 = vector.broadcast %mul3A_222 : f32 to vector<3200x128xf32>
    %mul3A_224 = arith.mulf %dot_general3A_221, %mul3A_223 : vector<3200x128xf32>
    %exp23A_225 = math.exp2 %mul3A_224 : vector<3200x128xf32>
    %add3A_226 = arith.constant 1.000000e+00 : f32
    %add3A_227 = vector.broadcast %add3A_226 : f32 to vector<3200x128xf32>
    %add3A_228 = arith.addf %add3A_227, %exp23A_225 : vector<3200x128xf32>
    %div3A_229 = arith.divf %dot_general3A_221, %add3A_228 : vector<3200x128xf32>
    %dot_general3A_230 = arith.constant dense<0.000000e+00> : vector<3200x128xf32>
    %dot_general3A_231 = tpu.matmul %slice3A_16, %get3A_167, %dot_general3A_230 {dimension_numbers = #tpu.dot_dimension_numbers<[1], [0], [0], [1], [0, 0, 1, 1], [], []>, transpose_lhs_hint = false} : vector<3200x16xf32>, vector<16x128xf32>, vector<3200x128xf32> -> vector<3200x128xf32>
    %mul3A_232 = arith.mulf %div3A_229, %dot_general3A_231 : vector<3200x128xf32>
    %convert_element_type3A_233 = arith.truncf %mul3A_232 : vector<3200x128xf32> to vector<3200x128xbf16>
    %dot_general3A_234 = arith.constant dense<0.000000e+00> : vector<3200x32xf32>
    %dot_general3A_235 = tpu.matmul %convert_element_type3A_233, %get3A_170, %dot_general3A_234 {dimension_numbers = #tpu.dot_dimension_numbers<[1], [0], [0], [1], [0, 0, 1, 1], [], []>, transpose_lhs_hint = false} : vector<3200x128xbf16>, vector<128x32xbf16>, vector<3200x32xf32> -> vector<3200x32xf32>
    %mul3A_236 = arith.constant -1.44269502 : f32
    %mul3A_237 = vector.broadcast %mul3A_236 : f32 to vector<3200x32xf32>
    %mul3A_238 = arith.mulf %dot_general3A_235, %mul3A_237 : vector<3200x32xf32>
    %exp23A_239 = math.exp2 %mul3A_238 : vector<3200x32xf32>
    %add3A_240 = arith.constant 1.000000e+00 : f32
    %add3A_241 = vector.broadcast %add3A_240 : f32 to vector<3200x32xf32>
    %add3A_242 = arith.addf %add3A_241, %exp23A_239 : vector<3200x32xf32>
    %div3A_243 = arith.divf %dot_general3A_235, %add3A_242 : vector<3200x32xf32>
    %reshape3A_244 = vector.shape_cast %mul3A_12 : vector<3200x128xf32> to vector<25x128x128xf32>
    %dot_general3A_245 = arith.constant dense<0.000000e+00> : vector<25x128x128xf32>
    %dot_general3A_246 = tpu.matmul %reshape3A_244, %reshape3A_244, %dot_general3A_245 {dimension_numbers = #tpu.dot_dimension_numbers<[2], [2], [1], [1], [0, 0, 0, 1, 1, 1], [0], [0]>, transpose_lhs_hint = false} : vector<25x128x128xf32>, vector<25x128x128xf32>, vector<25x128x128xf32> -> vector<25x128x128xf32>
    %iota3A = tpu.iota {dimensions = array<i32: 0>} : vector<128x128xi32>
    %iota3A_247 = tpu.iota {dimensions = array<i32: 1>} : vector<128x128xi32>
    %jit3A = arith.constant 16 : i32
    %div3A_248 = vector.broadcast %jit3A : i32 to vector<128x128xi32>
    %div3A_249 = arith.divsi %iota3A, %div3A_248 : vector<128x128xi32>
    %sign3A = arith.constant 0 : i32
    %sign3A_250 = vector.broadcast %sign3A : i32 to vector<128x128xi32>
    %sign3A_251 = arith.cmpi sgt, %iota3A, %sign3A_250 : vector<128x128xi32>
    %sign3A_252 = arith.extui %sign3A_251 : vector<128x128xi1> to vector<128x128xi32>
    %sign3A_253 = arith.constant 0 : i32
    %sign3A_254 = vector.broadcast %sign3A_253 : i32 to vector<128x128xi32>
    %sign3A_255 = arith.cmpi slt, %iota3A, %sign3A_254 : vector<128x128xi32>
    %sign3A_256 = arith.extui %sign3A_255 : vector<128x128xi1> to vector<128x128xi32>
    %sign3A_257 = arith.subi %sign3A_252, %sign3A_256 : vector<128x128xi32>
    %sign3A_258 = arith.constant 0 : i32
    %sign3A_259 = arith.cmpi sgt, %jit3A, %sign3A_258 : i32
    %sign3A_260 = arith.extui %sign3A_259 : i1 to i32
    %sign3A_261 = arith.constant 0 : i32
    %sign3A_262 = arith.cmpi slt, %jit3A, %sign3A_261 : i32
    %sign3A_263 = arith.extui %sign3A_262 : i1 to i32
    %sign3A_264 = arith.subi %sign3A_260, %sign3A_263 : i32
    %ne3A = vector.broadcast %sign3A_264 : i32 to vector<128x128xi32>
    %ne3A_265 = arith.cmpi ne, %sign3A_257, %ne3A : vector<128x128xi32>
    %rem3A = vector.broadcast %jit3A : i32 to vector<128x128xi32>
    %rem3A_266 = arith.remsi %iota3A, %rem3A : vector<128x128xi32>
    %ne3A_267 = arith.constant 0 : i32
    %ne3A_268 = vector.broadcast %ne3A_267 : i32 to vector<128x128xi32>
    %ne3A_269 = arith.cmpi ne, %rem3A_266, %ne3A_268 : vector<128x128xi32>
    %and3A = arith.andi %ne3A_265, %ne3A_269 : vector<128x128xi1>
    %sub3A_270 = arith.constant 1 : i32
    %sub3A_271 = vector.broadcast %sub3A_270 : i32 to vector<128x128xi32>
    %sub3A_272 = arith.subi %div3A_249, %sub3A_271 : vector<128x128xi32>
    %select_n3A = arith.select %and3A, %sub3A_272, %div3A_249 : vector<128x128xi1>, vector<128x128xi32>
    %jit3A_273 = arith.constant 16 : i32
    %div3A_274 = vector.broadcast %jit3A_273 : i32 to vector<128x128xi32>
    %div3A_275 = arith.divsi %iota3A_247, %div3A_274 : vector<128x128xi32>
    %sign3A_276 = arith.constant 0 : i32
    %sign3A_277 = vector.broadcast %sign3A_276 : i32 to vector<128x128xi32>
    %sign3A_278 = arith.cmpi sgt, %iota3A_247, %sign3A_277 : vector<128x128xi32>
    %sign3A_279 = arith.extui %sign3A_278 : vector<128x128xi1> to vector<128x128xi32>
    %sign3A_280 = arith.constant 0 : i32
    %sign3A_281 = vector.broadcast %sign3A_280 : i32 to vector<128x128xi32>
    %sign3A_282 = arith.cmpi slt, %iota3A_247, %sign3A_281 : vector<128x128xi32>
    %sign3A_283 = arith.extui %sign3A_282 : vector<128x128xi1> to vector<128x128xi32>
    %sign3A_284 = arith.subi %sign3A_279, %sign3A_283 : vector<128x128xi32>
    %sign3A_285 = arith.constant 0 : i32
    %sign3A_286 = arith.cmpi sgt, %jit3A_273, %sign3A_285 : i32
    %sign3A_287 = arith.extui %sign3A_286 : i1 to i32
    %sign3A_288 = arith.constant 0 : i32
    %sign3A_289 = arith.cmpi slt, %jit3A_273, %sign3A_288 : i32
    %sign3A_290 = arith.extui %sign3A_289 : i1 to i32
    %sign3A_291 = arith.subi %sign3A_287, %sign3A_290 : i32
    %ne3A_292 = vector.broadcast %sign3A_291 : i32 to vector<128x128xi32>
    %ne3A_293 = arith.cmpi ne, %sign3A_284, %ne3A_292 : vector<128x128xi32>
    %rem3A_294 = vector.broadcast %jit3A_273 : i32 to vector<128x128xi32>
    %rem3A_295 = arith.remsi %iota3A_247, %rem3A_294 : vector<128x128xi32>
    %ne3A_296 = arith.constant 0 : i32
    %ne3A_297 = vector.broadcast %ne3A_296 : i32 to vector<128x128xi32>
    %ne3A_298 = arith.cmpi ne, %rem3A_295, %ne3A_297 : vector<128x128xi32>
    %and3A_299 = arith.andi %ne3A_293, %ne3A_298 : vector<128x128xi1>
    %sub3A_300 = arith.constant 1 : i32
    %sub3A_301 = vector.broadcast %sub3A_300 : i32 to vector<128x128xi32>
    %sub3A_302 = arith.subi %div3A_275, %sub3A_301 : vector<128x128xi32>
    %select_n3A_303 = arith.select %and3A_299, %sub3A_302, %div3A_275 : vector<128x128xi1>, vector<128x128xi32>
    %eq3A = arith.cmpi eq, %select_n3A, %select_n3A_303 : vector<128x128xi32>
    %ne3A_304 = arith.cmpi ne, %iota3A, %iota3A_247 : vector<128x128xi32>
    %and3A_305 = arith.andi %eq3A, %ne3A_304 : vector<128x128xi1>
    %jit3A_306 = arith.constant 1.000000e+00 : f32
    %jit3A_307 = arith.constant 0.000000e+00 : f32
    %broadcast_in_dim3A_308 = vector.broadcast %jit3A_306 : f32 to vector<128x128xf32>
    %broadcast_in_dim3A_309 = vector.broadcast %jit3A_307 : f32 to vector<128x128xf32>
    %select_n3A_310 = arith.select %and3A_305, %broadcast_in_dim3A_308, %broadcast_in_dim3A_309 : vector<128x128xi1>, vector<128x128xf32>
    %broadcast_in_dim3A_311 = vector.shape_cast %select_n3A_310 : vector<128x128xf32> to vector<1x128x128xf32>
    %broadcast_in_dim3A_312 = vector.shape_cast %broadcast_in_dim3A_311 : vector<1x128x128xf32> to vector<1x128x128xf32>
    %broadcast_in_dim3A_313 = vector.broadcast %broadcast_in_dim3A_312 : vector<1x128x128xf32> to vector<25x128x128xf32>
    %convert_element_type3A_314 = arith.truncf %div3A_243 : vector<3200x32xf32> to vector<3200x32xbf16>
    %dot_general3A_315 = arith.constant dense<0.000000e+00> : vector<3200x224xf32>
    %dot_general3A_316 = tpu.matmul %convert_element_type3A_314, %get3A_173, %dot_general3A_315 {dimension_numbers = #tpu.dot_dimension_numbers<[1], [0], [0], [1], [0, 0, 1, 1], [], []>, transpose_lhs_hint = false} : vector<3200x32xbf16>, vector<32x224xbf16>, vector<3200x224xf32> -> vector<3200x224xf32>
    %broadcast_in_dim3A_317 = arith.constant 0.000000e+00 : f32
    %broadcast_in_dim3A_318 = vector.broadcast %broadcast_in_dim3A_317 : f32 to vector<25x128x32xf32>
    %mul3A_319 = arith.mulf %dot_general3A_246, %broadcast_in_dim3A_313 : vector<25x128x128xf32>
    %slice3A_320 = vector.extract_strided_slice %dot_general3A_316 {offsets = [0, 0], sizes = [3200, 32], strides = [1, 1]} : vector<3200x224xf32> to vector<3200x32xf32>
    %reshape3A_321 = vector.shape_cast %slice3A_320 : vector<3200x32xf32> to vector<25x128x32xf32>
    %convert_element_type3A_322 = arith.truncf %broadcast_in_dim3A_313 : vector<25x128x128xf32> to vector<25x128x128xbf16>
    %convert_element_type3A_323 = arith.truncf %reshape3A_321 : vector<25x128x32xf32> to vector<25x128x32xbf16>
    %dot_general3A_324 = arith.constant dense<0.000000e+00> : vector<25x128x32xf32>
    %dot_general3A_325 = tpu.matmul %convert_element_type3A_322, %convert_element_type3A_323, %dot_general3A_324 {dimension_numbers = #tpu.dot_dimension_numbers<[2], [1], [1], [2], [0, 0, 0, 1, 1, 2], [0], [0]>, transpose_lhs_hint = false} : vector<25x128x128xbf16>, vector<25x128x32xbf16>, vector<25x128x32xf32> -> vector<25x128x32xf32>
    %add3A_326 = arith.addf %broadcast_in_dim3A_318, %dot_general3A_325 : vector<25x128x32xf32>
    %slice3A_327 = vector.extract_strided_slice %dot_general3A_316 {offsets = [0, 32], sizes = [3200, 32], strides = [1, 1]} : vector<3200x224xf32> to vector<3200x32xf32>
    %reshape3A_328 = vector.shape_cast %slice3A_327 : vector<3200x32xf32> to vector<25x128x32xf32>
    %convert_element_type3A_329 = arith.truncf %mul3A_319 : vector<25x128x128xf32> to vector<25x128x128xbf16>
    %convert_element_type3A_330 = arith.truncf %reshape3A_328 : vector<25x128x32xf32> to vector<25x128x32xbf16>
    %dot_general3A_331 = arith.constant dense<0.000000e+00> : vector<25x128x32xf32>
    %dot_general3A_332 = tpu.matmul %convert_element_type3A_329, %convert_element_type3A_330, %dot_general3A_331 {dimension_numbers = #tpu.dot_dimension_numbers<[2], [1], [1], [2], [0, 0, 0, 1, 1, 2], [0], [0]>, transpose_lhs_hint = false} : vector<25x128x128xbf16>, vector<25x128x32xbf16>, vector<25x128x32xf32> -> vector<25x128x32xf32>
    %add3A_333 = arith.addf %add3A_326, %dot_general3A_332 : vector<25x128x32xf32>
    %mul3A_334 = arith.constant 3.000000e+00 : f32
    %mul3A_335 = vector.broadcast %mul3A_334 : f32 to vector<25x128x128xf32>
    %mul3A_336 = arith.mulf %mul3A_335, %dot_general3A_246 : vector<25x128x128xf32>
    %mul3A_337 = arith.mulf %mul3A_336, %mul3A_319 : vector<25x128x128xf32>
    %mul3A_338 = arith.constant 1.000000e+00 : f32
    %mul3A_339 = vector.broadcast %mul3A_338 : f32 to vector<25x128x128xf32>
    %mul3A_340 = arith.mulf %mul3A_339, %broadcast_in_dim3A_313 : vector<25x128x128xf32>
    %sub3A_341 = arith.subf %mul3A_337, %mul3A_340 : vector<25x128x128xf32>
    %mul3A_342 = arith.constant 5.000000e-01 : f32
    %mul3A_343 = vector.broadcast %mul3A_342 : f32 to vector<25x128x128xf32>
    %mul3A_344 = arith.mulf %sub3A_341, %mul3A_343 : vector<25x128x128xf32>
    %slice3A_345 = vector.extract_strided_slice %dot_general3A_316 {offsets = [0, 64], sizes = [3200, 32], strides = [1, 1]} : vector<3200x224xf32> to vector<3200x32xf32>
    %reshape3A_346 = vector.shape_cast %slice3A_345 : vector<3200x32xf32> to vector<25x128x32xf32>
    %convert_element_type3A_347 = arith.truncf %mul3A_344 : vector<25x128x128xf32> to vector<25x128x128xbf16>
    %convert_element_type3A_348 = arith.truncf %reshape3A_346 : vector<25x128x32xf32> to vector<25x128x32xbf16>
    %dot_general3A_349 = arith.constant dense<0.000000e+00> : vector<25x128x32xf32>
    %dot_general3A_350 = tpu.matmul %convert_element_type3A_347, %convert_element_type3A_348, %dot_general3A_349 {dimension_numbers = #tpu.dot_dimension_numbers<[2], [1], [1], [2], [0, 0, 0, 1, 1, 2], [0], [0]>, transpose_lhs_hint = false} : vector<25x128x128xbf16>, vector<25x128x32xbf16>, vector<25x128x32xf32> -> vector<25x128x32xf32>
    %add3A_351 = arith.addf %add3A_333, %dot_general3A_350 : vector<25x128x32xf32>
    %mul3A_352 = arith.constant 5.000000e+00 : f32
    %mul3A_353 = vector.broadcast %mul3A_352 : f32 to vector<25x128x128xf32>
    %mul3A_354 = arith.mulf %mul3A_353, %dot_general3A_246 : vector<25x128x128xf32>
    %mul3A_355 = arith.mulf %mul3A_354, %mul3A_344 : vector<25x128x128xf32>
    %mul3A_356 = arith.constant 2.000000e+00 : f32
    %mul3A_357 = vector.broadcast %mul3A_356 : f32 to vector<25x128x128xf32>
    %mul3A_358 = arith.mulf %mul3A_357, %mul3A_319 : vector<25x128x128xf32>
    %sub3A_359 = arith.subf %mul3A_355, %mul3A_358 : vector<25x128x128xf32>
    %mul3A_360 = arith.constant 0.333333343 : f32
    %mul3A_361 = vector.broadcast %mul3A_360 : f32 to vector<25x128x128xf32>
    %mul3A_362 = arith.mulf %sub3A_359, %mul3A_361 : vector<25x128x128xf32>
    %slice3A_363 = vector.extract_strided_slice %dot_general3A_316 {offsets = [0, 96], sizes = [3200, 32], strides = [1, 1]} : vector<3200x224xf32> to vector<3200x32xf32>
    %reshape3A_364 = vector.shape_cast %slice3A_363 : vector<3200x32xf32> to vector<25x128x32xf32>
    %convert_element_type3A_365 = arith.truncf %mul3A_362 : vector<25x128x128xf32> to vector<25x128x128xbf16>
    %convert_element_type3A_366 = arith.truncf %reshape3A_364 : vector<25x128x32xf32> to vector<25x128x32xbf16>
    %dot_general3A_367 = arith.constant dense<0.000000e+00> : vector<25x128x32xf32>
    %dot_general3A_368 = tpu.matmul %convert_element_type3A_365, %convert_element_type3A_366, %dot_general3A_367 {dimension_numbers = #tpu.dot_dimension_numbers<[2], [1], [1], [2], [0, 0, 0, 1, 1, 2], [0], [0]>, transpose_lhs_hint = false} : vector<25x128x128xbf16>, vector<25x128x32xbf16>, vector<25x128x32xf32> -> vector<25x128x32xf32>
    %add3A_369 = arith.addf %add3A_351, %dot_general3A_368 : vector<25x128x32xf32>
    %mul3A_370 = arith.constant 7.000000e+00 : f32
    %mul3A_371 = vector.broadcast %mul3A_370 : f32 to vector<25x128x128xf32>
    %mul3A_372 = arith.mulf %mul3A_371, %dot_general3A_246 : vector<25x128x128xf32>
    %mul3A_373 = arith.mulf %mul3A_372, %mul3A_362 : vector<25x128x128xf32>
    %mul3A_374 = arith.constant 3.000000e+00 : f32
    %mul3A_375 = vector.broadcast %mul3A_374 : f32 to vector<25x128x128xf32>
    %mul3A_376 = arith.mulf %mul3A_375, %mul3A_344 : vector<25x128x128xf32>
    %sub3A_377 = arith.subf %mul3A_373, %mul3A_376 : vector<25x128x128xf32>
    %mul3A_378 = arith.constant 2.500000e-01 : f32
    %mul3A_379 = vector.broadcast %mul3A_378 : f32 to vector<25x128x128xf32>
    %mul3A_380 = arith.mulf %sub3A_377, %mul3A_379 : vector<25x128x128xf32>
    %slice3A_381 = vector.extract_strided_slice %dot_general3A_316 {offsets = [0, 128], sizes = [3200, 32], strides = [1, 1]} : vector<3200x224xf32> to vector<3200x32xf32>
    %reshape3A_382 = vector.shape_cast %slice3A_381 : vector<3200x32xf32> to vector<25x128x32xf32>
    %convert_element_type3A_383 = arith.truncf %mul3A_380 : vector<25x128x128xf32> to vector<25x128x128xbf16>
    %convert_element_type3A_384 = arith.truncf %reshape3A_382 : vector<25x128x32xf32> to vector<25x128x32xbf16>
    %dot_general3A_385 = arith.constant dense<0.000000e+00> : vector<25x128x32xf32>
    %dot_general3A_386 = tpu.matmul %convert_element_type3A_383, %convert_element_type3A_384, %dot_general3A_385 {dimension_numbers = #tpu.dot_dimension_numbers<[2], [1], [1], [2], [0, 0, 0, 1, 1, 2], [0], [0]>, transpose_lhs_hint = false} : vector<25x128x128xbf16>, vector<25x128x32xbf16>, vector<25x128x32xf32> -> vector<25x128x32xf32>
    %add3A_387 = arith.addf %add3A_369, %dot_general3A_386 : vector<25x128x32xf32>
    %mul3A_388 = arith.constant 9.000000e+00 : f32
    %mul3A_389 = vector.broadcast %mul3A_388 : f32 to vector<25x128x128xf32>
    %mul3A_390 = arith.mulf %mul3A_389, %dot_general3A_246 : vector<25x128x128xf32>
    %mul3A_391 = arith.mulf %mul3A_390, %mul3A_380 : vector<25x128x128xf32>
    %mul3A_392 = arith.constant 4.000000e+00 : f32
    %mul3A_393 = vector.broadcast %mul3A_392 : f32 to vector<25x128x128xf32>
    %mul3A_394 = arith.mulf %mul3A_393, %mul3A_362 : vector<25x128x128xf32>
    %sub3A_395 = arith.subf %mul3A_391, %mul3A_394 : vector<25x128x128xf32>
    %mul3A_396 = arith.constant 2.000000e-01 : f32
    %mul3A_397 = vector.broadcast %mul3A_396 : f32 to vector<25x128x128xf32>
    %mul3A_398 = arith.mulf %sub3A_395, %mul3A_397 : vector<25x128x128xf32>
    %slice3A_399 = vector.extract_strided_slice %dot_general3A_316 {offsets = [0, 160], sizes = [3200, 32], strides = [1, 1]} : vector<3200x224xf32> to vector<3200x32xf32>
    %reshape3A_400 = vector.shape_cast %slice3A_399 : vector<3200x32xf32> to vector<25x128x32xf32>
    %convert_element_type3A_401 = arith.truncf %mul3A_398 : vector<25x128x128xf32> to vector<25x128x128xbf16>
    %convert_element_type3A_402 = arith.truncf %reshape3A_400 : vector<25x128x32xf32> to vector<25x128x32xbf16>
    %dot_general3A_403 = arith.constant dense<0.000000e+00> : vector<25x128x32xf32>
    %dot_general3A_404 = tpu.matmul %convert_element_type3A_401, %convert_element_type3A_402, %dot_general3A_403 {dimension_numbers = #tpu.dot_dimension_numbers<[2], [1], [1], [2], [0, 0, 0, 1, 1, 2], [0], [0]>, transpose_lhs_hint = false} : vector<25x128x128xbf16>, vector<25x128x32xbf16>, vector<25x128x32xf32> -> vector<25x128x32xf32>
    %add3A_405 = arith.addf %add3A_387, %dot_general3A_404 : vector<25x128x32xf32>
    %mul3A_406 = arith.constant 1.100000e+01 : f32
    %mul3A_407 = vector.broadcast %mul3A_406 : f32 to vector<25x128x128xf32>
    %mul3A_408 = arith.mulf %mul3A_407, %dot_general3A_246 : vector<25x128x128xf32>
    %mul3A_409 = arith.mulf %mul3A_408, %mul3A_398 : vector<25x128x128xf32>
    %mul3A_410 = arith.constant 5.000000e+00 : f32
    %mul3A_411 = vector.broadcast %mul3A_410 : f32 to vector<25x128x128xf32>
    %mul3A_412 = arith.mulf %mul3A_411, %mul3A_380 : vector<25x128x128xf32>
    %sub3A_413 = arith.subf %mul3A_409, %mul3A_412 : vector<25x128x128xf32>
    %mul3A_414 = arith.constant 0.166666672 : f32
    %mul3A_415 = vector.broadcast %mul3A_414 : f32 to vector<25x128x128xf32>
    %mul3A_416 = arith.mulf %sub3A_413, %mul3A_415 : vector<25x128x128xf32>
    %slice3A_417 = vector.extract_strided_slice %dot_general3A_316 {offsets = [0, 192], sizes = [3200, 32], strides = [1, 1]} : vector<3200x224xf32> to vector<3200x32xf32>
    %reshape3A_418 = vector.shape_cast %slice3A_417 : vector<3200x32xf32> to vector<25x128x32xf32>
    %convert_element_type3A_419 = arith.truncf %mul3A_416 : vector<25x128x128xf32> to vector<25x128x128xbf16>
    %convert_element_type3A_420 = arith.truncf %reshape3A_418 : vector<25x128x32xf32> to vector<25x128x32xbf16>
    %dot_general3A_421 = arith.constant dense<0.000000e+00> : vector<25x128x32xf32>
    %dot_general3A_422 = tpu.matmul %convert_element_type3A_419, %convert_element_type3A_420, %dot_general3A_421 {dimension_numbers = #tpu.dot_dimension_numbers<[2], [1], [1], [2], [0, 0, 0, 1, 1, 2], [0], [0]>, transpose_lhs_hint = false} : vector<25x128x128xbf16>, vector<25x128x32xbf16>, vector<25x128x32xf32> -> vector<25x128x32xf32>
    %add3A_423 = arith.addf %add3A_405, %dot_general3A_422 : vector<25x128x32xf32>
    %reshape3A_424 = vector.shape_cast %add3A_423 : vector<25x128x32xf32> to vector<3200x32xf32>
    %convert_element_type3A_425 = arith.truncf %reshape3A_424 : vector<3200x32xf32> to vector<3200x32xbf16>
    %dot_general3A_426 = arith.constant dense<0.000000e+00> : vector<3200x128xf32>
    %dot_general3A_427 = tpu.matmul %convert_element_type3A_425, %get3A_176, %dot_general3A_426 {dimension_numbers = #tpu.dot_dimension_numbers<[1], [0], [0], [1], [0, 0, 1, 1], [], []>, transpose_lhs_hint = false} : vector<3200x32xbf16>, vector<32x128xbf16>, vector<3200x128xf32> -> vector<3200x128xf32>
    %mul3A_428 = arith.constant -1.44269502 : f32
    %mul3A_429 = vector.broadcast %mul3A_428 : f32 to vector<3200x128xf32>
    %mul3A_430 = arith.mulf %dot_general3A_427, %mul3A_429 : vector<3200x128xf32>
    %exp23A_431 = math.exp2 %mul3A_430 : vector<3200x128xf32>
    %add3A_432 = arith.constant 1.000000e+00 : f32
    %add3A_433 = vector.broadcast %add3A_432 : f32 to vector<3200x128xf32>
    %add3A_434 = arith.addf %add3A_433, %exp23A_431 : vector<3200x128xf32>
    %div3A_435 = arith.divf %dot_general3A_427, %add3A_434 : vector<3200x128xf32>
    %convert_element_type3A_436 = arith.truncf %div3A_435 : vector<3200x128xf32> to vector<3200x128xbf16>
    %dot_general3A_437 = arith.constant dense<0.000000e+00> : vector<3200x128xf32>
    %dot_general3A_438 = tpu.matmul %convert_element_type3A_436, %get3A_179, %dot_general3A_437 {dimension_numbers = #tpu.dot_dimension_numbers<[1], [0], [0], [1], [0, 0, 1, 1], [], []>, transpose_lhs_hint = false} : vector<3200x128xbf16>, vector<128x128xbf16>, vector<3200x128xf32> -> vector<3200x128xf32>
    %mul3A_439 = arith.constant -1.44269502 : f32
    %mul3A_440 = vector.broadcast %mul3A_439 : f32 to vector<3200x128xf32>
    %mul3A_441 = arith.mulf %dot_general3A_438, %mul3A_440 : vector<3200x128xf32>
    %exp23A_442 = math.exp2 %mul3A_441 : vector<3200x128xf32>
    %add3A_443 = arith.constant 1.000000e+00 : f32
    %add3A_444 = vector.broadcast %add3A_443 : f32 to vector<3200x128xf32>
    %add3A_445 = arith.addf %add3A_444, %exp23A_442 : vector<3200x128xf32>
    %div3A_446 = arith.divf %dot_general3A_438, %add3A_445 : vector<3200x128xf32>
    %convert_element_type3A_447 = arith.truncf %div3A_446 : vector<3200x128xf32> to vector<3200x128xbf16>
    %dot_general3A_448 = arith.constant dense<0.000000e+00> : vector<3200x128xf32>
    %dot_general3A_449 = tpu.matmul %convert_element_type3A_447, %get3A_182, %dot_general3A_448 {dimension_numbers = #tpu.dot_dimension_numbers<[1], [0], [0], [1], [0, 0, 1, 1], [], []>, transpose_lhs_hint = false} : vector<3200x128xbf16>, vector<128x128xbf16>, vector<3200x128xf32> -> vector<3200x128xf32>
    %mul3A_450 = arith.constant -1.44269502 : f32
    %mul3A_451 = vector.broadcast %mul3A_450 : f32 to vector<3200x128xf32>
    %mul3A_452 = arith.mulf %dot_general3A_449, %mul3A_451 : vector<3200x128xf32>
    %exp23A_453 = math.exp2 %mul3A_452 : vector<3200x128xf32>
    %add3A_454 = arith.constant 1.000000e+00 : f32
    %add3A_455 = vector.broadcast %add3A_454 : f32 to vector<3200x128xf32>
    %add3A_456 = arith.addf %add3A_455, %exp23A_453 : vector<3200x128xf32>
    %div3A_457 = arith.divf %dot_general3A_449, %add3A_456 : vector<3200x128xf32>
    %add3A_458 = arith.addf %div3A_435, %div3A_457 : vector<3200x128xf32>
    %mul3A_459 = arith.constant 0.707106769 : f32
    %mul3A_460 = vector.broadcast %mul3A_459 : f32 to vector<3200x128xf32>
    %mul3A_461 = arith.mulf %add3A_458, %mul3A_460 : vector<3200x128xf32>
    %add3A_462 = arith.addf %mul3A_461, %mul3A_61 : vector<3200x128xf32>
    %mul3A_463 = arith.constant 0.707106769 : f32
    %mul3A_464 = vector.broadcast %mul3A_463 : f32 to vector<3200x128xf32>
    %mul3A_465 = arith.mulf %add3A_462, %mul3A_464 : vector<3200x128xf32>
    %convert_element_type3A_466 = arith.truncf %mul3A_465 : vector<3200x128xf32> to vector<3200x128xbf16>
    %dot_general3A_467 = arith.constant dense<0.000000e+00> : vector<3200x128xf32>
    %dot_general3A_468 = tpu.matmul %convert_element_type3A_466, %get3A_185, %dot_general3A_467 {dimension_numbers = #tpu.dot_dimension_numbers<[1], [0], [0], [1], [0, 0, 1, 1], [], []>, transpose_lhs_hint = false} : vector<3200x128xbf16>, vector<128x128xbf16>, vector<3200x128xf32> -> vector<3200x128xf32>
    %mul3A_469 = arith.constant -1.44269502 : f32
    %mul3A_470 = vector.broadcast %mul3A_469 : f32 to vector<3200x128xf32>
    %mul3A_471 = arith.mulf %dot_general3A_468, %mul3A_470 : vector<3200x128xf32>
    %exp23A_472 = math.exp2 %mul3A_471 : vector<3200x128xf32>
    %add3A_473 = arith.constant 1.000000e+00 : f32
    %add3A_474 = vector.broadcast %add3A_473 : f32 to vector<3200x128xf32>
    %add3A_475 = arith.addf %add3A_474, %exp23A_472 : vector<3200x128xf32>
    %div3A_476 = arith.divf %dot_general3A_468, %add3A_475 : vector<3200x128xf32>
    %convert_element_type3A_477 = arith.truncf %div3A_476 : vector<3200x128xf32> to vector<3200x128xbf16>
    %dot_general3A_478 = arith.constant dense<0.000000e+00> : vector<3200x128xf32>
    %dot_general3A_479 = tpu.matmul %convert_element_type3A_477, %get3A_188, %dot_general3A_478 {dimension_numbers = #tpu.dot_dimension_numbers<[1], [0], [0], [1], [0, 0, 1, 1], [], []>, transpose_lhs_hint = false} : vector<3200x128xbf16>, vector<128x128xbf16>, vector<3200x128xf32> -> vector<3200x128xf32>
    %mul3A_480 = arith.constant -1.44269502 : f32
    %mul3A_481 = vector.broadcast %mul3A_480 : f32 to vector<3200x128xf32>
    %mul3A_482 = arith.mulf %dot_general3A_479, %mul3A_481 : vector<3200x128xf32>
    %exp23A_483 = math.exp2 %mul3A_482 : vector<3200x128xf32>
    %add3A_484 = arith.constant 1.000000e+00 : f32
    %add3A_485 = vector.broadcast %add3A_484 : f32 to vector<3200x128xf32>
    %add3A_486 = arith.addf %add3A_485, %exp23A_483 : vector<3200x128xf32>
    %div3A_487 = arith.divf %dot_general3A_479, %add3A_486 : vector<3200x128xf32>
    %add3A_488 = arith.addf %mul3A_465, %div3A_487 : vector<3200x128xf32>
    %mul3A_489 = arith.constant 0.707106769 : f32
    %mul3A_490 = vector.broadcast %mul3A_489 : f32 to vector<3200x128xf32>
    %mul3A_491 = arith.mulf %add3A_488, %mul3A_490 : vector<3200x128xf32>
    %convert_element_type3A_492 = arith.truncf %mul3A_491 : vector<3200x128xf32> to vector<3200x128xbf16>
    %dot_general3A_493 = arith.constant dense<0.000000e+00> : vector<3200x128xf32>
    %dot_general3A_494 = tpu.matmul %convert_element_type3A_492, %get3A_191, %dot_general3A_493 {dimension_numbers = #tpu.dot_dimension_numbers<[1], [0], [0], [1], [0, 0, 1, 1], [], []>, transpose_lhs_hint = false} : vector<3200x128xbf16>, vector<128x128xbf16>, vector<3200x128xf32> -> vector<3200x128xf32>
    %mul3A_495 = arith.constant -1.44269502 : f32
    %mul3A_496 = vector.broadcast %mul3A_495 : f32 to vector<3200x128xf32>
    %mul3A_497 = arith.mulf %dot_general3A_494, %mul3A_496 : vector<3200x128xf32>
    %exp23A_498 = math.exp2 %mul3A_497 : vector<3200x128xf32>
    %add3A_499 = arith.constant 1.000000e+00 : f32
    %add3A_500 = vector.broadcast %add3A_499 : f32 to vector<3200x128xf32>
    %add3A_501 = arith.addf %add3A_500, %exp23A_498 : vector<3200x128xf32>
    %div3A_502 = arith.divf %dot_general3A_494, %add3A_501 : vector<3200x128xf32>
    %dot_general3A_503 = arith.constant dense<0.000000e+00> : vector<3200x128xf32>
    %dot_general3A_504 = tpu.matmul %slice3A_17, %get3A_194, %dot_general3A_503 {dimension_numbers = #tpu.dot_dimension_numbers<[1], [0], [0], [1], [0, 0, 1, 1], [], []>, transpose_lhs_hint = false} : vector<3200x16xf32>, vector<16x128xf32>, vector<3200x128xf32> -> vector<3200x128xf32>
    %mul3A_505 = arith.mulf %div3A_502, %dot_general3A_504 : vector<3200x128xf32>
    %reshape3A_506 = vector.shape_cast %mul3A_505 : vector<3200x128xf32> to vector<200x16x128xf32>
    %reduce_sum3A_507 = arith.constant dense<0.000000e+00> : vector<200x128xf32>
    %reduce_sum3A_508 = vector.multi_reduction <add>, %reshape3A_506, %reduce_sum3A_507 [1] : vector<200x16x128xf32> to vector<200x128xf32>
    %convert_element_type3A_509 = arith.truncf %reduce_sum3A_508 : vector<200x128xf32> to vector<200x128xbf16>
    %dot_general3A_510 = arith.constant dense<0.000000e+00> : vector<200x128xf32>
    %dot_general3A_511 = tpu.matmul %convert_element_type3A_509, %get3A_197, %dot_general3A_510 {dimension_numbers = #tpu.dot_dimension_numbers<[1], [0], [0], [1], [0, 0, 1, 1], [], []>, transpose_lhs_hint = false} : vector<200x128xbf16>, vector<128x128xbf16>, vector<200x128xf32> -> vector<200x128xf32>
    %mul3A_512 = arith.constant -1.44269502 : f32
    %mul3A_513 = vector.broadcast %mul3A_512 : f32 to vector<200x128xf32>
    %mul3A_514 = arith.mulf %dot_general3A_511, %mul3A_513 : vector<200x128xf32>
    %exp23A_515 = math.exp2 %mul3A_514 : vector<200x128xf32>
    %add3A_516 = arith.constant 1.000000e+00 : f32
    %add3A_517 = vector.broadcast %add3A_516 : f32 to vector<200x128xf32>
    %add3A_518 = arith.addf %add3A_517, %exp23A_515 : vector<200x128xf32>
    %div3A_519 = arith.divf %dot_general3A_511, %add3A_518 : vector<200x128xf32>
    %convert_element_type3A_520 = arith.truncf %div3A_519 : vector<200x128xf32> to vector<200x128xbf16>
    %dot_general3A_521 = arith.constant dense<0.000000e+00> : vector<200x128xf32>
    %dot_general3A_522 = tpu.matmul %convert_element_type3A_520, %get3A_200, %dot_general3A_521 {dimension_numbers = #tpu.dot_dimension_numbers<[1], [0], [0], [1], [0, 0, 1, 1], [], []>, transpose_lhs_hint = false} : vector<200x128xbf16>, vector<128x128xbf16>, vector<200x128xf32> -> vector<200x128xf32>
    %mul3A_523 = arith.constant -1.44269502 : f32
    %mul3A_524 = vector.broadcast %mul3A_523 : f32 to vector<200x128xf32>
    %mul3A_525 = arith.mulf %dot_general3A_522, %mul3A_524 : vector<200x128xf32>
    %exp23A_526 = math.exp2 %mul3A_525 : vector<200x128xf32>
    %add3A_527 = arith.constant 1.000000e+00 : f32
    %add3A_528 = vector.broadcast %add3A_527 : f32 to vector<200x128xf32>
    %add3A_529 = arith.addf %add3A_528, %exp23A_526 : vector<200x128xf32>
    %div3A_530 = arith.divf %dot_general3A_522, %add3A_529 : vector<200x128xf32>
    %add3A_531 = arith.addf %reduce_sum3A_508, %div3A_530 : vector<200x128xf32>
    %mul3A_532 = arith.constant 0.707106769 : f32
    %mul3A_533 = vector.broadcast %mul3A_532 : f32 to vector<200x128xf32>
    %mul3A_534 = arith.mulf %add3A_531, %mul3A_533 : vector<200x128xf32>
    %convert_element_type3A_535 = arith.truncf %mul3A_534 : vector<200x128xf32> to vector<200x128xbf16>
    %dot_general3A_536 = arith.constant dense<0.000000e+00> : vector<200x128xf32>
    %dot_general3A_537 = tpu.matmul %convert_element_type3A_535, %get3A_203, %dot_general3A_536 {dimension_numbers = #tpu.dot_dimension_numbers<[1], [0], [0], [1], [0, 0, 1, 1], [], []>, transpose_lhs_hint = false} : vector<200x128xbf16>, vector<128x128xbf16>, vector<200x128xf32> -> vector<200x128xf32>
    %mul3A_538 = arith.constant -1.44269502 : f32
    %mul3A_539 = vector.broadcast %mul3A_538 : f32 to vector<200x128xf32>
    %mul3A_540 = arith.mulf %dot_general3A_537, %mul3A_539 : vector<200x128xf32>
    %exp23A_541 = math.exp2 %mul3A_540 : vector<200x128xf32>
    %add3A_542 = arith.constant 1.000000e+00 : f32
    %add3A_543 = vector.broadcast %add3A_542 : f32 to vector<200x128xf32>
    %add3A_544 = arith.addf %add3A_543, %exp23A_541 : vector<200x128xf32>
    %div3A_545 = arith.divf %dot_general3A_537, %add3A_544 : vector<200x128xf32>
    %convert_element_type3A_546 = arith.truncf %div3A_545 : vector<200x128xf32> to vector<200x128xbf16>
    %dot_general3A_547 = arith.constant dense<0.000000e+00> : vector<200x128xf32>
    %dot_general3A_548 = tpu.matmul %convert_element_type3A_546, %get3A_206, %dot_general3A_547 {dimension_numbers = #tpu.dot_dimension_numbers<[1], [0], [0], [1], [0, 0, 1, 1], [], []>, transpose_lhs_hint = false} : vector<200x128xbf16>, vector<128x128xbf16>, vector<200x128xf32> -> vector<200x128xf32>
    %mul3A_549 = arith.constant -1.44269502 : f32
    %mul3A_550 = vector.broadcast %mul3A_549 : f32 to vector<200x128xf32>
    %mul3A_551 = arith.mulf %dot_general3A_548, %mul3A_550 : vector<200x128xf32>
    %exp23A_552 = math.exp2 %mul3A_551 : vector<200x128xf32>
    %add3A_553 = arith.constant 1.000000e+00 : f32
    %add3A_554 = vector.broadcast %add3A_553 : f32 to vector<200x128xf32>
    %add3A_555 = arith.addf %add3A_554, %exp23A_552 : vector<200x128xf32>
    %div3A_556 = arith.divf %dot_general3A_548, %add3A_555 : vector<200x128xf32>
    %add3A_557 = arith.addf %mul3A_534, %div3A_556 : vector<200x128xf32>
    %mul3A_558 = arith.constant 0.707106769 : f32
    %mul3A_559 = vector.broadcast %mul3A_558 : f32 to vector<200x128xf32>
    %mul3A_560 = arith.mulf %add3A_557, %mul3A_559 : vector<200x128xf32>
    %add3A_561 = arith.addf %get3A_161, %mul3A_560 : vector<200x128xf32>
    %convert_element_type3A_562 = arith.truncf %add3A_561 : vector<200x128xf32> to vector<200x128xbf16>
    %dot_general3A_563 = arith.constant dense<0.000000e+00> : vector<200x128xf32>
    %dot_general3A_564 = tpu.matmul %convert_element_type3A_562, %get3A_209, %dot_general3A_563 {dimension_numbers = #tpu.dot_dimension_numbers<[1], [0], [0], [1], [0, 0, 1, 1], [], []>, transpose_lhs_hint = false} : vector<200x128xbf16>, vector<128x128xbf16>, vector<200x128xf32> -> vector<200x128xf32>
    %convert_element_type3A_565 = arith.truncf %add3A_561 : vector<200x128xf32> to vector<200x128xbf16>
    %dot_general3A_566 = arith.constant dense<0.000000e+00> : vector<200x128xf32>
    %dot_general3A_567 = tpu.matmul %convert_element_type3A_565, %get3A_212, %dot_general3A_566 {dimension_numbers = #tpu.dot_dimension_numbers<[1], [0], [0], [1], [0, 0, 1, 1], [], []>, transpose_lhs_hint = false} : vector<200x128xbf16>, vector<128x128xbf16>, vector<200x128xf32> -> vector<200x128xf32>
    %convert_element_type3A_568 = arith.truncf %mul3A_491 : vector<3200x128xf32> to vector<3200x128xbf16>
    %dot_general3A_569 = arith.constant dense<0.000000e+00> : vector<3200x128xf32>
    %dot_general3A_570 = tpu.matmul %convert_element_type3A_568, %get3A_215, %dot_general3A_569 {dimension_numbers = #tpu.dot_dimension_numbers<[1], [0], [0], [1], [0, 0, 1, 1], [], []>, transpose_lhs_hint = false} : vector<3200x128xbf16>, vector<128x128xbf16>, vector<3200x128xf32> -> vector<3200x128xf32>
    %broadcast_in_dim3A_571 = vector.shape_cast %dot_general3A_567 : vector<200x128xf32> to vector<200x1x128xf32>
    %broadcast_in_dim3A_572 = vector.shape_cast %broadcast_in_dim3A_571 : vector<200x1x128xf32> to vector<200x1x128xf32>
    %broadcast_in_dim3A_573 = vector.broadcast %broadcast_in_dim3A_572 : vector<200x1x128xf32> to vector<200x16x128xf32>
    %reshape3A_574 = vector.shape_cast %broadcast_in_dim3A_573 : vector<200x16x128xf32> to vector<3200x128xf32>
    %add3A_575 = arith.addf %dot_general3A_570, %reshape3A_574 : vector<3200x128xf32>
    %add3A_576 = vector.broadcast %get3A_218 : vector<1x128xf32> to vector<3200x128xf32>
    %add3A_577 = arith.addf %add3A_575, %add3A_576 : vector<3200x128xf32>
    %swap3A = arith.constant 0 : index
    %swap3A_578 = arith.constant 0 : index
    %swap3A_579 = vector.load %arg36[%swap3A, %swap3A_578] : memref<200x128xf32, #tpu.memory_space<vmem>>, vector<200x128xf32>
    tpu.vector_store %arg36[%swap3A, %swap3A_578], %add3A_561 {strides = array<i32>} : memref<200x128xf32, #tpu.memory_space<vmem>>, vector<200x128xf32>,
    %swap3A_580 = arith.constant 0 : index
    %swap3A_581 = arith.constant 0 : index
    %swap3A_582 = vector.load %arg37[%swap3A_580, %swap3A_581] : memref<200x128xf32, #tpu.memory_space<vmem>>, vector<200x128xf32>
    tpu.vector_store %arg37[%swap3A_580, %swap3A_581], %dot_general3A_564 {strides = array<i32>} : memref<200x128xf32, #tpu.memory_space<vmem>>, vector<200x128xf32>,
    %swap3A_583 = arith.constant 0 : index
    %swap3A_584 = arith.constant 0 : index
    %swap3A_585 = vector.load %arg38[%swap3A_583, %swap3A_584] : memref<3200x128xf32, #tpu.memory_space<vmem>>, vector<3200x128xf32>
    tpu.vector_store %arg38[%swap3A_583, %swap3A_584], %add3A_577 {strides = array<i32>} : memref<3200x128xf32, #tpu.memory_space<vmem>>, vector<3200x128xf32>,
    %eq3A_586 = arith.constant 0 : i32
    %eq3A_587 = arith.cmpi eq, %arg0, %eq3A_586 : i32
    %convert_element_type3A_588 = arith.extui %eq3A_587 : i1 to i32
    %cond3A = arith.constant 0 : i32
    %cond3A_589 = arith.cmpi ne, %convert_element_type3A_588, %cond3A : i32
    scf.if %cond3A_589 {
      %broadcast_in_dim3A_601 = arith.constant 0.000000e+00 : f32
      %broadcast_in_dim3A_602 = vector.broadcast %broadcast_in_dim3A_601 : f32 to vector<1x1xf32>
      %swap3A_603 = arith.constant 0 : index
      %swap3A_604 = arith.constant 0 : index
      %swap3A_605 = vector.load %arg35[%swap3A_603, %swap3A_604] : memref<1x1xf32, #tpu.memory_space<vmem>>, vector<1x1xf32>
      tpu.vector_store %arg35[%swap3A_603, %swap3A_604], %broadcast_in_dim3A_602 {strides = array<i32>} : memref<1x1xf32, #tpu.memory_space<vmem>>, vector<1x1xf32>,
    } else {
    }
    %get3A_590 = arith.constant 0 : index
    %get3A_591 = arith.constant 0 : index
    %get3A_592 = vector.load %arg35[%get3A_590, %get3A_591] : memref<1x1xf32, #tpu.memory_space<vmem>>, vector<1x1xf32>
    %broadcast_in_dim3A_593 = arith.constant 0.000000e+00 : f32
    %broadcast_in_dim3A_594 = vector.broadcast %broadcast_in_dim3A_593 : f32 to vector<1x1xf32>
    %add3A_595 = arith.addf %get3A_592, %broadcast_in_dim3A_594 : vector<1x1xf32>
    %add3A_596 = vector.broadcast %reduce_sum3A_158 : f32 to vector<1x1xf32>
    %add3A_597 = arith.addf %add3A_595, %add3A_596 : vector<1x1xf32>
    %swap3A_598 = arith.constant 0 : index
    %swap3A_599 = arith.constant 0 : index
    %swap3A_600 = vector.load %arg35[%swap3A_598, %swap3A_599] : memref<1x1xf32, #tpu.memory_space<vmem>>, vector<1x1xf32>
    tpu.vector_store %arg35[%swap3A_598, %swap3A_599], %add3A_597 {strides = array<i32>} : memref<1x1xf32, #tpu.memory_space<vmem>>, vector<1x1xf32>,
    return
  }
  func.func @transform_0(%arg0: i32) -> (i32, i32) {
    %c0_i32 = arith.constant 0 : i32
    %c0_i32_0 = arith.constant 0 : i32
    return %arg0, %c0_i32 : i32, i32
  }
  func.func @transform_1(%arg0: i32) -> (i32, i32) {
    %c0_i32 = arith.constant 0 : i32
    %c0_i32_0 = arith.constant 0 : i32
    return %arg0, %c0_i32 : i32, i32
  }
  func.func @transform_2(%arg0: i32) -> (i32, i32) {
    %c0_i32 = arith.constant 0 : i32
    %c0_i32_0 = arith.constant 0 : i32
    return %arg0, %c0_i32 : i32, i32
  }
  func.func @transform_3(%arg0: i32) -> (i32, i32) {
    %c0_i32 = arith.constant 0 : i32
    %c0_i32_0 = arith.constant 0 : i32
    return %arg0, %c0_i32 : i32, i32
  }
  func.func @transform_4(%arg0: i32) -> (i32, i32) {
    %c0_i32 = arith.constant 0 : i32
    %c0_i32_0 = arith.constant 0 : i32
    return %arg0, %c0_i32 : i32, i32
  }
  func.func @transform_5(%arg0: i32) -> (i32, i32) {
    %c0_i32 = arith.constant 0 : i32
    %c0_i32_0 = arith.constant 0 : i32
    return %arg0, %c0_i32 : i32, i32
  }
  func.func @transform_6(%arg0: i32) -> (i32, i32) {
    %c0_i32 = arith.constant 0 : i32
    %c0_i32_0 = arith.constant 0 : i32
    %c0_i32_1 = arith.constant 0 : i32
    return %c0_i32, %c0_i32_0 : i32, i32
  }
  func.func @transform_7(%arg0: i32) -> (i32, i32) {
    %c0_i32 = arith.constant 0 : i32
    %c0_i32_0 = arith.constant 0 : i32
    %c0_i32_1 = arith.constant 0 : i32
    return %c0_i32, %c0_i32_0 : i32, i32
  }
  func.func @transform_8(%arg0: i32) -> (i32, i32) {
    %c0_i32 = arith.constant 0 : i32
    %c0_i32_0 = arith.constant 0 : i32
    %c0_i32_1 = arith.constant 0 : i32
    return %c0_i32, %c0_i32_0 : i32, i32
  }
  func.func @transform_9(%arg0: i32) -> (i32, i32) {
    %c0_i32 = arith.constant 0 : i32
    %c0_i32_0 = arith.constant 0 : i32
    %c0_i32_1 = arith.constant 0 : i32
    return %c0_i32, %c0_i32_0 : i32, i32
  }
  func.func @transform_10(%arg0: i32) -> (i32, i32) {
    %c0_i32 = arith.constant 0 : i32
    %c0_i32_0 = arith.constant 0 : i32
    %c0_i32_1 = arith.constant 0 : i32
    return %c0_i32, %c0_i32_0 : i32, i32
  }
  func.func @transform_11(%arg0: i32) -> (i32, i32) {
    %c0_i32 = arith.constant 0 : i32
    %c0_i32_0 = arith.constant 0 : i32
    %c0_i32_1 = arith.constant 0 : i32
    return %c0_i32, %c0_i32_0 : i32, i32
  }
  func.func @transform_12(%arg0: i32) -> (i32, i32) {
    %c0_i32 = arith.constant 0 : i32
    %c0_i32_0 = arith.constant 0 : i32
    %c0_i32_1 = arith.constant 0 : i32
    return %c0_i32, %c0_i32_0 : i32, i32
  }
  func.func @transform_13(%arg0: i32) -> (i32, i32) {
    %c0_i32 = arith.constant 0 : i32
    %c0_i32_0 = arith.constant 0 : i32
    %c0_i32_1 = arith.constant 0 : i32
    return %c0_i32, %c0_i32_0 : i32, i32
  }
  func.func @transform_14(%arg0: i32) -> (i32, i32) {
    %c0_i32 = arith.constant 0 : i32
    %c0_i32_0 = arith.constant 0 : i32
    %c0_i32_1 = arith.constant 0 : i32
    return %c0_i32, %c0_i32_0 : i32, i32
  }
  func.func @transform_15(%arg0: i32) -> (i32, i32) {
    %c0_i32 = arith.constant 0 : i32
    %c0_i32_0 = arith.constant 0 : i32
    %c0_i32_1 = arith.constant 0 : i32
    return %c0_i32, %c0_i32_0 : i32, i32
  }
  func.func @transform_16(%arg0: i32) -> (i32, i32) {
    %c0_i32 = arith.constant 0 : i32
    %c0_i32_0 = arith.constant 0 : i32
    %c0_i32_1 = arith.constant 0 : i32
    return %c0_i32, %c0_i32_0 : i32, i32
  }
  func.func @transform_17(%arg0: i32) -> (i32, i32) {
    %c0_i32 = arith.constant 0 : i32
    %c0_i32_0 = arith.constant 0 : i32
    %c0_i32_1 = arith.constant 0 : i32
    return %c0_i32, %c0_i32_0 : i32, i32
  }
  func.func @transform_18(%arg0: i32) -> (i32, i32) {
    %c0_i32 = arith.constant 0 : i32
    %c0_i32_0 = arith.constant 0 : i32
    %c0_i32_1 = arith.constant 0 : i32
    return %c0_i32, %c0_i32_0 : i32, i32
  }
  func.func @transform_19(%arg0: i32) -> (i32, i32) {
    %c0_i32 = arith.constant 0 : i32
    %c0_i32_0 = arith.constant 0 : i32
    %c0_i32_1 = arith.constant 0 : i32
    return %c0_i32, %c0_i32_0 : i32, i32
  }
  func.func @transform_20(%arg0: i32) -> (i32, i32) {
    %c0_i32 = arith.constant 0 : i32
    %c0_i32_0 = arith.constant 0 : i32
    %c0_i32_1 = arith.constant 0 : i32
    return %c0_i32, %c0_i32_0 : i32, i32
  }
  func.func @transform_21(%arg0: i32) -> (i32, i32) {
    %c0_i32 = arith.constant 0 : i32
    %c0_i32_0 = arith.constant 0 : i32
    %c0_i32_1 = arith.constant 0 : i32
    return %c0_i32, %c0_i32_0 : i32, i32
  }
  func.func @transform_22(%arg0: i32) -> (i32, i32) {
    %c0_i32 = arith.constant 0 : i32
    %c0_i32_0 = arith.constant 0 : i32
    %c0_i32_1 = arith.constant 0 : i32
    return %c0_i32, %c0_i32_0 : i32, i32
  }
  func.func @transform_23(%arg0: i32) -> (i32, i32) {
    %c0_i32 = arith.constant 0 : i32
    %c0_i32_0 = arith.constant 0 : i32
    %c0_i32_1 = arith.constant 0 : i32
    return %c0_i32, %c0_i32_0 : i32, i32
  }
  func.func @transform_24(%arg0: i32) -> (i32, i32) {
    %c0_i32 = arith.constant 0 : i32
    %c0_i32_0 = arith.constant 0 : i32
    %c0_i32_1 = arith.constant 0 : i32
    return %c0_i32, %c0_i32_0 : i32, i32
  }
  func.func @transform_25(%arg0: i32) -> (i32, i32) {
    %c0_i32 = arith.constant 0 : i32
    %c0_i32_0 = arith.constant 0 : i32
    %c0_i32_1 = arith.constant 0 : i32
    return %c0_i32, %c0_i32_0 : i32, i32
  }
  func.func @transform_26(%arg0: i32) -> (i32, i32) {
    %c0_i32 = arith.constant 0 : i32
    %c0_i32_0 = arith.constant 0 : i32
    %c0_i32_1 = arith.constant 0 : i32
    return %c0_i32, %c0_i32_0 : i32, i32
  }
  func.func @transform_27(%arg0: i32) -> (i32, i32) {
    %c0_i32 = arith.constant 0 : i32
    %c0_i32_0 = arith.constant 0 : i32
    %c0_i32_1 = arith.constant 0 : i32
    return %c0_i32, %c0_i32_0 : i32, i32
  }
  func.func @transform_28(%arg0: i32) -> (i32, i32) {
    %c0_i32 = arith.constant 0 : i32
    %c0_i32_0 = arith.constant 0 : i32
    %c0_i32_1 = arith.constant 0 : i32
    return %c0_i32, %c0_i32_0 : i32, i32
  }
  func.func @transform_29(%arg0: i32) -> (i32, i32) {
    %c0_i32 = arith.constant 0 : i32
    %c0_i32_0 = arith.constant 0 : i32
    %c0_i32_1 = arith.constant 0 : i32
    return %c0_i32, %c0_i32_0 : i32, i32
  }
  func.func @transform_30(%arg0: i32) -> (i32, i32) {
    %c0_i32 = arith.constant 0 : i32
    %c0_i32_0 = arith.constant 0 : i32
    %c0_i32_1 = arith.constant 0 : i32
    return %c0_i32, %c0_i32_0 : i32, i32
  }
  func.func @transform_31(%arg0: i32) -> (i32, i32) {
    %c0_i32 = arith.constant 0 : i32
    %c0_i32_0 = arith.constant 0 : i32
    %c0_i32_1 = arith.constant 0 : i32
    return %c0_i32, %c0_i32_0 : i32, i32
  }
  func.func @transform_32(%arg0: i32) -> (i32, i32) {
    %c0_i32 = arith.constant 0 : i32
    %c0_i32_0 = arith.constant 0 : i32
    %c0_i32_1 = arith.constant 0 : i32
    return %c0_i32, %c0_i32_0 : i32, i32
  }
  func.func @transform_33(%arg0: i32) -> (i32, i32) {
    %c0_i32 = arith.constant 0 : i32
    %c0_i32_0 = arith.constant 0 : i32
    %c0_i32_1 = arith.constant 0 : i32
    return %c0_i32, %c0_i32_0 : i32, i32
  }
  func.func @transform_34(%arg0: i32) -> (i32, i32) {
    %c0_i32 = arith.constant 0 : i32
    %c0_i32_0 = arith.constant 0 : i32
    %c0_i32_1 = arith.constant 0 : i32
    return %c0_i32, %c0_i32_0 : i32, i32
  }
  func.func @transform_35(%arg0: i32) -> (i32, i32) {
    %c0_i32 = arith.constant 0 : i32
    %c0_i32_0 = arith.constant 0 : i32
    return %arg0, %c0_i32 : i32, i32
  }
  func.func @transform_36(%arg0: i32) -> (i32, i32) {
    %c0_i32 = arith.constant 0 : i32
    %c0_i32_0 = arith.constant 0 : i32
    return %arg0, %c0_i32 : i32, i32
  }
  func.func @transform_37(%arg0: i32) -> (i32, i32) {
    %c0_i32 = arith.constant 0 : i32
    %c0_i32_0 = arith.constant 0 : i32
    return %arg0, %c0_i32 : i32, i32
  }
}

module attributes {stable_mosaic.version = 14 : i64} {
  func.func @_p1_body(%arg0: i32, %arg1: memref<3200x256xf32, #tpu.memory_space<vmem>>, %arg2: memref<200x128xf32, #tpu.memory_space<vmem>>, %arg3: memref<200x128xf32, #tpu.memory_space<vmem>>, %arg4: memref<128x128xf32, #tpu.memory_space<vmem>>, %arg5: memref<128x128xbf16, #tpu.memory_space<vmem>>, %arg6: memref<1x128xf32, #tpu.memory_space<vmem>>, %arg7: memref<128x16xf32, #tpu.memory_space<vmem>>, %arg8: memref<128x16xf32, #tpu.memory_space<vmem>>, %arg9: memref<128x16xf32, #tpu.memory_space<vmem>>, %arg10: memref<16x128xf32, #tpu.memory_space<vmem>>, %arg11: memref<128x128xbf16, #tpu.memory_space<vmem>>, %arg12: memref<128x128xbf16, #tpu.memory_space<vmem>>, %arg13: memref<128x128xbf16, #tpu.memory_space<vmem>>, %arg14: memref<128x128xbf16, #tpu.memory_space<vmem>>, %arg15: memref<128x128xbf16, #tpu.memory_space<vmem>>, %arg16: memref<1x128xf32, #tpu.memory_space<vmem>>, %arg17: memref<128x128xbf16, #tpu.memory_space<vmem>>, %arg18: memref<16x128xf32, #tpu.memory_space<vmem>>, %arg19: memref<128x32xbf16, #tpu.memory_space<vmem>>, %arg20: memref<32x224xbf16, #tpu.memory_space<vmem>>, %arg21: memref<32x128xbf16, #tpu.memory_space<vmem>>, %arg22: memref<128x128xbf16, #tpu.memory_space<vmem>>, %arg23: memref<128x128xbf16, #tpu.memory_space<vmem>>, %arg24: memref<128x128xbf16, #tpu.memory_space<vmem>>, %arg25: memref<128x128xbf16, #tpu.memory_space<vmem>>, %arg26: memref<128x128xbf16, #tpu.memory_space<vmem>>, %arg27: memref<16x128xf32, #tpu.memory_space<vmem>>, %arg28: memref<128x128xbf16, #tpu.memory_space<vmem>>, %arg29: memref<128x128xbf16, #tpu.memory_space<vmem>>, %arg30: memref<128x128xbf16, #tpu.memory_space<vmem>>, %arg31: memref<128x128xbf16, #tpu.memory_space<vmem>>, %arg32: memref<128x128xbf16, #tpu.memory_space<vmem>>, %arg33: memref<128x128xbf16, #tpu.memory_space<vmem>>, %arg34: memref<128x128xbf16, #tpu.memory_space<vmem>>, %arg35: memref<1x128xf32, #tpu.memory_space<vmem>>, %arg36: memref<1x1xf32, #tpu.memory_space<vmem>>, %arg37: memref<200x128xf32, #tpu.memory_space<vmem>>, %arg38: memref<200x128xf32, #tpu.memory_space<vmem>>, %arg39: memref<3200x128xf32, #tpu.memory_space<vmem>>, %arg40: memref<3200x48xf32, #tpu.memory_space<vmem>>) attributes {dimension_semantics = [#tpu.dimension_semantics<arbitrary>], iteration_bounds = array<i64: 50>, scalar_prefetch = 0 : i64, scratch_operands = 0 : i64, tpu.core_type = #tpu.core_type<tc>, window_params = [{transform_indices = @transform_0, window_bounds = array<i64: 3200, 256>}, {transform_indices = @transform_1, window_bounds = array<i64: 200, 128>}, {transform_indices = @transform_2, window_bounds = array<i64: 200, 128>}, {pipeline_mode = #tpu.pipeline_mode<synchronous>, transform_indices = @transform_3, window_bounds = array<i64: 128, 128>}, {pipeline_mode = #tpu.pipeline_mode<synchronous>, transform_indices = @transform_4, window_bounds = array<i64: 128, 128>}, {pipeline_mode = #tpu.pipeline_mode<synchronous>, transform_indices = @transform_5, window_bounds = array<i64: 1, 128>}, {pipeline_mode = #tpu.pipeline_mode<synchronous>, transform_indices = @transform_6, window_bounds = array<i64: 128, 16>}, {pipeline_mode = #tpu.pipeline_mode<synchronous>, transform_indices = @transform_7, window_bounds = array<i64: 128, 16>}, {pipeline_mode = #tpu.pipeline_mode<synchronous>, transform_indices = @transform_8, window_bounds = array<i64: 128, 16>}, {pipeline_mode = #tpu.pipeline_mode<synchronous>, transform_indices = @transform_9, window_bounds = array<i64: 16, 128>}, {pipeline_mode = #tpu.pipeline_mode<synchronous>, transform_indices = @transform_10, window_bounds = array<i64: 128, 128>}, {pipeline_mode = #tpu.pipeline_mode<synchronous>, transform_indices = @transform_11, window_bounds = array<i64: 128, 128>}, {pipeline_mode = #tpu.pipeline_mode<synchronous>, transform_indices = @transform_12, window_bounds = array<i64: 128, 128>}, {pipeline_mode = #tpu.pipeline_mode<synchronous>, transform_indices = @transform_13, window_bounds = array<i64: 128, 128>}, {pipeline_mode = #tpu.pipeline_mode<synchronous>, transform_indices = @transform_14, window_bounds = array<i64: 128, 128>}, {pipeline_mode = #tpu.pipeline_mode<synchronous>, transform_indices = @transform_15, window_bounds = array<i64: 1, 128>}, {pipeline_mode = #tpu.pipeline_mode<synchronous>, transform_indices = @transform_16, window_bounds = array<i64: 128, 128>}, {pipeline_mode = #tpu.pipeline_mode<synchronous>, transform_indices = @transform_17, window_bounds = array<i64: 16, 128>}, {pipeline_mode = #tpu.pipeline_mode<synchronous>, transform_indices = @transform_18, window_bounds = array<i64: 128, 32>}, {pipeline_mode = #tpu.pipeline_mode<synchronous>, transform_indices = @transform_19, window_bounds = array<i64: 32, 224>}, {pipeline_mode = #tpu.pipeline_mode<synchronous>, transform_indices = @transform_20, window_bounds = array<i64: 32, 128>}, {pipeline_mode = #tpu.pipeline_mode<synchronous>, transform_indices = @transform_21, window_bounds = array<i64: 128, 128>}, {pipeline_mode = #tpu.pipeline_mode<synchronous>, transform_indices = @transform_22, window_bounds = array<i64: 128, 128>}, {pipeline_mode = #tpu.pipeline_mode<synchronous>, transform_indices = @transform_23, window_bounds = array<i64: 128, 128>}, {pipeline_mode = #tpu.pipeline_mode<synchronous>, transform_indices = @transform_24, window_bounds = array<i64: 128, 128>}, {pipeline_mode = #tpu.pipeline_mode<synchronous>, transform_indices = @transform_25, window_bounds = array<i64: 128, 128>}, {pipeline_mode = #tpu.pipeline_mode<synchronous>, transform_indices = @transform_26, window_bounds = array<i64: 16, 128>}, {pipeline_mode = #tpu.pipeline_mode<synchronous>, transform_indices = @transform_27, window_bounds = array<i64: 128, 128>}, {pipeline_mode = #tpu.pipeline_mode<synchronous>, transform_indices = @transform_28, window_bounds = array<i64: 128, 128>}, {pipeline_mode = #tpu.pipeline_mode<synchronous>, transform_indices = @transform_29, window_bounds = array<i64: 128, 128>}, {pipeline_mode = #tpu.pipeline_mode<synchronous>, transform_indices = @transform_30, window_bounds = array<i64: 128, 128>}, {pipeline_mode = #tpu.pipeline_mode<synchronous>, transform_indices = @transform_31, window_bounds = array<i64: 128, 128>}, {pipeline_mode = #tpu.pipeline_mode<synchronous>, transform_indices = @transform_32, window_bounds = array<i64: 128, 128>}, {pipeline_mode = #tpu.pipeline_mode<synchronous>, transform_indices = @transform_33, window_bounds = array<i64: 128, 128>}, {pipeline_mode = #tpu.pipeline_mode<synchronous>, transform_indices = @transform_34, window_bounds = array<i64: 1, 128>}, {pipeline_mode = #tpu.pipeline_mode<synchronous>, transform_indices = @transform_35, window_bounds = array<i64: 1, 1>}, {transform_indices = @transform_36, window_bounds = array<i64: 200, 128>}, {transform_indices = @transform_37, window_bounds = array<i64: 200, 128>}, {transform_indices = @transform_38, window_bounds = array<i64: 3200, 128>}, {transform_indices = @transform_39, window_bounds = array<i64: 3200, 48>}]} {
    %get3A = arith.constant 0 : index
    %get3A_0 = arith.constant 0 : index
    %get3A_1 = vector.load %arg1[%get3A, %get3A_0] : memref<3200x256xf32, #tpu.memory_space<vmem>>, vector<3200x256xf32>
    %slice3A = vector.extract_strided_slice %get3A_1 {offsets = [0, 128], sizes = [3200, 128], strides = [1, 1]} : vector<3200x256xf32> to vector<3200x128xf32>
    %get3A_2 = arith.constant 0 : index
    %get3A_3 = arith.constant 0 : index
    %get3A_4 = vector.load %arg2[%get3A_2, %get3A_3] : memref<200x128xf32, #tpu.memory_space<vmem>>, vector<200x128xf32>
    %broadcast_in_dim3A = vector.shape_cast %get3A_4 : vector<200x128xf32> to vector<200x1x128xf32>
    %broadcast_in_dim3A_5 = vector.shape_cast %broadcast_in_dim3A : vector<200x1x128xf32> to vector<200x1x128xf32>
    %broadcast_in_dim3A_6 = vector.broadcast %broadcast_in_dim3A_5 : vector<200x1x128xf32> to vector<200x16x128xf32>
    %reshape3A = vector.shape_cast %broadcast_in_dim3A_6 : vector<200x16x128xf32> to vector<3200x128xf32>
    %sub3A = arith.subf %slice3A, %reshape3A : vector<3200x128xf32>
    %mul3A = arith.mulf %sub3A, %sub3A : vector<3200x128xf32>
    %reduce_sum3A = arith.constant dense<0.000000e+00> : vector<3200xf32>
    %reduce_sum3A_7 = vector.multi_reduction <add>, %mul3A, %reduce_sum3A [1] : vector<3200x128xf32> to vector<3200xf32>
    %broadcast_in_dim3A_8 = vector.shape_cast %reduce_sum3A_7 : vector<3200xf32> to vector<3200x1xf32>
    %add3A = arith.constant 1.000000e-10 : f32
    %add3A_9 = vector.broadcast %add3A : f32 to vector<3200x1xf32>
    %add3A_10 = arith.addf %broadcast_in_dim3A_8, %add3A_9 : vector<3200x1xf32>
    %rsqrt3A = math.rsqrt %add3A_10 : vector<3200x1xf32>
    %mul3A_11 = vector.broadcast %rsqrt3A : vector<3200x1xf32> to vector<3200x128xf32>
    %mul3A_12 = arith.mulf %sub3A, %mul3A_11 : vector<3200x128xf32>
    %sqrt3A = math.sqrt %add3A_10 : vector<3200x1xf32>
    %mul3A_13 = arith.constant 0.166666672 : f32
    %mul3A_14 = vector.broadcast %mul3A_13 : f32 to vector<3200x1xf32>
    %mul3A_15 = arith.mulf %sqrt3A, %mul3A_14 : vector<3200x1xf32>
    %mul3A_16 = arith.mulf %mul3A_15, %mul3A_15 : vector<3200x1xf32>
    %mul3A_17 = arith.mulf %mul3A_16, %mul3A_16 : vector<3200x1xf32>
    %mul3A_18 = arith.mulf %mul3A_17, %mul3A_15 : vector<3200x1xf32>
    %mul3A_19 = arith.constant 2.100000e+01 : f32
    %mul3A_20 = vector.broadcast %mul3A_19 : f32 to vector<3200x1xf32>
    %mul3A_21 = arith.mulf %mul3A_20, %mul3A_18 : vector<3200x1xf32>
    %sub3A_22 = arith.constant 1.000000e+00 : f32
    %sub3A_23 = vector.broadcast %sub3A_22 : f32 to vector<3200x1xf32>
    %sub3A_24 = arith.subf %sub3A_23, %mul3A_21 : vector<3200x1xf32>
    %mul3A_25 = arith.constant 3.500000e+01 : f32
    %mul3A_26 = vector.broadcast %mul3A_25 : f32 to vector<3200x1xf32>
    %mul3A_27 = arith.mulf %mul3A_26, %mul3A_18 : vector<3200x1xf32>
    %mul3A_28 = arith.mulf %mul3A_27, %mul3A_15 : vector<3200x1xf32>
    %add3A_29 = arith.addf %sub3A_24, %mul3A_28 : vector<3200x1xf32>
    %mul3A_30 = arith.constant 1.500000e+01 : f32
    %mul3A_31 = vector.broadcast %mul3A_30 : f32 to vector<3200x1xf32>
    %mul3A_32 = arith.mulf %mul3A_31, %mul3A_18 : vector<3200x1xf32>
    %mul3A_33 = arith.mulf %mul3A_32, %mul3A_16 : vector<3200x1xf32>
    %sub3A_34 = arith.subf %add3A_29, %mul3A_33 : vector<3200x1xf32>
    %lt3A = arith.constant 1.000000e+00 : f32
    %lt3A_35 = vector.broadcast %lt3A : f32 to vector<3200x1xf32>
    %lt3A_36 = arith.cmpf olt, %mul3A_15, %lt3A_35 : vector<3200x1xf32>
    %jit3A = arith.constant 0.000000e+00 : f32
    %broadcast_in_dim3A_37 = vector.broadcast %jit3A : f32 to vector<3200x1xf32>
    %select_n3A = arith.select %lt3A_36, %sub3A_34, %broadcast_in_dim3A_37 : vector<3200x1xi1>, vector<3200x1xf32>
    %iota3A = tpu.iota {dimensions = array<i32: 1>} : vector<1x128xi32>
    %convert_element_type3A = arith.sitofp %iota3A : vector<1x128xi32> to vector<1x128xf32>
    %mul3A_38 = arith.constant 0.00787401571 : f32
    %mul3A_39 = vector.broadcast %mul3A_38 : f32 to vector<1x128xf32>
    %mul3A_40 = arith.mulf %convert_element_type3A, %mul3A_39 : vector<1x128xf32>
    %sub3A_41 = vector.broadcast %mul3A_15 : vector<3200x1xf32> to vector<3200x128xf32>
    %sub3A_42 = vector.broadcast %mul3A_40 : vector<1x128xf32> to vector<3200x128xf32>
    %sub3A_43 = arith.subf %sub3A_41, %sub3A_42 : vector<3200x128xf32>
    %mul3A_44 = arith.mulf %sub3A_43, %sub3A_43 : vector<3200x128xf32>
    %mul3A_45 = arith.constant -11634.6143 : f32
    %mul3A_46 = vector.broadcast %mul3A_45 : f32 to vector<3200x128xf32>
    %mul3A_47 = arith.mulf %mul3A_46, %mul3A_44 : vector<3200x128xf32>
    %exp23A = math.exp2 %mul3A_47 : vector<3200x128xf32>
    %mul3A_48 = vector.broadcast %select_n3A : vector<3200x1xf32> to vector<3200x128xf32>
    %mul3A_49 = arith.mulf %mul3A_48, %exp23A : vector<3200x128xf32>
    %get3A_50 = arith.constant 0 : index
    %get3A_51 = arith.constant 0 : index
    %get3A_52 = vector.load %arg7[%get3A_50, %get3A_51] : memref<128x16xf32, #tpu.memory_space<vmem>>, vector<128x16xf32>
    %dot_general3A = arith.constant dense<0.000000e+00> : vector<3200x16xf32>
    %dot_general3A_53 = tpu.matmul %mul3A_49, %get3A_52, %dot_general3A {dimension_numbers = #tpu.dot_dimension_numbers<[1], [0], [0], [1], [0, 0, 1, 1], [], []>, transpose_lhs_hint = false} : vector<3200x128xf32>, vector<128x16xf32>, vector<3200x16xf32> -> vector<3200x16xf32>
    %get3A_54 = arith.constant 0 : index
    %get3A_55 = arith.constant 0 : index
    %get3A_56 = vector.load %arg8[%get3A_54, %get3A_55] : memref<128x16xf32, #tpu.memory_space<vmem>>, vector<128x16xf32>
    %dot_general3A_57 = arith.constant dense<0.000000e+00> : vector<3200x16xf32>
    %dot_general3A_58 = tpu.matmul %mul3A_49, %get3A_56, %dot_general3A_57 {dimension_numbers = #tpu.dot_dimension_numbers<[1], [0], [0], [1], [0, 0, 1, 1], [], []>, transpose_lhs_hint = false} : vector<3200x128xf32>, vector<128x16xf32>, vector<3200x16xf32> -> vector<3200x16xf32>
    %get3A_59 = arith.constant 0 : index
    %get3A_60 = arith.constant 0 : index
    %get3A_61 = vector.load %arg9[%get3A_59, %get3A_60] : memref<128x16xf32, #tpu.memory_space<vmem>>, vector<128x16xf32>
    %dot_general3A_62 = arith.constant dense<0.000000e+00> : vector<3200x16xf32>
    %dot_general3A_63 = tpu.matmul %mul3A_49, %get3A_61, %dot_general3A_62 {dimension_numbers = #tpu.dot_dimension_numbers<[1], [0], [0], [1], [0, 0, 1, 1], [], []>, transpose_lhs_hint = false} : vector<3200x128xf32>, vector<128x16xf32>, vector<3200x16xf32> -> vector<3200x16xf32>
    %concatenate3A = tpu.concatenate %dot_general3A_53, %dot_general3A_58, %dot_general3A_63 in 1 : vector<3200x16xf32>, vector<3200x16xf32>, vector<3200x16xf32> -> vector<3200x48xf32>
    %swap3A = arith.constant 0 : index
    %swap3A_64 = arith.constant 0 : index
    %swap3A_65 = vector.load %arg40[%swap3A, %swap3A_64] : memref<3200x48xf32, #tpu.memory_space<vmem>>, vector<3200x48xf32>
    tpu.vector_store %arg40[%swap3A, %swap3A_64], %concatenate3A {strides = array<i32>} : memref<3200x48xf32, #tpu.memory_space<vmem>>, vector<3200x48xf32>,
    %get3A_66 = arith.constant 0 : index
    %get3A_67 = arith.constant 0 : index
    %get3A_68 = vector.load %arg3[%get3A_66, %get3A_67] : memref<200x128xf32, #tpu.memory_space<vmem>>, vector<200x128xf32>
    %get3A_69 = arith.constant 0 : index
    %get3A_70 = arith.constant 0 : index
    %get3A_71 = vector.load %arg4[%get3A_69, %get3A_70] : memref<128x128xf32, #tpu.memory_space<vmem>>, vector<128x128xf32>
    %dot_general3A_72 = arith.constant dense<0.000000e+00> : vector<200x128xf32>
    %dot_general3A_73 = tpu.matmul %get3A_68, %get3A_71, %dot_general3A_72 {dimension_numbers = #tpu.dot_dimension_numbers<[1], [0], [0], [1], [0, 0, 1, 1], [], []>, transpose_lhs_hint = false} : vector<200x128xf32>, vector<128x128xf32>, vector<200x128xf32> -> vector<200x128xf32>
    %slice3A_74 = vector.extract_strided_slice %get3A_1 {offsets = [0, 0], sizes = [3200, 128], strides = [1, 1]} : vector<3200x256xf32> to vector<3200x128xf32>
    %broadcast_in_dim3A_75 = vector.shape_cast %dot_general3A_73 : vector<200x128xf32> to vector<200x1x128xf32>
    %broadcast_in_dim3A_76 = vector.shape_cast %broadcast_in_dim3A_75 : vector<200x1x128xf32> to vector<200x1x128xf32>
    %broadcast_in_dim3A_77 = vector.broadcast %broadcast_in_dim3A_76 : vector<200x1x128xf32> to vector<200x16x128xf32>
    %reshape3A_78 = vector.shape_cast %broadcast_in_dim3A_77 : vector<200x16x128xf32> to vector<3200x128xf32>
    %add3A_79 = arith.addf %slice3A_74, %reshape3A_78 : vector<3200x128xf32>
    %get3A_80 = arith.constant 0 : index
    %get3A_81 = arith.constant 0 : index
    %get3A_82 = vector.load %arg5[%get3A_80, %get3A_81] : memref<128x128xbf16, #tpu.memory_space<vmem>>, vector<128x128xbf16>
    %convert_element_type3A_83 = arith.truncf %mul3A_49 : vector<3200x128xf32> to vector<3200x128xbf16>
    %dot_general3A_84 = arith.constant dense<0.000000e+00> : vector<3200x128xf32>
    %dot_general3A_85 = tpu.matmul %convert_element_type3A_83, %get3A_82, %dot_general3A_84 {dimension_numbers = #tpu.dot_dimension_numbers<[1], [0], [0], [1], [0, 0, 1, 1], [], []>, transpose_lhs_hint = false} : vector<3200x128xbf16>, vector<128x128xbf16>, vector<3200x128xf32> -> vector<3200x128xf32>
    %add3A_86 = arith.addf %add3A_79, %dot_general3A_85 : vector<3200x128xf32>
    %get3A_87 = arith.constant 0 : index
    %get3A_88 = arith.constant 0 : index
    %get3A_89 = vector.load %arg6[%get3A_87, %get3A_88] : memref<1x128xf32, #tpu.memory_space<vmem>>, vector<1x128xf32>
    %add3A_90 = vector.broadcast %get3A_89 : vector<1x128xf32> to vector<3200x128xf32>
    %add3A_91 = arith.addf %add3A_86, %add3A_90 : vector<3200x128xf32>
    %mul3A_92 = arith.constant -1.44269502 : f32
    %mul3A_93 = vector.broadcast %mul3A_92 : f32 to vector<3200x128xf32>
    %mul3A_94 = arith.mulf %add3A_91, %mul3A_93 : vector<3200x128xf32>
    %exp23A_95 = math.exp2 %mul3A_94 : vector<3200x128xf32>
    %add3A_96 = arith.constant 1.000000e+00 : f32
    %add3A_97 = vector.broadcast %add3A_96 : f32 to vector<3200x128xf32>
    %add3A_98 = arith.addf %add3A_97, %exp23A_95 : vector<3200x128xf32>
    %div3A = arith.divf %add3A_91, %add3A_98 : vector<3200x128xf32>
    %get3A_99 = arith.constant 0 : index
    %get3A_100 = arith.constant 0 : index
    %get3A_101 = vector.load %arg10[%get3A_99, %get3A_100] : memref<16x128xf32, #tpu.memory_space<vmem>>, vector<16x128xf32>
    %get3A_102 = arith.constant 0 : index
    %get3A_103 = arith.constant 0 : index
    %get3A_104 = vector.load %arg11[%get3A_102, %get3A_103] : memref<128x128xbf16, #tpu.memory_space<vmem>>, vector<128x128xbf16>
    %get3A_105 = arith.constant 0 : index
    %get3A_106 = arith.constant 0 : index
    %get3A_107 = vector.load %arg12[%get3A_105, %get3A_106] : memref<128x128xbf16, #tpu.memory_space<vmem>>, vector<128x128xbf16>
    %get3A_108 = arith.constant 0 : index
    %get3A_109 = arith.constant 0 : index
    %get3A_110 = vector.load %arg13[%get3A_108, %get3A_109] : memref<128x128xbf16, #tpu.memory_space<vmem>>, vector<128x128xbf16>
    %get3A_111 = arith.constant 0 : index
    %get3A_112 = arith.constant 0 : index
    %get3A_113 = vector.load %arg14[%get3A_111, %get3A_112] : memref<128x128xbf16, #tpu.memory_space<vmem>>, vector<128x128xbf16>
    %get3A_114 = arith.constant 0 : index
    %get3A_115 = arith.constant 0 : index
    %get3A_116 = vector.load %arg15[%get3A_114, %get3A_115] : memref<128x128xbf16, #tpu.memory_space<vmem>>, vector<128x128xbf16>
    %get3A_117 = arith.constant 0 : index
    %get3A_118 = arith.constant 0 : index
    %get3A_119 = vector.load %arg16[%get3A_117, %get3A_118] : memref<1x128xf32, #tpu.memory_space<vmem>>, vector<1x128xf32>
    %dot_general3A_120 = arith.constant dense<0.000000e+00> : vector<3200x128xf32>
    %dot_general3A_121 = tpu.matmul %dot_general3A_63, %get3A_101, %dot_general3A_120 {dimension_numbers = #tpu.dot_dimension_numbers<[1], [0], [0], [1], [0, 0, 1, 1], [], []>, transpose_lhs_hint = false} : vector<3200x16xf32>, vector<16x128xf32>, vector<3200x128xf32> -> vector<3200x128xf32>
    %mul3A_122 = arith.mulf %div3A, %dot_general3A_121 : vector<3200x128xf32>
    %reshape3A_123 = vector.shape_cast %mul3A_122 : vector<3200x128xf32> to vector<200x16x128xf32>
    %reduce_sum3A_124 = arith.constant dense<0.000000e+00> : vector<200x128xf32>
    %reduce_sum3A_125 = vector.multi_reduction <add>, %reshape3A_123, %reduce_sum3A_124 [1] : vector<200x16x128xf32> to vector<200x128xf32>
    %convert_element_type3A_126 = arith.truncf %reduce_sum3A_125 : vector<200x128xf32> to vector<200x128xbf16>
    %dot_general3A_127 = arith.constant dense<0.000000e+00> : vector<200x128xf32>
    %dot_general3A_128 = tpu.matmul %convert_element_type3A_126, %get3A_104, %dot_general3A_127 {dimension_numbers = #tpu.dot_dimension_numbers<[1], [0], [0], [1], [0, 0, 1, 1], [], []>, transpose_lhs_hint = false} : vector<200x128xbf16>, vector<128x128xbf16>, vector<200x128xf32> -> vector<200x128xf32>
    %mul3A_129 = arith.constant -1.44269502 : f32
    %mul3A_130 = vector.broadcast %mul3A_129 : f32 to vector<200x128xf32>
    %mul3A_131 = arith.mulf %dot_general3A_128, %mul3A_130 : vector<200x128xf32>
    %exp23A_132 = math.exp2 %mul3A_131 : vector<200x128xf32>
    %add3A_133 = arith.constant 1.000000e+00 : f32
    %add3A_134 = vector.broadcast %add3A_133 : f32 to vector<200x128xf32>
    %add3A_135 = arith.addf %add3A_134, %exp23A_132 : vector<200x128xf32>
    %div3A_136 = arith.divf %dot_general3A_128, %add3A_135 : vector<200x128xf32>
    %convert_element_type3A_137 = arith.truncf %div3A_136 : vector<200x128xf32> to vector<200x128xbf16>
    %dot_general3A_138 = arith.constant dense<0.000000e+00> : vector<200x128xf32>
    %dot_general3A_139 = tpu.matmul %convert_element_type3A_137, %get3A_107, %dot_general3A_138 {dimension_numbers = #tpu.dot_dimension_numbers<[1], [0], [0], [1], [0, 0, 1, 1], [], []>, transpose_lhs_hint = false} : vector<200x128xbf16>, vector<128x128xbf16>, vector<200x128xf32> -> vector<200x128xf32>
    %mul3A_140 = arith.constant -1.44269502 : f32
    %mul3A_141 = vector.broadcast %mul3A_140 : f32 to vector<200x128xf32>
    %mul3A_142 = arith.mulf %dot_general3A_139, %mul3A_141 : vector<200x128xf32>
    %exp23A_143 = math.exp2 %mul3A_142 : vector<200x128xf32>
    %add3A_144 = arith.constant 1.000000e+00 : f32
    %add3A_145 = vector.broadcast %add3A_144 : f32 to vector<200x128xf32>
    %add3A_146 = arith.addf %add3A_145, %exp23A_143 : vector<200x128xf32>
    %div3A_147 = arith.divf %dot_general3A_139, %add3A_146 : vector<200x128xf32>
    %convert_element_type3A_148 = arith.truncf %div3A_147 : vector<200x128xf32> to vector<200x128xbf16>
    %dot_general3A_149 = arith.constant dense<0.000000e+00> : vector<200x128xf32>
    %dot_general3A_150 = tpu.matmul %convert_element_type3A_148, %get3A_110, %dot_general3A_149 {dimension_numbers = #tpu.dot_dimension_numbers<[1], [0], [0], [1], [0, 0, 1, 1], [], []>, transpose_lhs_hint = false} : vector<200x128xbf16>, vector<128x128xbf16>, vector<200x128xf32> -> vector<200x128xf32>
    %mul3A_151 = arith.constant -1.44269502 : f32
    %mul3A_152 = vector.broadcast %mul3A_151 : f32 to vector<200x128xf32>
    %mul3A_153 = arith.mulf %dot_general3A_150, %mul3A_152 : vector<200x128xf32>
    %exp23A_154 = math.exp2 %mul3A_153 : vector<200x128xf32>
    %add3A_155 = arith.constant 1.000000e+00 : f32
    %add3A_156 = vector.broadcast %add3A_155 : f32 to vector<200x128xf32>
    %add3A_157 = arith.addf %add3A_156, %exp23A_154 : vector<200x128xf32>
    %div3A_158 = arith.divf %dot_general3A_150, %add3A_157 : vector<200x128xf32>
    %add3A_159 = arith.addf %div3A_136, %div3A_158 : vector<200x128xf32>
    %mul3A_160 = arith.constant 0.707106769 : f32
    %mul3A_161 = vector.broadcast %mul3A_160 : f32 to vector<200x128xf32>
    %mul3A_162 = arith.mulf %add3A_159, %mul3A_161 : vector<200x128xf32>
    %convert_element_type3A_163 = arith.truncf %mul3A_162 : vector<200x128xf32> to vector<200x128xbf16>
    %dot_general3A_164 = arith.constant dense<0.000000e+00> : vector<200x128xf32>
    %dot_general3A_165 = tpu.matmul %convert_element_type3A_163, %get3A_113, %dot_general3A_164 {dimension_numbers = #tpu.dot_dimension_numbers<[1], [0], [0], [1], [0, 0, 1, 1], [], []>, transpose_lhs_hint = false} : vector<200x128xbf16>, vector<128x128xbf16>, vector<200x128xf32> -> vector<200x128xf32>
    %mul3A_166 = arith.constant -1.44269502 : f32
    %mul3A_167 = vector.broadcast %mul3A_166 : f32 to vector<200x128xf32>
    %mul3A_168 = arith.mulf %dot_general3A_165, %mul3A_167 : vector<200x128xf32>
    %exp23A_169 = math.exp2 %mul3A_168 : vector<200x128xf32>
    %add3A_170 = arith.constant 1.000000e+00 : f32
    %add3A_171 = vector.broadcast %add3A_170 : f32 to vector<200x128xf32>
    %add3A_172 = arith.addf %add3A_171, %exp23A_169 : vector<200x128xf32>
    %div3A_173 = arith.divf %dot_general3A_165, %add3A_172 : vector<200x128xf32>
    %convert_element_type3A_174 = arith.truncf %div3A_173 : vector<200x128xf32> to vector<200x128xbf16>
    %dot_general3A_175 = arith.constant dense<0.000000e+00> : vector<200x128xf32>
    %dot_general3A_176 = tpu.matmul %convert_element_type3A_174, %get3A_116, %dot_general3A_175 {dimension_numbers = #tpu.dot_dimension_numbers<[1], [0], [0], [1], [0, 0, 1, 1], [], []>, transpose_lhs_hint = false} : vector<200x128xbf16>, vector<128x128xbf16>, vector<200x128xf32> -> vector<200x128xf32>
    %mul3A_177 = arith.constant -1.44269502 : f32
    %mul3A_178 = vector.broadcast %mul3A_177 : f32 to vector<200x128xf32>
    %mul3A_179 = arith.mulf %dot_general3A_176, %mul3A_178 : vector<200x128xf32>
    %exp23A_180 = math.exp2 %mul3A_179 : vector<200x128xf32>
    %add3A_181 = arith.constant 1.000000e+00 : f32
    %add3A_182 = vector.broadcast %add3A_181 : f32 to vector<200x128xf32>
    %add3A_183 = arith.addf %add3A_182, %exp23A_180 : vector<200x128xf32>
    %div3A_184 = arith.divf %dot_general3A_176, %add3A_183 : vector<200x128xf32>
    %add3A_185 = arith.addf %mul3A_162, %div3A_184 : vector<200x128xf32>
    %mul3A_186 = arith.constant 0.707106769 : f32
    %mul3A_187 = vector.broadcast %mul3A_186 : f32 to vector<200x128xf32>
    %mul3A_188 = arith.mulf %add3A_185, %mul3A_187 : vector<200x128xf32>
    %mul3A_189 = vector.broadcast %get3A_119 : vector<1x128xf32> to vector<200x128xf32>
    %mul3A_190 = arith.mulf %mul3A_188, %mul3A_189 : vector<200x128xf32>
    %reduce_sum3A_191 = vector.shape_cast %mul3A_190 : vector<200x128xf32> to vector<1x200x128xf32>
    %reduce_sum3A_192 = arith.constant dense<0.000000e+00> : vector<1xf32>
    %reduce_sum3A_193 = vector.multi_reduction <add>, %reduce_sum3A_191, %reduce_sum3A_192 [1, 2] : vector<1x200x128xf32> to vector<1xf32>
    %reduce_sum3A_194 = vector.shape_cast %reduce_sum3A_193 : vector<1xf32> to vector<1x1x1xf32>
    %reduce_sum3A_195 = vector.extract %reduce_sum3A_194[0, 0, 0] : f32 from vector<1x1x1xf32>
    %get3A_196 = arith.constant 0 : index
    %get3A_197 = arith.constant 0 : index
    %get3A_198 = vector.load %arg17[%get3A_196, %get3A_197] : memref<128x128xbf16, #tpu.memory_space<vmem>>, vector<128x128xbf16>
    %get3A_199 = arith.constant 0 : index
    %get3A_200 = arith.constant 0 : index
    %get3A_201 = vector.load %arg18[%get3A_199, %get3A_200] : memref<16x128xf32, #tpu.memory_space<vmem>>, vector<16x128xf32>
    %get3A_202 = arith.constant 0 : index
    %get3A_203 = arith.constant 0 : index
    %get3A_204 = vector.load %arg19[%get3A_202, %get3A_203] : memref<128x32xbf16, #tpu.memory_space<vmem>>, vector<128x32xbf16>
    %get3A_205 = arith.constant 0 : index
    %get3A_206 = arith.constant 0 : index
    %get3A_207 = vector.load %arg20[%get3A_205, %get3A_206] : memref<32x224xbf16, #tpu.memory_space<vmem>>, vector<32x224xbf16>
    %get3A_208 = arith.constant 0 : index
    %get3A_209 = arith.constant 0 : index
    %get3A_210 = vector.load %arg21[%get3A_208, %get3A_209] : memref<32x128xbf16, #tpu.memory_space<vmem>>, vector<32x128xbf16>
    %get3A_211 = arith.constant 0 : index
    %get3A_212 = arith.constant 0 : index
    %get3A_213 = vector.load %arg22[%get3A_211, %get3A_212] : memref<128x128xbf16, #tpu.memory_space<vmem>>, vector<128x128xbf16>
    %get3A_214 = arith.constant 0 : index
    %get3A_215 = arith.constant 0 : index
    %get3A_216 = vector.load %arg23[%get3A_214, %get3A_215] : memref<128x128xbf16, #tpu.memory_space<vmem>>, vector<128x128xbf16>
    %get3A_217 = arith.constant 0 : index
    %get3A_218 = arith.constant 0 : index
    %get3A_219 = vector.load %arg24[%get3A_217, %get3A_218] : memref<128x128xbf16, #tpu.memory_space<vmem>>, vector<128x128xbf16>
    %get3A_220 = arith.constant 0 : index
    %get3A_221 = arith.constant 0 : index
    %get3A_222 = vector.load %arg25[%get3A_220, %get3A_221] : memref<128x128xbf16, #tpu.memory_space<vmem>>, vector<128x128xbf16>
    %get3A_223 = arith.constant 0 : index
    %get3A_224 = arith.constant 0 : index
    %get3A_225 = vector.load %arg26[%get3A_223, %get3A_224] : memref<128x128xbf16, #tpu.memory_space<vmem>>, vector<128x128xbf16>
    %get3A_226 = arith.constant 0 : index
    %get3A_227 = arith.constant 0 : index
    %get3A_228 = vector.load %arg27[%get3A_226, %get3A_227] : memref<16x128xf32, #tpu.memory_space<vmem>>, vector<16x128xf32>
    %get3A_229 = arith.constant 0 : index
    %get3A_230 = arith.constant 0 : index
    %get3A_231 = vector.load %arg28[%get3A_229, %get3A_230] : memref<128x128xbf16, #tpu.memory_space<vmem>>, vector<128x128xbf16>
    %get3A_232 = arith.constant 0 : index
    %get3A_233 = arith.constant 0 : index
    %get3A_234 = vector.load %arg29[%get3A_232, %get3A_233] : memref<128x128xbf16, #tpu.memory_space<vmem>>, vector<128x128xbf16>
    %get3A_235 = arith.constant 0 : index
    %get3A_236 = arith.constant 0 : index
    %get3A_237 = vector.load %arg30[%get3A_235, %get3A_236] : memref<128x128xbf16, #tpu.memory_space<vmem>>, vector<128x128xbf16>
    %get3A_238 = arith.constant 0 : index
    %get3A_239 = arith.constant 0 : index
    %get3A_240 = vector.load %arg31[%get3A_238, %get3A_239] : memref<128x128xbf16, #tpu.memory_space<vmem>>, vector<128x128xbf16>
    %get3A_241 = arith.constant 0 : index
    %get3A_242 = arith.constant 0 : index
    %get3A_243 = vector.load %arg32[%get3A_241, %get3A_242] : memref<128x128xbf16, #tpu.memory_space<vmem>>, vector<128x128xbf16>
    %get3A_244 = arith.constant 0 : index
    %get3A_245 = arith.constant 0 : index
    %get3A_246 = vector.load %arg33[%get3A_244, %get3A_245] : memref<128x128xbf16, #tpu.memory_space<vmem>>, vector<128x128xbf16>
    %get3A_247 = arith.constant 0 : index
    %get3A_248 = arith.constant 0 : index
    %get3A_249 = vector.load %arg34[%get3A_247, %get3A_248] : memref<128x128xbf16, #tpu.memory_space<vmem>>, vector<128x128xbf16>
    %get3A_250 = arith.constant 0 : index
    %get3A_251 = arith.constant 0 : index
    %get3A_252 = vector.load %arg35[%get3A_250, %get3A_251] : memref<1x128xf32, #tpu.memory_space<vmem>>, vector<1x128xf32>
    %convert_element_type3A_253 = arith.truncf %div3A : vector<3200x128xf32> to vector<3200x128xbf16>
    %dot_general3A_254 = arith.constant dense<0.000000e+00> : vector<3200x128xf32>
    %dot_general3A_255 = tpu.matmul %convert_element_type3A_253, %get3A_198, %dot_general3A_254 {dimension_numbers = #tpu.dot_dimension_numbers<[1], [0], [0], [1], [0, 0, 1, 1], [], []>, transpose_lhs_hint = false} : vector<3200x128xbf16>, vector<128x128xbf16>, vector<3200x128xf32> -> vector<3200x128xf32>
    %mul3A_256 = arith.constant -1.44269502 : f32
    %mul3A_257 = vector.broadcast %mul3A_256 : f32 to vector<3200x128xf32>
    %mul3A_258 = arith.mulf %dot_general3A_255, %mul3A_257 : vector<3200x128xf32>
    %exp23A_259 = math.exp2 %mul3A_258 : vector<3200x128xf32>
    %add3A_260 = arith.constant 1.000000e+00 : f32
    %add3A_261 = vector.broadcast %add3A_260 : f32 to vector<3200x128xf32>
    %add3A_262 = arith.addf %add3A_261, %exp23A_259 : vector<3200x128xf32>
    %div3A_263 = arith.divf %dot_general3A_255, %add3A_262 : vector<3200x128xf32>
    %dot_general3A_264 = arith.constant dense<0.000000e+00> : vector<3200x128xf32>
    %dot_general3A_265 = tpu.matmul %dot_general3A_53, %get3A_201, %dot_general3A_264 {dimension_numbers = #tpu.dot_dimension_numbers<[1], [0], [0], [1], [0, 0, 1, 1], [], []>, transpose_lhs_hint = false} : vector<3200x16xf32>, vector<16x128xf32>, vector<3200x128xf32> -> vector<3200x128xf32>
    %mul3A_266 = arith.mulf %div3A_263, %dot_general3A_265 : vector<3200x128xf32>
    %convert_element_type3A_267 = arith.truncf %mul3A_266 : vector<3200x128xf32> to vector<3200x128xbf16>
    %dot_general3A_268 = arith.constant dense<0.000000e+00> : vector<3200x32xf32>
    %dot_general3A_269 = tpu.matmul %convert_element_type3A_267, %get3A_204, %dot_general3A_268 {dimension_numbers = #tpu.dot_dimension_numbers<[1], [0], [0], [1], [0, 0, 1, 1], [], []>, transpose_lhs_hint = false} : vector<3200x128xbf16>, vector<128x32xbf16>, vector<3200x32xf32> -> vector<3200x32xf32>
    %mul3A_270 = arith.constant -1.44269502 : f32
    %mul3A_271 = vector.broadcast %mul3A_270 : f32 to vector<3200x32xf32>
    %mul3A_272 = arith.mulf %dot_general3A_269, %mul3A_271 : vector<3200x32xf32>
    %exp23A_273 = math.exp2 %mul3A_272 : vector<3200x32xf32>
    %add3A_274 = arith.constant 1.000000e+00 : f32
    %add3A_275 = vector.broadcast %add3A_274 : f32 to vector<3200x32xf32>
    %add3A_276 = arith.addf %add3A_275, %exp23A_273 : vector<3200x32xf32>
    %div3A_277 = arith.divf %dot_general3A_269, %add3A_276 : vector<3200x32xf32>
    %reshape3A_278 = vector.shape_cast %mul3A_12 : vector<3200x128xf32> to vector<25x128x128xf32>
    %dot_general3A_279 = arith.constant dense<0.000000e+00> : vector<25x128x128xf32>
    %dot_general3A_280 = tpu.matmul %reshape3A_278, %reshape3A_278, %dot_general3A_279 {dimension_numbers = #tpu.dot_dimension_numbers<[2], [2], [1], [1], [0, 0, 0, 1, 1, 1], [0], [0]>, transpose_lhs_hint = false} : vector<25x128x128xf32>, vector<25x128x128xf32>, vector<25x128x128xf32> -> vector<25x128x128xf32>
    %iota3A_281 = tpu.iota {dimensions = array<i32: 0>} : vector<128x128xi32>
    %iota3A_282 = tpu.iota {dimensions = array<i32: 1>} : vector<128x128xi32>
    %jit3A_283 = arith.constant 16 : i32
    %div3A_284 = vector.broadcast %jit3A_283 : i32 to vector<128x128xi32>
    %div3A_285 = arith.divsi %iota3A_281, %div3A_284 : vector<128x128xi32>
    %sign3A = arith.constant 0 : i32
    %sign3A_286 = vector.broadcast %sign3A : i32 to vector<128x128xi32>
    %sign3A_287 = arith.cmpi sgt, %iota3A_281, %sign3A_286 : vector<128x128xi32>
    %sign3A_288 = arith.extui %sign3A_287 : vector<128x128xi1> to vector<128x128xi32>
    %sign3A_289 = arith.constant 0 : i32
    %sign3A_290 = vector.broadcast %sign3A_289 : i32 to vector<128x128xi32>
    %sign3A_291 = arith.cmpi slt, %iota3A_281, %sign3A_290 : vector<128x128xi32>
    %sign3A_292 = arith.extui %sign3A_291 : vector<128x128xi1> to vector<128x128xi32>
    %sign3A_293 = arith.subi %sign3A_288, %sign3A_292 : vector<128x128xi32>
    %sign3A_294 = arith.constant 0 : i32
    %sign3A_295 = arith.cmpi sgt, %jit3A_283, %sign3A_294 : i32
    %sign3A_296 = arith.extui %sign3A_295 : i1 to i32
    %sign3A_297 = arith.constant 0 : i32
    %sign3A_298 = arith.cmpi slt, %jit3A_283, %sign3A_297 : i32
    %sign3A_299 = arith.extui %sign3A_298 : i1 to i32
    %sign3A_300 = arith.subi %sign3A_296, %sign3A_299 : i32
    %ne3A = vector.broadcast %sign3A_300 : i32 to vector<128x128xi32>
    %ne3A_301 = arith.cmpi ne, %sign3A_293, %ne3A : vector<128x128xi32>
    %rem3A = vector.broadcast %jit3A_283 : i32 to vector<128x128xi32>
    %rem3A_302 = arith.remsi %iota3A_281, %rem3A : vector<128x128xi32>
    %ne3A_303 = arith.constant 0 : i32
    %ne3A_304 = vector.broadcast %ne3A_303 : i32 to vector<128x128xi32>
    %ne3A_305 = arith.cmpi ne, %rem3A_302, %ne3A_304 : vector<128x128xi32>
    %and3A = arith.andi %ne3A_301, %ne3A_305 : vector<128x128xi1>
    %sub3A_306 = arith.constant 1 : i32
    %sub3A_307 = vector.broadcast %sub3A_306 : i32 to vector<128x128xi32>
    %sub3A_308 = arith.subi %div3A_285, %sub3A_307 : vector<128x128xi32>
    %select_n3A_309 = arith.select %and3A, %sub3A_308, %div3A_285 : vector<128x128xi1>, vector<128x128xi32>
    %jit3A_310 = arith.constant 16 : i32
    %div3A_311 = vector.broadcast %jit3A_310 : i32 to vector<128x128xi32>
    %div3A_312 = arith.divsi %iota3A_282, %div3A_311 : vector<128x128xi32>
    %sign3A_313 = arith.constant 0 : i32
    %sign3A_314 = vector.broadcast %sign3A_313 : i32 to vector<128x128xi32>
    %sign3A_315 = arith.cmpi sgt, %iota3A_282, %sign3A_314 : vector<128x128xi32>
    %sign3A_316 = arith.extui %sign3A_315 : vector<128x128xi1> to vector<128x128xi32>
    %sign3A_317 = arith.constant 0 : i32
    %sign3A_318 = vector.broadcast %sign3A_317 : i32 to vector<128x128xi32>
    %sign3A_319 = arith.cmpi slt, %iota3A_282, %sign3A_318 : vector<128x128xi32>
    %sign3A_320 = arith.extui %sign3A_319 : vector<128x128xi1> to vector<128x128xi32>
    %sign3A_321 = arith.subi %sign3A_316, %sign3A_320 : vector<128x128xi32>
    %sign3A_322 = arith.constant 0 : i32
    %sign3A_323 = arith.cmpi sgt, %jit3A_310, %sign3A_322 : i32
    %sign3A_324 = arith.extui %sign3A_323 : i1 to i32
    %sign3A_325 = arith.constant 0 : i32
    %sign3A_326 = arith.cmpi slt, %jit3A_310, %sign3A_325 : i32
    %sign3A_327 = arith.extui %sign3A_326 : i1 to i32
    %sign3A_328 = arith.subi %sign3A_324, %sign3A_327 : i32
    %ne3A_329 = vector.broadcast %sign3A_328 : i32 to vector<128x128xi32>
    %ne3A_330 = arith.cmpi ne, %sign3A_321, %ne3A_329 : vector<128x128xi32>
    %rem3A_331 = vector.broadcast %jit3A_310 : i32 to vector<128x128xi32>
    %rem3A_332 = arith.remsi %iota3A_282, %rem3A_331 : vector<128x128xi32>
    %ne3A_333 = arith.constant 0 : i32
    %ne3A_334 = vector.broadcast %ne3A_333 : i32 to vector<128x128xi32>
    %ne3A_335 = arith.cmpi ne, %rem3A_332, %ne3A_334 : vector<128x128xi32>
    %and3A_336 = arith.andi %ne3A_330, %ne3A_335 : vector<128x128xi1>
    %sub3A_337 = arith.constant 1 : i32
    %sub3A_338 = vector.broadcast %sub3A_337 : i32 to vector<128x128xi32>
    %sub3A_339 = arith.subi %div3A_312, %sub3A_338 : vector<128x128xi32>
    %select_n3A_340 = arith.select %and3A_336, %sub3A_339, %div3A_312 : vector<128x128xi1>, vector<128x128xi32>
    %eq3A = arith.cmpi eq, %select_n3A_309, %select_n3A_340 : vector<128x128xi32>
    %ne3A_341 = arith.cmpi ne, %iota3A_281, %iota3A_282 : vector<128x128xi32>
    %and3A_342 = arith.andi %eq3A, %ne3A_341 : vector<128x128xi1>
    %jit3A_343 = arith.constant 1.000000e+00 : f32
    %jit3A_344 = arith.constant 0.000000e+00 : f32
    %broadcast_in_dim3A_345 = vector.broadcast %jit3A_343 : f32 to vector<128x128xf32>
    %broadcast_in_dim3A_346 = vector.broadcast %jit3A_344 : f32 to vector<128x128xf32>
    %select_n3A_347 = arith.select %and3A_342, %broadcast_in_dim3A_345, %broadcast_in_dim3A_346 : vector<128x128xi1>, vector<128x128xf32>
    %broadcast_in_dim3A_348 = vector.shape_cast %select_n3A_347 : vector<128x128xf32> to vector<1x128x128xf32>
    %broadcast_in_dim3A_349 = vector.shape_cast %broadcast_in_dim3A_348 : vector<1x128x128xf32> to vector<1x128x128xf32>
    %broadcast_in_dim3A_350 = vector.broadcast %broadcast_in_dim3A_349 : vector<1x128x128xf32> to vector<25x128x128xf32>
    %convert_element_type3A_351 = arith.truncf %div3A_277 : vector<3200x32xf32> to vector<3200x32xbf16>
    %dot_general3A_352 = arith.constant dense<0.000000e+00> : vector<3200x224xf32>
    %dot_general3A_353 = tpu.matmul %convert_element_type3A_351, %get3A_207, %dot_general3A_352 {dimension_numbers = #tpu.dot_dimension_numbers<[1], [0], [0], [1], [0, 0, 1, 1], [], []>, transpose_lhs_hint = false} : vector<3200x32xbf16>, vector<32x224xbf16>, vector<3200x224xf32> -> vector<3200x224xf32>
    %broadcast_in_dim3A_354 = arith.constant 0.000000e+00 : f32
    %broadcast_in_dim3A_355 = vector.broadcast %broadcast_in_dim3A_354 : f32 to vector<25x128x32xf32>
    %mul3A_356 = arith.mulf %dot_general3A_280, %broadcast_in_dim3A_350 : vector<25x128x128xf32>
    %slice3A_357 = vector.extract_strided_slice %dot_general3A_353 {offsets = [0, 0], sizes = [3200, 32], strides = [1, 1]} : vector<3200x224xf32> to vector<3200x32xf32>
    %reshape3A_358 = vector.shape_cast %slice3A_357 : vector<3200x32xf32> to vector<25x128x32xf32>
    %convert_element_type3A_359 = arith.truncf %broadcast_in_dim3A_350 : vector<25x128x128xf32> to vector<25x128x128xbf16>
    %convert_element_type3A_360 = arith.truncf %reshape3A_358 : vector<25x128x32xf32> to vector<25x128x32xbf16>
    %dot_general3A_361 = arith.constant dense<0.000000e+00> : vector<25x128x32xf32>
    %dot_general3A_362 = tpu.matmul %convert_element_type3A_359, %convert_element_type3A_360, %dot_general3A_361 {dimension_numbers = #tpu.dot_dimension_numbers<[2], [1], [1], [2], [0, 0, 0, 1, 1, 2], [0], [0]>, transpose_lhs_hint = false} : vector<25x128x128xbf16>, vector<25x128x32xbf16>, vector<25x128x32xf32> -> vector<25x128x32xf32>
    %add3A_363 = arith.addf %broadcast_in_dim3A_355, %dot_general3A_362 : vector<25x128x32xf32>
    %slice3A_364 = vector.extract_strided_slice %dot_general3A_353 {offsets = [0, 32], sizes = [3200, 32], strides = [1, 1]} : vector<3200x224xf32> to vector<3200x32xf32>
    %reshape3A_365 = vector.shape_cast %slice3A_364 : vector<3200x32xf32> to vector<25x128x32xf32>
    %convert_element_type3A_366 = arith.truncf %mul3A_356 : vector<25x128x128xf32> to vector<25x128x128xbf16>
    %convert_element_type3A_367 = arith.truncf %reshape3A_365 : vector<25x128x32xf32> to vector<25x128x32xbf16>
    %dot_general3A_368 = arith.constant dense<0.000000e+00> : vector<25x128x32xf32>
    %dot_general3A_369 = tpu.matmul %convert_element_type3A_366, %convert_element_type3A_367, %dot_general3A_368 {dimension_numbers = #tpu.dot_dimension_numbers<[2], [1], [1], [2], [0, 0, 0, 1, 1, 2], [0], [0]>, transpose_lhs_hint = false} : vector<25x128x128xbf16>, vector<25x128x32xbf16>, vector<25x128x32xf32> -> vector<25x128x32xf32>
    %add3A_370 = arith.addf %add3A_363, %dot_general3A_369 : vector<25x128x32xf32>
    %mul3A_371 = arith.constant 3.000000e+00 : f32
    %mul3A_372 = vector.broadcast %mul3A_371 : f32 to vector<25x128x128xf32>
    %mul3A_373 = arith.mulf %mul3A_372, %dot_general3A_280 : vector<25x128x128xf32>
    %mul3A_374 = arith.mulf %mul3A_373, %mul3A_356 : vector<25x128x128xf32>
    %mul3A_375 = arith.constant 1.000000e+00 : f32
    %mul3A_376 = vector.broadcast %mul3A_375 : f32 to vector<25x128x128xf32>
    %mul3A_377 = arith.mulf %mul3A_376, %broadcast_in_dim3A_350 : vector<25x128x128xf32>
    %sub3A_378 = arith.subf %mul3A_374, %mul3A_377 : vector<25x128x128xf32>
    %mul3A_379 = arith.constant 5.000000e-01 : f32
    %mul3A_380 = vector.broadcast %mul3A_379 : f32 to vector<25x128x128xf32>
    %mul3A_381 = arith.mulf %sub3A_378, %mul3A_380 : vector<25x128x128xf32>
    %slice3A_382 = vector.extract_strided_slice %dot_general3A_353 {offsets = [0, 64], sizes = [3200, 32], strides = [1, 1]} : vector<3200x224xf32> to vector<3200x32xf32>
    %reshape3A_383 = vector.shape_cast %slice3A_382 : vector<3200x32xf32> to vector<25x128x32xf32>
    %convert_element_type3A_384 = arith.truncf %mul3A_381 : vector<25x128x128xf32> to vector<25x128x128xbf16>
    %convert_element_type3A_385 = arith.truncf %reshape3A_383 : vector<25x128x32xf32> to vector<25x128x32xbf16>
    %dot_general3A_386 = arith.constant dense<0.000000e+00> : vector<25x128x32xf32>
    %dot_general3A_387 = tpu.matmul %convert_element_type3A_384, %convert_element_type3A_385, %dot_general3A_386 {dimension_numbers = #tpu.dot_dimension_numbers<[2], [1], [1], [2], [0, 0, 0, 1, 1, 2], [0], [0]>, transpose_lhs_hint = false} : vector<25x128x128xbf16>, vector<25x128x32xbf16>, vector<25x128x32xf32> -> vector<25x128x32xf32>
    %add3A_388 = arith.addf %add3A_370, %dot_general3A_387 : vector<25x128x32xf32>
    %mul3A_389 = arith.constant 5.000000e+00 : f32
    %mul3A_390 = vector.broadcast %mul3A_389 : f32 to vector<25x128x128xf32>
    %mul3A_391 = arith.mulf %mul3A_390, %dot_general3A_280 : vector<25x128x128xf32>
    %mul3A_392 = arith.mulf %mul3A_391, %mul3A_381 : vector<25x128x128xf32>
    %mul3A_393 = arith.constant 2.000000e+00 : f32
    %mul3A_394 = vector.broadcast %mul3A_393 : f32 to vector<25x128x128xf32>
    %mul3A_395 = arith.mulf %mul3A_394, %mul3A_356 : vector<25x128x128xf32>
    %sub3A_396 = arith.subf %mul3A_392, %mul3A_395 : vector<25x128x128xf32>
    %mul3A_397 = arith.constant 0.333333343 : f32
    %mul3A_398 = vector.broadcast %mul3A_397 : f32 to vector<25x128x128xf32>
    %mul3A_399 = arith.mulf %sub3A_396, %mul3A_398 : vector<25x128x128xf32>
    %slice3A_400 = vector.extract_strided_slice %dot_general3A_353 {offsets = [0, 96], sizes = [3200, 32], strides = [1, 1]} : vector<3200x224xf32> to vector<3200x32xf32>
    %reshape3A_401 = vector.shape_cast %slice3A_400 : vector<3200x32xf32> to vector<25x128x32xf32>
    %convert_element_type3A_402 = arith.truncf %mul3A_399 : vector<25x128x128xf32> to vector<25x128x128xbf16>
    %convert_element_type3A_403 = arith.truncf %reshape3A_401 : vector<25x128x32xf32> to vector<25x128x32xbf16>
    %dot_general3A_404 = arith.constant dense<0.000000e+00> : vector<25x128x32xf32>
    %dot_general3A_405 = tpu.matmul %convert_element_type3A_402, %convert_element_type3A_403, %dot_general3A_404 {dimension_numbers = #tpu.dot_dimension_numbers<[2], [1], [1], [2], [0, 0, 0, 1, 1, 2], [0], [0]>, transpose_lhs_hint = false} : vector<25x128x128xbf16>, vector<25x128x32xbf16>, vector<25x128x32xf32> -> vector<25x128x32xf32>
    %add3A_406 = arith.addf %add3A_388, %dot_general3A_405 : vector<25x128x32xf32>
    %mul3A_407 = arith.constant 7.000000e+00 : f32
    %mul3A_408 = vector.broadcast %mul3A_407 : f32 to vector<25x128x128xf32>
    %mul3A_409 = arith.mulf %mul3A_408, %dot_general3A_280 : vector<25x128x128xf32>
    %mul3A_410 = arith.mulf %mul3A_409, %mul3A_399 : vector<25x128x128xf32>
    %mul3A_411 = arith.constant 3.000000e+00 : f32
    %mul3A_412 = vector.broadcast %mul3A_411 : f32 to vector<25x128x128xf32>
    %mul3A_413 = arith.mulf %mul3A_412, %mul3A_381 : vector<25x128x128xf32>
    %sub3A_414 = arith.subf %mul3A_410, %mul3A_413 : vector<25x128x128xf32>
    %mul3A_415 = arith.constant 2.500000e-01 : f32
    %mul3A_416 = vector.broadcast %mul3A_415 : f32 to vector<25x128x128xf32>
    %mul3A_417 = arith.mulf %sub3A_414, %mul3A_416 : vector<25x128x128xf32>
    %slice3A_418 = vector.extract_strided_slice %dot_general3A_353 {offsets = [0, 128], sizes = [3200, 32], strides = [1, 1]} : vector<3200x224xf32> to vector<3200x32xf32>
    %reshape3A_419 = vector.shape_cast %slice3A_418 : vector<3200x32xf32> to vector<25x128x32xf32>
    %convert_element_type3A_420 = arith.truncf %mul3A_417 : vector<25x128x128xf32> to vector<25x128x128xbf16>
    %convert_element_type3A_421 = arith.truncf %reshape3A_419 : vector<25x128x32xf32> to vector<25x128x32xbf16>
    %dot_general3A_422 = arith.constant dense<0.000000e+00> : vector<25x128x32xf32>
    %dot_general3A_423 = tpu.matmul %convert_element_type3A_420, %convert_element_type3A_421, %dot_general3A_422 {dimension_numbers = #tpu.dot_dimension_numbers<[2], [1], [1], [2], [0, 0, 0, 1, 1, 2], [0], [0]>, transpose_lhs_hint = false} : vector<25x128x128xbf16>, vector<25x128x32xbf16>, vector<25x128x32xf32> -> vector<25x128x32xf32>
    %add3A_424 = arith.addf %add3A_406, %dot_general3A_423 : vector<25x128x32xf32>
    %mul3A_425 = arith.constant 9.000000e+00 : f32
    %mul3A_426 = vector.broadcast %mul3A_425 : f32 to vector<25x128x128xf32>
    %mul3A_427 = arith.mulf %mul3A_426, %dot_general3A_280 : vector<25x128x128xf32>
    %mul3A_428 = arith.mulf %mul3A_427, %mul3A_417 : vector<25x128x128xf32>
    %mul3A_429 = arith.constant 4.000000e+00 : f32
    %mul3A_430 = vector.broadcast %mul3A_429 : f32 to vector<25x128x128xf32>
    %mul3A_431 = arith.mulf %mul3A_430, %mul3A_399 : vector<25x128x128xf32>
    %sub3A_432 = arith.subf %mul3A_428, %mul3A_431 : vector<25x128x128xf32>
    %mul3A_433 = arith.constant 2.000000e-01 : f32
    %mul3A_434 = vector.broadcast %mul3A_433 : f32 to vector<25x128x128xf32>
    %mul3A_435 = arith.mulf %sub3A_432, %mul3A_434 : vector<25x128x128xf32>
    %slice3A_436 = vector.extract_strided_slice %dot_general3A_353 {offsets = [0, 160], sizes = [3200, 32], strides = [1, 1]} : vector<3200x224xf32> to vector<3200x32xf32>
    %reshape3A_437 = vector.shape_cast %slice3A_436 : vector<3200x32xf32> to vector<25x128x32xf32>
    %convert_element_type3A_438 = arith.truncf %mul3A_435 : vector<25x128x128xf32> to vector<25x128x128xbf16>
    %convert_element_type3A_439 = arith.truncf %reshape3A_437 : vector<25x128x32xf32> to vector<25x128x32xbf16>
    %dot_general3A_440 = arith.constant dense<0.000000e+00> : vector<25x128x32xf32>
    %dot_general3A_441 = tpu.matmul %convert_element_type3A_438, %convert_element_type3A_439, %dot_general3A_440 {dimension_numbers = #tpu.dot_dimension_numbers<[2], [1], [1], [2], [0, 0, 0, 1, 1, 2], [0], [0]>, transpose_lhs_hint = false} : vector<25x128x128xbf16>, vector<25x128x32xbf16>, vector<25x128x32xf32> -> vector<25x128x32xf32>
    %add3A_442 = arith.addf %add3A_424, %dot_general3A_441 : vector<25x128x32xf32>
    %mul3A_443 = arith.constant 1.100000e+01 : f32
    %mul3A_444 = vector.broadcast %mul3A_443 : f32 to vector<25x128x128xf32>
    %mul3A_445 = arith.mulf %mul3A_444, %dot_general3A_280 : vector<25x128x128xf32>
    %mul3A_446 = arith.mulf %mul3A_445, %mul3A_435 : vector<25x128x128xf32>
    %mul3A_447 = arith.constant 5.000000e+00 : f32
    %mul3A_448 = vector.broadcast %mul3A_447 : f32 to vector<25x128x128xf32>
    %mul3A_449 = arith.mulf %mul3A_448, %mul3A_417 : vector<25x128x128xf32>
    %sub3A_450 = arith.subf %mul3A_446, %mul3A_449 : vector<25x128x128xf32>
    %mul3A_451 = arith.constant 0.166666672 : f32
    %mul3A_452 = vector.broadcast %mul3A_451 : f32 to vector<25x128x128xf32>
    %mul3A_453 = arith.mulf %sub3A_450, %mul3A_452 : vector<25x128x128xf32>
    %slice3A_454 = vector.extract_strided_slice %dot_general3A_353 {offsets = [0, 192], sizes = [3200, 32], strides = [1, 1]} : vector<3200x224xf32> to vector<3200x32xf32>
    %reshape3A_455 = vector.shape_cast %slice3A_454 : vector<3200x32xf32> to vector<25x128x32xf32>
    %convert_element_type3A_456 = arith.truncf %mul3A_453 : vector<25x128x128xf32> to vector<25x128x128xbf16>
    %convert_element_type3A_457 = arith.truncf %reshape3A_455 : vector<25x128x32xf32> to vector<25x128x32xbf16>
    %dot_general3A_458 = arith.constant dense<0.000000e+00> : vector<25x128x32xf32>
    %dot_general3A_459 = tpu.matmul %convert_element_type3A_456, %convert_element_type3A_457, %dot_general3A_458 {dimension_numbers = #tpu.dot_dimension_numbers<[2], [1], [1], [2], [0, 0, 0, 1, 1, 2], [0], [0]>, transpose_lhs_hint = false} : vector<25x128x128xbf16>, vector<25x128x32xbf16>, vector<25x128x32xf32> -> vector<25x128x32xf32>
    %add3A_460 = arith.addf %add3A_442, %dot_general3A_459 : vector<25x128x32xf32>
    %reshape3A_461 = vector.shape_cast %add3A_460 : vector<25x128x32xf32> to vector<3200x32xf32>
    %convert_element_type3A_462 = arith.truncf %reshape3A_461 : vector<3200x32xf32> to vector<3200x32xbf16>
    %dot_general3A_463 = arith.constant dense<0.000000e+00> : vector<3200x128xf32>
    %dot_general3A_464 = tpu.matmul %convert_element_type3A_462, %get3A_210, %dot_general3A_463 {dimension_numbers = #tpu.dot_dimension_numbers<[1], [0], [0], [1], [0, 0, 1, 1], [], []>, transpose_lhs_hint = false} : vector<3200x32xbf16>, vector<32x128xbf16>, vector<3200x128xf32> -> vector<3200x128xf32>
    %mul3A_465 = arith.constant -1.44269502 : f32
    %mul3A_466 = vector.broadcast %mul3A_465 : f32 to vector<3200x128xf32>
    %mul3A_467 = arith.mulf %dot_general3A_464, %mul3A_466 : vector<3200x128xf32>
    %exp23A_468 = math.exp2 %mul3A_467 : vector<3200x128xf32>
    %add3A_469 = arith.constant 1.000000e+00 : f32
    %add3A_470 = vector.broadcast %add3A_469 : f32 to vector<3200x128xf32>
    %add3A_471 = arith.addf %add3A_470, %exp23A_468 : vector<3200x128xf32>
    %div3A_472 = arith.divf %dot_general3A_464, %add3A_471 : vector<3200x128xf32>
    %convert_element_type3A_473 = arith.truncf %div3A_472 : vector<3200x128xf32> to vector<3200x128xbf16>
    %dot_general3A_474 = arith.constant dense<0.000000e+00> : vector<3200x128xf32>
    %dot_general3A_475 = tpu.matmul %convert_element_type3A_473, %get3A_213, %dot_general3A_474 {dimension_numbers = #tpu.dot_dimension_numbers<[1], [0], [0], [1], [0, 0, 1, 1], [], []>, transpose_lhs_hint = false} : vector<3200x128xbf16>, vector<128x128xbf16>, vector<3200x128xf32> -> vector<3200x128xf32>
    %mul3A_476 = arith.constant -1.44269502 : f32
    %mul3A_477 = vector.broadcast %mul3A_476 : f32 to vector<3200x128xf32>
    %mul3A_478 = arith.mulf %dot_general3A_475, %mul3A_477 : vector<3200x128xf32>
    %exp23A_479 = math.exp2 %mul3A_478 : vector<3200x128xf32>
    %add3A_480 = arith.constant 1.000000e+00 : f32
    %add3A_481 = vector.broadcast %add3A_480 : f32 to vector<3200x128xf32>
    %add3A_482 = arith.addf %add3A_481, %exp23A_479 : vector<3200x128xf32>
    %div3A_483 = arith.divf %dot_general3A_475, %add3A_482 : vector<3200x128xf32>
    %convert_element_type3A_484 = arith.truncf %div3A_483 : vector<3200x128xf32> to vector<3200x128xbf16>
    %dot_general3A_485 = arith.constant dense<0.000000e+00> : vector<3200x128xf32>
    %dot_general3A_486 = tpu.matmul %convert_element_type3A_484, %get3A_216, %dot_general3A_485 {dimension_numbers = #tpu.dot_dimension_numbers<[1], [0], [0], [1], [0, 0, 1, 1], [], []>, transpose_lhs_hint = false} : vector<3200x128xbf16>, vector<128x128xbf16>, vector<3200x128xf32> -> vector<3200x128xf32>
    %mul3A_487 = arith.constant -1.44269502 : f32
    %mul3A_488 = vector.broadcast %mul3A_487 : f32 to vector<3200x128xf32>
    %mul3A_489 = arith.mulf %dot_general3A_486, %mul3A_488 : vector<3200x128xf32>
    %exp23A_490 = math.exp2 %mul3A_489 : vector<3200x128xf32>
    %add3A_491 = arith.constant 1.000000e+00 : f32
    %add3A_492 = vector.broadcast %add3A_491 : f32 to vector<3200x128xf32>
    %add3A_493 = arith.addf %add3A_492, %exp23A_490 : vector<3200x128xf32>
    %div3A_494 = arith.divf %dot_general3A_486, %add3A_493 : vector<3200x128xf32>
    %add3A_495 = arith.addf %div3A_472, %div3A_494 : vector<3200x128xf32>
    %mul3A_496 = arith.constant 0.707106769 : f32
    %mul3A_497 = vector.broadcast %mul3A_496 : f32 to vector<3200x128xf32>
    %mul3A_498 = arith.mulf %add3A_495, %mul3A_497 : vector<3200x128xf32>
    %add3A_499 = arith.addf %mul3A_498, %div3A : vector<3200x128xf32>
    %mul3A_500 = arith.constant 0.707106769 : f32
    %mul3A_501 = vector.broadcast %mul3A_500 : f32 to vector<3200x128xf32>
    %mul3A_502 = arith.mulf %add3A_499, %mul3A_501 : vector<3200x128xf32>
    %convert_element_type3A_503 = arith.truncf %mul3A_502 : vector<3200x128xf32> to vector<3200x128xbf16>
    %dot_general3A_504 = arith.constant dense<0.000000e+00> : vector<3200x128xf32>
    %dot_general3A_505 = tpu.matmul %convert_element_type3A_503, %get3A_219, %dot_general3A_504 {dimension_numbers = #tpu.dot_dimension_numbers<[1], [0], [0], [1], [0, 0, 1, 1], [], []>, transpose_lhs_hint = false} : vector<3200x128xbf16>, vector<128x128xbf16>, vector<3200x128xf32> -> vector<3200x128xf32>
    %mul3A_506 = arith.constant -1.44269502 : f32
    %mul3A_507 = vector.broadcast %mul3A_506 : f32 to vector<3200x128xf32>
    %mul3A_508 = arith.mulf %dot_general3A_505, %mul3A_507 : vector<3200x128xf32>
    %exp23A_509 = math.exp2 %mul3A_508 : vector<3200x128xf32>
    %add3A_510 = arith.constant 1.000000e+00 : f32
    %add3A_511 = vector.broadcast %add3A_510 : f32 to vector<3200x128xf32>
    %add3A_512 = arith.addf %add3A_511, %exp23A_509 : vector<3200x128xf32>
    %div3A_513 = arith.divf %dot_general3A_505, %add3A_512 : vector<3200x128xf32>
    %convert_element_type3A_514 = arith.truncf %div3A_513 : vector<3200x128xf32> to vector<3200x128xbf16>
    %dot_general3A_515 = arith.constant dense<0.000000e+00> : vector<3200x128xf32>
    %dot_general3A_516 = tpu.matmul %convert_element_type3A_514, %get3A_222, %dot_general3A_515 {dimension_numbers = #tpu.dot_dimension_numbers<[1], [0], [0], [1], [0, 0, 1, 1], [], []>, transpose_lhs_hint = false} : vector<3200x128xbf16>, vector<128x128xbf16>, vector<3200x128xf32> -> vector<3200x128xf32>
    %mul3A_517 = arith.constant -1.44269502 : f32
    %mul3A_518 = vector.broadcast %mul3A_517 : f32 to vector<3200x128xf32>
    %mul3A_519 = arith.mulf %dot_general3A_516, %mul3A_518 : vector<3200x128xf32>
    %exp23A_520 = math.exp2 %mul3A_519 : vector<3200x128xf32>
    %add3A_521 = arith.constant 1.000000e+00 : f32
    %add3A_522 = vector.broadcast %add3A_521 : f32 to vector<3200x128xf32>
    %add3A_523 = arith.addf %add3A_522, %exp23A_520 : vector<3200x128xf32>
    %div3A_524 = arith.divf %dot_general3A_516, %add3A_523 : vector<3200x128xf32>
    %add3A_525 = arith.addf %mul3A_502, %div3A_524 : vector<3200x128xf32>
    %mul3A_526 = arith.constant 0.707106769 : f32
    %mul3A_527 = vector.broadcast %mul3A_526 : f32 to vector<3200x128xf32>
    %mul3A_528 = arith.mulf %add3A_525, %mul3A_527 : vector<3200x128xf32>
    %convert_element_type3A_529 = arith.truncf %mul3A_528 : vector<3200x128xf32> to vector<3200x128xbf16>
    %dot_general3A_530 = arith.constant dense<0.000000e+00> : vector<3200x128xf32>
    %dot_general3A_531 = tpu.matmul %convert_element_type3A_529, %get3A_225, %dot_general3A_530 {dimension_numbers = #tpu.dot_dimension_numbers<[1], [0], [0], [1], [0, 0, 1, 1], [], []>, transpose_lhs_hint = false} : vector<3200x128xbf16>, vector<128x128xbf16>, vector<3200x128xf32> -> vector<3200x128xf32>
    %mul3A_532 = arith.constant -1.44269502 : f32
    %mul3A_533 = vector.broadcast %mul3A_532 : f32 to vector<3200x128xf32>
    %mul3A_534 = arith.mulf %dot_general3A_531, %mul3A_533 : vector<3200x128xf32>
    %exp23A_535 = math.exp2 %mul3A_534 : vector<3200x128xf32>
    %add3A_536 = arith.constant 1.000000e+00 : f32
    %add3A_537 = vector.broadcast %add3A_536 : f32 to vector<3200x128xf32>
    %add3A_538 = arith.addf %add3A_537, %exp23A_535 : vector<3200x128xf32>
    %div3A_539 = arith.divf %dot_general3A_531, %add3A_538 : vector<3200x128xf32>
    %dot_general3A_540 = arith.constant dense<0.000000e+00> : vector<3200x128xf32>
    %dot_general3A_541 = tpu.matmul %dot_general3A_58, %get3A_228, %dot_general3A_540 {dimension_numbers = #tpu.dot_dimension_numbers<[1], [0], [0], [1], [0, 0, 1, 1], [], []>, transpose_lhs_hint = false} : vector<3200x16xf32>, vector<16x128xf32>, vector<3200x128xf32> -> vector<3200x128xf32>
    %mul3A_542 = arith.mulf %div3A_539, %dot_general3A_541 : vector<3200x128xf32>
    %reshape3A_543 = vector.shape_cast %mul3A_542 : vector<3200x128xf32> to vector<200x16x128xf32>
    %reduce_sum3A_544 = arith.constant dense<0.000000e+00> : vector<200x128xf32>
    %reduce_sum3A_545 = vector.multi_reduction <add>, %reshape3A_543, %reduce_sum3A_544 [1] : vector<200x16x128xf32> to vector<200x128xf32>
    %convert_element_type3A_546 = arith.truncf %reduce_sum3A_545 : vector<200x128xf32> to vector<200x128xbf16>
    %dot_general3A_547 = arith.constant dense<0.000000e+00> : vector<200x128xf32>
    %dot_general3A_548 = tpu.matmul %convert_element_type3A_546, %get3A_231, %dot_general3A_547 {dimension_numbers = #tpu.dot_dimension_numbers<[1], [0], [0], [1], [0, 0, 1, 1], [], []>, transpose_lhs_hint = false} : vector<200x128xbf16>, vector<128x128xbf16>, vector<200x128xf32> -> vector<200x128xf32>
    %mul3A_549 = arith.constant -1.44269502 : f32
    %mul3A_550 = vector.broadcast %mul3A_549 : f32 to vector<200x128xf32>
    %mul3A_551 = arith.mulf %dot_general3A_548, %mul3A_550 : vector<200x128xf32>
    %exp23A_552 = math.exp2 %mul3A_551 : vector<200x128xf32>
    %add3A_553 = arith.constant 1.000000e+00 : f32
    %add3A_554 = vector.broadcast %add3A_553 : f32 to vector<200x128xf32>
    %add3A_555 = arith.addf %add3A_554, %exp23A_552 : vector<200x128xf32>
    %div3A_556 = arith.divf %dot_general3A_548, %add3A_555 : vector<200x128xf32>
    %convert_element_type3A_557 = arith.truncf %div3A_556 : vector<200x128xf32> to vector<200x128xbf16>
    %dot_general3A_558 = arith.constant dense<0.000000e+00> : vector<200x128xf32>
    %dot_general3A_559 = tpu.matmul %convert_element_type3A_557, %get3A_234, %dot_general3A_558 {dimension_numbers = #tpu.dot_dimension_numbers<[1], [0], [0], [1], [0, 0, 1, 1], [], []>, transpose_lhs_hint = false} : vector<200x128xbf16>, vector<128x128xbf16>, vector<200x128xf32> -> vector<200x128xf32>
    %mul3A_560 = arith.constant -1.44269502 : f32
    %mul3A_561 = vector.broadcast %mul3A_560 : f32 to vector<200x128xf32>
    %mul3A_562 = arith.mulf %dot_general3A_559, %mul3A_561 : vector<200x128xf32>
    %exp23A_563 = math.exp2 %mul3A_562 : vector<200x128xf32>
    %add3A_564 = arith.constant 1.000000e+00 : f32
    %add3A_565 = vector.broadcast %add3A_564 : f32 to vector<200x128xf32>
    %add3A_566 = arith.addf %add3A_565, %exp23A_563 : vector<200x128xf32>
    %div3A_567 = arith.divf %dot_general3A_559, %add3A_566 : vector<200x128xf32>
    %add3A_568 = arith.addf %reduce_sum3A_545, %div3A_567 : vector<200x128xf32>
    %mul3A_569 = arith.constant 0.707106769 : f32
    %mul3A_570 = vector.broadcast %mul3A_569 : f32 to vector<200x128xf32>
    %mul3A_571 = arith.mulf %add3A_568, %mul3A_570 : vector<200x128xf32>
    %convert_element_type3A_572 = arith.truncf %mul3A_571 : vector<200x128xf32> to vector<200x128xbf16>
    %dot_general3A_573 = arith.constant dense<0.000000e+00> : vector<200x128xf32>
    %dot_general3A_574 = tpu.matmul %convert_element_type3A_572, %get3A_237, %dot_general3A_573 {dimension_numbers = #tpu.dot_dimension_numbers<[1], [0], [0], [1], [0, 0, 1, 1], [], []>, transpose_lhs_hint = false} : vector<200x128xbf16>, vector<128x128xbf16>, vector<200x128xf32> -> vector<200x128xf32>
    %mul3A_575 = arith.constant -1.44269502 : f32
    %mul3A_576 = vector.broadcast %mul3A_575 : f32 to vector<200x128xf32>
    %mul3A_577 = arith.mulf %dot_general3A_574, %mul3A_576 : vector<200x128xf32>
    %exp23A_578 = math.exp2 %mul3A_577 : vector<200x128xf32>
    %add3A_579 = arith.constant 1.000000e+00 : f32
    %add3A_580 = vector.broadcast %add3A_579 : f32 to vector<200x128xf32>
    %add3A_581 = arith.addf %add3A_580, %exp23A_578 : vector<200x128xf32>
    %div3A_582 = arith.divf %dot_general3A_574, %add3A_581 : vector<200x128xf32>
    %convert_element_type3A_583 = arith.truncf %div3A_582 : vector<200x128xf32> to vector<200x128xbf16>
    %dot_general3A_584 = arith.constant dense<0.000000e+00> : vector<200x128xf32>
    %dot_general3A_585 = tpu.matmul %convert_element_type3A_583, %get3A_240, %dot_general3A_584 {dimension_numbers = #tpu.dot_dimension_numbers<[1], [0], [0], [1], [0, 0, 1, 1], [], []>, transpose_lhs_hint = false} : vector<200x128xbf16>, vector<128x128xbf16>, vector<200x128xf32> -> vector<200x128xf32>
    %mul3A_586 = arith.constant -1.44269502 : f32
    %mul3A_587 = vector.broadcast %mul3A_586 : f32 to vector<200x128xf32>
    %mul3A_588 = arith.mulf %dot_general3A_585, %mul3A_587 : vector<200x128xf32>
    %exp23A_589 = math.exp2 %mul3A_588 : vector<200x128xf32>
    %add3A_590 = arith.constant 1.000000e+00 : f32
    %add3A_591 = vector.broadcast %add3A_590 : f32 to vector<200x128xf32>
    %add3A_592 = arith.addf %add3A_591, %exp23A_589 : vector<200x128xf32>
    %div3A_593 = arith.divf %dot_general3A_585, %add3A_592 : vector<200x128xf32>
    %add3A_594 = arith.addf %mul3A_571, %div3A_593 : vector<200x128xf32>
    %mul3A_595 = arith.constant 0.707106769 : f32
    %mul3A_596 = vector.broadcast %mul3A_595 : f32 to vector<200x128xf32>
    %mul3A_597 = arith.mulf %add3A_594, %mul3A_596 : vector<200x128xf32>
    %add3A_598 = arith.addf %get3A_68, %mul3A_597 : vector<200x128xf32>
    %convert_element_type3A_599 = arith.truncf %add3A_598 : vector<200x128xf32> to vector<200x128xbf16>
    %dot_general3A_600 = arith.constant dense<0.000000e+00> : vector<200x128xf32>
    %dot_general3A_601 = tpu.matmul %convert_element_type3A_599, %get3A_243, %dot_general3A_600 {dimension_numbers = #tpu.dot_dimension_numbers<[1], [0], [0], [1], [0, 0, 1, 1], [], []>, transpose_lhs_hint = false} : vector<200x128xbf16>, vector<128x128xbf16>, vector<200x128xf32> -> vector<200x128xf32>
    %convert_element_type3A_602 = arith.truncf %add3A_598 : vector<200x128xf32> to vector<200x128xbf16>
    %dot_general3A_603 = arith.constant dense<0.000000e+00> : vector<200x128xf32>
    %dot_general3A_604 = tpu.matmul %convert_element_type3A_602, %get3A_246, %dot_general3A_603 {dimension_numbers = #tpu.dot_dimension_numbers<[1], [0], [0], [1], [0, 0, 1, 1], [], []>, transpose_lhs_hint = false} : vector<200x128xbf16>, vector<128x128xbf16>, vector<200x128xf32> -> vector<200x128xf32>
    %convert_element_type3A_605 = arith.truncf %mul3A_528 : vector<3200x128xf32> to vector<3200x128xbf16>
    %dot_general3A_606 = arith.constant dense<0.000000e+00> : vector<3200x128xf32>
    %dot_general3A_607 = tpu.matmul %convert_element_type3A_605, %get3A_249, %dot_general3A_606 {dimension_numbers = #tpu.dot_dimension_numbers<[1], [0], [0], [1], [0, 0, 1, 1], [], []>, transpose_lhs_hint = false} : vector<3200x128xbf16>, vector<128x128xbf16>, vector<3200x128xf32> -> vector<3200x128xf32>
    %broadcast_in_dim3A_608 = vector.shape_cast %dot_general3A_604 : vector<200x128xf32> to vector<200x1x128xf32>
    %broadcast_in_dim3A_609 = vector.shape_cast %broadcast_in_dim3A_608 : vector<200x1x128xf32> to vector<200x1x128xf32>
    %broadcast_in_dim3A_610 = vector.broadcast %broadcast_in_dim3A_609 : vector<200x1x128xf32> to vector<200x16x128xf32>
    %reshape3A_611 = vector.shape_cast %broadcast_in_dim3A_610 : vector<200x16x128xf32> to vector<3200x128xf32>
    %add3A_612 = arith.addf %dot_general3A_607, %reshape3A_611 : vector<3200x128xf32>
    %add3A_613 = vector.broadcast %get3A_252 : vector<1x128xf32> to vector<3200x128xf32>
    %add3A_614 = arith.addf %add3A_612, %add3A_613 : vector<3200x128xf32>
    %swap3A_615 = arith.constant 0 : index
    %swap3A_616 = arith.constant 0 : index
    %swap3A_617 = vector.load %arg37[%swap3A_615, %swap3A_616] : memref<200x128xf32, #tpu.memory_space<vmem>>, vector<200x128xf32>
    tpu.vector_store %arg37[%swap3A_615, %swap3A_616], %add3A_598 {strides = array<i32>} : memref<200x128xf32, #tpu.memory_space<vmem>>, vector<200x128xf32>,
    %swap3A_618 = arith.constant 0 : index
    %swap3A_619 = arith.constant 0 : index
    %swap3A_620 = vector.load %arg38[%swap3A_618, %swap3A_619] : memref<200x128xf32, #tpu.memory_space<vmem>>, vector<200x128xf32>
    tpu.vector_store %arg38[%swap3A_618, %swap3A_619], %dot_general3A_601 {strides = array<i32>} : memref<200x128xf32, #tpu.memory_space<vmem>>, vector<200x128xf32>,
    %swap3A_621 = arith.constant 0 : index
    %swap3A_622 = arith.constant 0 : index
    %swap3A_623 = vector.load %arg39[%swap3A_621, %swap3A_622] : memref<3200x128xf32, #tpu.memory_space<vmem>>, vector<3200x128xf32>
    tpu.vector_store %arg39[%swap3A_621, %swap3A_622], %add3A_614 {strides = array<i32>} : memref<3200x128xf32, #tpu.memory_space<vmem>>, vector<3200x128xf32>,
    %eq3A_624 = arith.constant 0 : i32
    %eq3A_625 = arith.cmpi eq, %arg0, %eq3A_624 : i32
    %convert_element_type3A_626 = arith.extui %eq3A_625 : i1 to i32
    %cond3A = arith.constant 0 : i32
    %cond3A_627 = arith.cmpi ne, %convert_element_type3A_626, %cond3A : i32
    scf.if %cond3A_627 {
      %broadcast_in_dim3A_639 = arith.constant 0.000000e+00 : f32
      %broadcast_in_dim3A_640 = vector.broadcast %broadcast_in_dim3A_639 : f32 to vector<1x1xf32>
      %swap3A_641 = arith.constant 0 : index
      %swap3A_642 = arith.constant 0 : index
      %swap3A_643 = vector.load %arg36[%swap3A_641, %swap3A_642] : memref<1x1xf32, #tpu.memory_space<vmem>>, vector<1x1xf32>
      tpu.vector_store %arg36[%swap3A_641, %swap3A_642], %broadcast_in_dim3A_640 {strides = array<i32>} : memref<1x1xf32, #tpu.memory_space<vmem>>, vector<1x1xf32>,
    } else {
    }
    %get3A_628 = arith.constant 0 : index
    %get3A_629 = arith.constant 0 : index
    %get3A_630 = vector.load %arg36[%get3A_628, %get3A_629] : memref<1x1xf32, #tpu.memory_space<vmem>>, vector<1x1xf32>
    %broadcast_in_dim3A_631 = arith.constant 0.000000e+00 : f32
    %broadcast_in_dim3A_632 = vector.broadcast %broadcast_in_dim3A_631 : f32 to vector<1x1xf32>
    %add3A_633 = arith.addf %get3A_630, %broadcast_in_dim3A_632 : vector<1x1xf32>
    %add3A_634 = vector.broadcast %reduce_sum3A_195 : f32 to vector<1x1xf32>
    %add3A_635 = arith.addf %add3A_633, %add3A_634 : vector<1x1xf32>
    %swap3A_636 = arith.constant 0 : index
    %swap3A_637 = arith.constant 0 : index
    %swap3A_638 = vector.load %arg36[%swap3A_636, %swap3A_637] : memref<1x1xf32, #tpu.memory_space<vmem>>, vector<1x1xf32>
    tpu.vector_store %arg36[%swap3A_636, %swap3A_637], %add3A_635 {strides = array<i32>} : memref<1x1xf32, #tpu.memory_space<vmem>>, vector<1x1xf32>,
    return
  }
  func.func @transform_0(%arg0: i32) -> (i32, i32) {
    %c0_i32 = arith.constant 0 : i32
    %c0_i32_0 = arith.constant 0 : i32
    return %arg0, %c0_i32 : i32, i32
  }
  func.func @transform_1(%arg0: i32) -> (i32, i32) {
    %c0_i32 = arith.constant 0 : i32
    %c0_i32_0 = arith.constant 0 : i32
    return %arg0, %c0_i32 : i32, i32
  }
  func.func @transform_2(%arg0: i32) -> (i32, i32) {
    %c0_i32 = arith.constant 0 : i32
    %c0_i32_0 = arith.constant 0 : i32
    return %arg0, %c0_i32 : i32, i32
  }
  func.func @transform_3(%arg0: i32) -> (i32, i32) {
    %c0_i32 = arith.constant 0 : i32
    %c0_i32_0 = arith.constant 0 : i32
    %c0_i32_1 = arith.constant 0 : i32
    return %c0_i32, %c0_i32_0 : i32, i32
  }
  func.func @transform_4(%arg0: i32) -> (i32, i32) {
    %c0_i32 = arith.constant 0 : i32
    %c0_i32_0 = arith.constant 0 : i32
    %c0_i32_1 = arith.constant 0 : i32
    return %c0_i32, %c0_i32_0 : i32, i32
  }
  func.func @transform_5(%arg0: i32) -> (i32, i32) {
    %c0_i32 = arith.constant 0 : i32
    %c0_i32_0 = arith.constant 0 : i32
    %c0_i32_1 = arith.constant 0 : i32
    return %c0_i32, %c0_i32_0 : i32, i32
  }
  func.func @transform_6(%arg0: i32) -> (i32, i32) {
    %c0_i32 = arith.constant 0 : i32
    %c0_i32_0 = arith.constant 0 : i32
    %c0_i32_1 = arith.constant 0 : i32
    return %c0_i32, %c0_i32_0 : i32, i32
  }
  func.func @transform_7(%arg0: i32) -> (i32, i32) {
    %c0_i32 = arith.constant 0 : i32
    %c0_i32_0 = arith.constant 0 : i32
    %c0_i32_1 = arith.constant 0 : i32
    return %c0_i32, %c0_i32_0 : i32, i32
  }
  func.func @transform_8(%arg0: i32) -> (i32, i32) {
    %c0_i32 = arith.constant 0 : i32
    %c0_i32_0 = arith.constant 0 : i32
    %c0_i32_1 = arith.constant 0 : i32
    return %c0_i32, %c0_i32_0 : i32, i32
  }
  func.func @transform_9(%arg0: i32) -> (i32, i32) {
    %c0_i32 = arith.constant 0 : i32
    %c0_i32_0 = arith.constant 0 : i32
    %c0_i32_1 = arith.constant 0 : i32
    return %c0_i32, %c0_i32_0 : i32, i32
  }
  func.func @transform_10(%arg0: i32) -> (i32, i32) {
    %c0_i32 = arith.constant 0 : i32
    %c0_i32_0 = arith.constant 0 : i32
    %c0_i32_1 = arith.constant 0 : i32
    return %c0_i32, %c0_i32_0 : i32, i32
  }
  func.func @transform_11(%arg0: i32) -> (i32, i32) {
    %c0_i32 = arith.constant 0 : i32
    %c0_i32_0 = arith.constant 0 : i32
    %c0_i32_1 = arith.constant 0 : i32
    return %c0_i32, %c0_i32_0 : i32, i32
  }
  func.func @transform_12(%arg0: i32) -> (i32, i32) {
    %c0_i32 = arith.constant 0 : i32
    %c0_i32_0 = arith.constant 0 : i32
    %c0_i32_1 = arith.constant 0 : i32
    return %c0_i32, %c0_i32_0 : i32, i32
  }
  func.func @transform_13(%arg0: i32) -> (i32, i32) {
    %c0_i32 = arith.constant 0 : i32
    %c0_i32_0 = arith.constant 0 : i32
    %c0_i32_1 = arith.constant 0 : i32
    return %c0_i32, %c0_i32_0 : i32, i32
  }
  func.func @transform_14(%arg0: i32) -> (i32, i32) {
    %c0_i32 = arith.constant 0 : i32
    %c0_i32_0 = arith.constant 0 : i32
    %c0_i32_1 = arith.constant 0 : i32
    return %c0_i32, %c0_i32_0 : i32, i32
  }
  func.func @transform_15(%arg0: i32) -> (i32, i32) {
    %c0_i32 = arith.constant 0 : i32
    %c0_i32_0 = arith.constant 0 : i32
    %c0_i32_1 = arith.constant 0 : i32
    return %c0_i32, %c0_i32_0 : i32, i32
  }
  func.func @transform_16(%arg0: i32) -> (i32, i32) {
    %c0_i32 = arith.constant 0 : i32
    %c0_i32_0 = arith.constant 0 : i32
    %c0_i32_1 = arith.constant 0 : i32
    return %c0_i32, %c0_i32_0 : i32, i32
  }
  func.func @transform_17(%arg0: i32) -> (i32, i32) {
    %c0_i32 = arith.constant 0 : i32
    %c0_i32_0 = arith.constant 0 : i32
    %c0_i32_1 = arith.constant 0 : i32
    return %c0_i32, %c0_i32_0 : i32, i32
  }
  func.func @transform_18(%arg0: i32) -> (i32, i32) {
    %c0_i32 = arith.constant 0 : i32
    %c0_i32_0 = arith.constant 0 : i32
    %c0_i32_1 = arith.constant 0 : i32
    return %c0_i32, %c0_i32_0 : i32, i32
  }
  func.func @transform_19(%arg0: i32) -> (i32, i32) {
    %c0_i32 = arith.constant 0 : i32
    %c0_i32_0 = arith.constant 0 : i32
    %c0_i32_1 = arith.constant 0 : i32
    return %c0_i32, %c0_i32_0 : i32, i32
  }
  func.func @transform_20(%arg0: i32) -> (i32, i32) {
    %c0_i32 = arith.constant 0 : i32
    %c0_i32_0 = arith.constant 0 : i32
    %c0_i32_1 = arith.constant 0 : i32
    return %c0_i32, %c0_i32_0 : i32, i32
  }
  func.func @transform_21(%arg0: i32) -> (i32, i32) {
    %c0_i32 = arith.constant 0 : i32
    %c0_i32_0 = arith.constant 0 : i32
    %c0_i32_1 = arith.constant 0 : i32
    return %c0_i32, %c0_i32_0 : i32, i32
  }
  func.func @transform_22(%arg0: i32) -> (i32, i32) {
    %c0_i32 = arith.constant 0 : i32
    %c0_i32_0 = arith.constant 0 : i32
    %c0_i32_1 = arith.constant 0 : i32
    return %c0_i32, %c0_i32_0 : i32, i32
  }
  func.func @transform_23(%arg0: i32) -> (i32, i32) {
    %c0_i32 = arith.constant 0 : i32
    %c0_i32_0 = arith.constant 0 : i32
    %c0_i32_1 = arith.constant 0 : i32
    return %c0_i32, %c0_i32_0 : i32, i32
  }
  func.func @transform_24(%arg0: i32) -> (i32, i32) {
    %c0_i32 = arith.constant 0 : i32
    %c0_i32_0 = arith.constant 0 : i32
    %c0_i32_1 = arith.constant 0 : i32
    return %c0_i32, %c0_i32_0 : i32, i32
  }
  func.func @transform_25(%arg0: i32) -> (i32, i32) {
    %c0_i32 = arith.constant 0 : i32
    %c0_i32_0 = arith.constant 0 : i32
    %c0_i32_1 = arith.constant 0 : i32
    return %c0_i32, %c0_i32_0 : i32, i32
  }
  func.func @transform_26(%arg0: i32) -> (i32, i32) {
    %c0_i32 = arith.constant 0 : i32
    %c0_i32_0 = arith.constant 0 : i32
    %c0_i32_1 = arith.constant 0 : i32
    return %c0_i32, %c0_i32_0 : i32, i32
  }
  func.func @transform_27(%arg0: i32) -> (i32, i32) {
    %c0_i32 = arith.constant 0 : i32
    %c0_i32_0 = arith.constant 0 : i32
    %c0_i32_1 = arith.constant 0 : i32
    return %c0_i32, %c0_i32_0 : i32, i32
  }
  func.func @transform_28(%arg0: i32) -> (i32, i32) {
    %c0_i32 = arith.constant 0 : i32
    %c0_i32_0 = arith.constant 0 : i32
    %c0_i32_1 = arith.constant 0 : i32
    return %c0_i32, %c0_i32_0 : i32, i32
  }
  func.func @transform_29(%arg0: i32) -> (i32, i32) {
    %c0_i32 = arith.constant 0 : i32
    %c0_i32_0 = arith.constant 0 : i32
    %c0_i32_1 = arith.constant 0 : i32
    return %c0_i32, %c0_i32_0 : i32, i32
  }
  func.func @transform_30(%arg0: i32) -> (i32, i32) {
    %c0_i32 = arith.constant 0 : i32
    %c0_i32_0 = arith.constant 0 : i32
    %c0_i32_1 = arith.constant 0 : i32
    return %c0_i32, %c0_i32_0 : i32, i32
  }
  func.func @transform_31(%arg0: i32) -> (i32, i32) {
    %c0_i32 = arith.constant 0 : i32
    %c0_i32_0 = arith.constant 0 : i32
    %c0_i32_1 = arith.constant 0 : i32
    return %c0_i32, %c0_i32_0 : i32, i32
  }
  func.func @transform_32(%arg0: i32) -> (i32, i32) {
    %c0_i32 = arith.constant 0 : i32
    %c0_i32_0 = arith.constant 0 : i32
    %c0_i32_1 = arith.constant 0 : i32
    return %c0_i32, %c0_i32_0 : i32, i32
  }
  func.func @transform_33(%arg0: i32) -> (i32, i32) {
    %c0_i32 = arith.constant 0 : i32
    %c0_i32_0 = arith.constant 0 : i32
    %c0_i32_1 = arith.constant 0 : i32
    return %c0_i32, %c0_i32_0 : i32, i32
  }
  func.func @transform_34(%arg0: i32) -> (i32, i32) {
    %c0_i32 = arith.constant 0 : i32
    %c0_i32_0 = arith.constant 0 : i32
    %c0_i32_1 = arith.constant 0 : i32
    return %c0_i32, %c0_i32_0 : i32, i32
  }
  func.func @transform_35(%arg0: i32) -> (i32, i32) {
    %c0_i32 = arith.constant 0 : i32
    %c0_i32_0 = arith.constant 0 : i32
    %c0_i32_1 = arith.constant 0 : i32
    return %c0_i32, %c0_i32_0 : i32, i32
  }
  func.func @transform_36(%arg0: i32) -> (i32, i32) {
    %c0_i32 = arith.constant 0 : i32
    %c0_i32_0 = arith.constant 0 : i32
    return %arg0, %c0_i32 : i32, i32
  }
  func.func @transform_37(%arg0: i32) -> (i32, i32) {
    %c0_i32 = arith.constant 0 : i32
    %c0_i32_0 = arith.constant 0 : i32
    return %arg0, %c0_i32 : i32, i32
  }
  func.func @transform_38(%arg0: i32) -> (i32, i32) {
    %c0_i32 = arith.constant 0 : i32
    %c0_i32_0 = arith.constant 0 : i32
    return %arg0, %c0_i32 : i32, i32
  }
  func.func @transform_39(%arg0: i32) -> (i32, i32) {
    %c0_i32 = arith.constant 0 : i32
    %c0_i32_0 = arith.constant 0 : i32
    return %arg0, %c0_i32 : i32, i32
  }
}

module attributes {stable_mosaic.version = 14 : i64} {
  func.func @_p3_body(%arg0: i32, %arg1: memref<3200x128xf32, #tpu.memory_space<vmem>>, %arg2: memref<3200x128xf32, #tpu.memory_space<vmem>>, %arg3: memref<3200x48xf32, #tpu.memory_space<vmem>>, %arg4: memref<128x128xbf16, #tpu.memory_space<vmem>>, %arg5: memref<128x128xbf16, #tpu.memory_space<vmem>>, %arg6: memref<16x128xf32, #tpu.memory_space<vmem>>, %arg7: memref<128x128xbf16, #tpu.memory_space<vmem>>, %arg8: memref<128x128xbf16, #tpu.memory_space<vmem>>, %arg9: memref<128x128xbf16, #tpu.memory_space<vmem>>, %arg10: memref<128x128xbf16, #tpu.memory_space<vmem>>, %arg11: memref<128x128xbf16, #tpu.memory_space<vmem>>, %arg12: memref<1x128xf32, #tpu.memory_space<vmem>>, %arg13: memref<1x1xf32, #tpu.memory_space<vmem>>) attributes {dimension_semantics = [#tpu.dimension_semantics<arbitrary>], iteration_bounds = array<i64: 50>, scalar_prefetch = 0 : i64, scratch_operands = 0 : i64, tpu.core_type = #tpu.core_type<tc>, window_params = [{transform_indices = @transform_0, window_bounds = array<i64: 3200, 128>}, {transform_indices = @transform_1, window_bounds = array<i64: 3200, 128>}, {transform_indices = @transform_2, window_bounds = array<i64: 3200, 48>}, {pipeline_mode = #tpu.pipeline_mode<synchronous>, transform_indices = @transform_3, window_bounds = array<i64: 128, 128>}, {pipeline_mode = #tpu.pipeline_mode<synchronous>, transform_indices = @transform_4, window_bounds = array<i64: 128, 128>}, {pipeline_mode = #tpu.pipeline_mode<synchronous>, transform_indices = @transform_5, window_bounds = array<i64: 16, 128>}, {pipeline_mode = #tpu.pipeline_mode<synchronous>, transform_indices = @transform_6, window_bounds = array<i64: 128, 128>}, {pipeline_mode = #tpu.pipeline_mode<synchronous>, transform_indices = @transform_7, window_bounds = array<i64: 128, 128>}, {pipeline_mode = #tpu.pipeline_mode<synchronous>, transform_indices = @transform_8, window_bounds = array<i64: 128, 128>}, {pipeline_mode = #tpu.pipeline_mode<synchronous>, transform_indices = @transform_9, window_bounds = array<i64: 128, 128>}, {pipeline_mode = #tpu.pipeline_mode<synchronous>, transform_indices = @transform_10, window_bounds = array<i64: 128, 128>}, {pipeline_mode = #tpu.pipeline_mode<synchronous>, transform_indices = @transform_11, window_bounds = array<i64: 1, 128>}, {pipeline_mode = #tpu.pipeline_mode<synchronous>, transform_indices = @transform_12, window_bounds = array<i64: 1, 1>}]} {
    %get3A = arith.constant 0 : index
    %get3A_0 = arith.constant 0 : index
    %get3A_1 = vector.load %arg3[%get3A, %get3A_0] : memref<3200x48xf32, #tpu.memory_space<vmem>>, vector<3200x48xf32>
    %slice3A = vector.extract_strided_slice %get3A_1 {offsets = [0, 32], sizes = [3200, 16], strides = [1, 1]} : vector<3200x48xf32> to vector<3200x16xf32>
    %get3A_2 = arith.constant 0 : index
    %get3A_3 = arith.constant 0 : index
    %get3A_4 = vector.load %arg2[%get3A_2, %get3A_3] : memref<3200x128xf32, #tpu.memory_space<vmem>>, vector<3200x128xf32>
    %get3A_5 = arith.constant 0 : index
    %get3A_6 = arith.constant 0 : index
    %get3A_7 = vector.load %arg1[%get3A_5, %get3A_6] : memref<3200x128xf32, #tpu.memory_space<vmem>>, vector<3200x128xf32>
    %add3A = arith.addf %get3A_4, %get3A_7 : vector<3200x128xf32>
    %mul3A = arith.constant -1.44269502 : f32
    %mul3A_8 = vector.broadcast %mul3A : f32 to vector<3200x128xf32>
    %mul3A_9 = arith.mulf %add3A, %mul3A_8 : vector<3200x128xf32>
    %exp23A = math.exp2 %mul3A_9 : vector<3200x128xf32>
    %add3A_10 = arith.constant 1.000000e+00 : f32
    %add3A_11 = vector.broadcast %add3A_10 : f32 to vector<3200x128xf32>
    %add3A_12 = arith.addf %add3A_11, %exp23A : vector<3200x128xf32>
    %div3A = arith.divf %add3A, %add3A_12 : vector<3200x128xf32>
    %get3A_13 = arith.constant 0 : index
    %get3A_14 = arith.constant 0 : index
    %get3A_15 = vector.load %arg4[%get3A_13, %get3A_14] : memref<128x128xbf16, #tpu.memory_space<vmem>>, vector<128x128xbf16>
    %get3A_16 = arith.constant 0 : index
    %get3A_17 = arith.constant 0 : index
    %get3A_18 = vector.load %arg5[%get3A_16, %get3A_17] : memref<128x128xbf16, #tpu.memory_space<vmem>>, vector<128x128xbf16>
    %convert_element_type3A = arith.truncf %div3A : vector<3200x128xf32> to vector<3200x128xbf16>
    %dot_general3A = arith.constant dense<0.000000e+00> : vector<3200x128xf32>
    %dot_general3A_19 = tpu.matmul %convert_element_type3A, %get3A_15, %dot_general3A {dimension_numbers = #tpu.dot_dimension_numbers<[1], [0], [0], [1], [0, 0, 1, 1], [], []>, transpose_lhs_hint = false} : vector<3200x128xbf16>, vector<128x128xbf16>, vector<3200x128xf32> -> vector<3200x128xf32>
    %mul3A_20 = arith.constant -1.44269502 : f32
    %mul3A_21 = vector.broadcast %mul3A_20 : f32 to vector<3200x128xf32>
    %mul3A_22 = arith.mulf %dot_general3A_19, %mul3A_21 : vector<3200x128xf32>
    %exp23A_23 = math.exp2 %mul3A_22 : vector<3200x128xf32>
    %add3A_24 = arith.constant 1.000000e+00 : f32
    %add3A_25 = vector.broadcast %add3A_24 : f32 to vector<3200x128xf32>
    %add3A_26 = arith.addf %add3A_25, %exp23A_23 : vector<3200x128xf32>
    %div3A_27 = arith.divf %dot_general3A_19, %add3A_26 : vector<3200x128xf32>
    %convert_element_type3A_28 = arith.truncf %div3A_27 : vector<3200x128xf32> to vector<3200x128xbf16>
    %dot_general3A_29 = arith.constant dense<0.000000e+00> : vector<3200x128xf32>
    %dot_general3A_30 = tpu.matmul %convert_element_type3A_28, %get3A_18, %dot_general3A_29 {dimension_numbers = #tpu.dot_dimension_numbers<[1], [0], [0], [1], [0, 0, 1, 1], [], []>, transpose_lhs_hint = false} : vector<3200x128xbf16>, vector<128x128xbf16>, vector<3200x128xf32> -> vector<3200x128xf32>
    %mul3A_31 = arith.constant -1.44269502 : f32
    %mul3A_32 = vector.broadcast %mul3A_31 : f32 to vector<3200x128xf32>
    %mul3A_33 = arith.mulf %dot_general3A_30, %mul3A_32 : vector<3200x128xf32>
    %exp23A_34 = math.exp2 %mul3A_33 : vector<3200x128xf32>
    %add3A_35 = arith.constant 1.000000e+00 : f32
    %add3A_36 = vector.broadcast %add3A_35 : f32 to vector<3200x128xf32>
    %add3A_37 = arith.addf %add3A_36, %exp23A_34 : vector<3200x128xf32>
    %div3A_38 = arith.divf %dot_general3A_30, %add3A_37 : vector<3200x128xf32>
    %add3A_39 = arith.addf %div3A, %div3A_38 : vector<3200x128xf32>
    %mul3A_40 = arith.constant 0.707106769 : f32
    %mul3A_41 = vector.broadcast %mul3A_40 : f32 to vector<3200x128xf32>
    %mul3A_42 = arith.mulf %add3A_39, %mul3A_41 : vector<3200x128xf32>
    %get3A_43 = arith.constant 0 : index
    %get3A_44 = arith.constant 0 : index
    %get3A_45 = vector.load %arg6[%get3A_43, %get3A_44] : memref<16x128xf32, #tpu.memory_space<vmem>>, vector<16x128xf32>
    %get3A_46 = arith.constant 0 : index
    %get3A_47 = arith.constant 0 : index
    %get3A_48 = vector.load %arg7[%get3A_46, %get3A_47] : memref<128x128xbf16, #tpu.memory_space<vmem>>, vector<128x128xbf16>
    %get3A_49 = arith.constant 0 : index
    %get3A_50 = arith.constant 0 : index
    %get3A_51 = vector.load %arg8[%get3A_49, %get3A_50] : memref<128x128xbf16, #tpu.memory_space<vmem>>, vector<128x128xbf16>
    %get3A_52 = arith.constant 0 : index
    %get3A_53 = arith.constant 0 : index
    %get3A_54 = vector.load %arg9[%get3A_52, %get3A_53] : memref<128x128xbf16, #tpu.memory_space<vmem>>, vector<128x128xbf16>
    %get3A_55 = arith.constant 0 : index
    %get3A_56 = arith.constant 0 : index
    %get3A_57 = vector.load %arg10[%get3A_55, %get3A_56] : memref<128x128xbf16, #tpu.memory_space<vmem>>, vector<128x128xbf16>
    %get3A_58 = arith.constant 0 : index
    %get3A_59 = arith.constant 0 : index
    %get3A_60 = vector.load %arg11[%get3A_58, %get3A_59] : memref<128x128xbf16, #tpu.memory_space<vmem>>, vector<128x128xbf16>
    %get3A_61 = arith.constant 0 : index
    %get3A_62 = arith.constant 0 : index
    %get3A_63 = vector.load %arg12[%get3A_61, %get3A_62] : memref<1x128xf32, #tpu.memory_space<vmem>>, vector<1x128xf32>
    %dot_general3A_64 = arith.constant dense<0.000000e+00> : vector<3200x128xf32>
    %dot_general3A_65 = tpu.matmul %slice3A, %get3A_45, %dot_general3A_64 {dimension_numbers = #tpu.dot_dimension_numbers<[1], [0], [0], [1], [0, 0, 1, 1], [], []>, transpose_lhs_hint = false} : vector<3200x16xf32>, vector<16x128xf32>, vector<3200x128xf32> -> vector<3200x128xf32>
    %mul3A_66 = arith.mulf %mul3A_42, %dot_general3A_65 : vector<3200x128xf32>
    %reshape3A = vector.shape_cast %mul3A_66 : vector<3200x128xf32> to vector<200x16x128xf32>
    %reduce_sum3A = arith.constant dense<0.000000e+00> : vector<200x128xf32>
    %reduce_sum3A_67 = vector.multi_reduction <add>, %reshape3A, %reduce_sum3A [1] : vector<200x16x128xf32> to vector<200x128xf32>
    %convert_element_type3A_68 = arith.truncf %reduce_sum3A_67 : vector<200x128xf32> to vector<200x128xbf16>
    %dot_general3A_69 = arith.constant dense<0.000000e+00> : vector<200x128xf32>
    %dot_general3A_70 = tpu.matmul %convert_element_type3A_68, %get3A_48, %dot_general3A_69 {dimension_numbers = #tpu.dot_dimension_numbers<[1], [0], [0], [1], [0, 0, 1, 1], [], []>, transpose_lhs_hint = false} : vector<200x128xbf16>, vector<128x128xbf16>, vector<200x128xf32> -> vector<200x128xf32>
    %mul3A_71 = arith.constant -1.44269502 : f32
    %mul3A_72 = vector.broadcast %mul3A_71 : f32 to vector<200x128xf32>
    %mul3A_73 = arith.mulf %dot_general3A_70, %mul3A_72 : vector<200x128xf32>
    %exp23A_74 = math.exp2 %mul3A_73 : vector<200x128xf32>
    %add3A_75 = arith.constant 1.000000e+00 : f32
    %add3A_76 = vector.broadcast %add3A_75 : f32 to vector<200x128xf32>
    %add3A_77 = arith.addf %add3A_76, %exp23A_74 : vector<200x128xf32>
    %div3A_78 = arith.divf %dot_general3A_70, %add3A_77 : vector<200x128xf32>
    %convert_element_type3A_79 = arith.truncf %div3A_78 : vector<200x128xf32> to vector<200x128xbf16>
    %dot_general3A_80 = arith.constant dense<0.000000e+00> : vector<200x128xf32>
    %dot_general3A_81 = tpu.matmul %convert_element_type3A_79, %get3A_51, %dot_general3A_80 {dimension_numbers = #tpu.dot_dimension_numbers<[1], [0], [0], [1], [0, 0, 1, 1], [], []>, transpose_lhs_hint = false} : vector<200x128xbf16>, vector<128x128xbf16>, vector<200x128xf32> -> vector<200x128xf32>
    %mul3A_82 = arith.constant -1.44269502 : f32
    %mul3A_83 = vector.broadcast %mul3A_82 : f32 to vector<200x128xf32>
    %mul3A_84 = arith.mulf %dot_general3A_81, %mul3A_83 : vector<200x128xf32>
    %exp23A_85 = math.exp2 %mul3A_84 : vector<200x128xf32>
    %add3A_86 = arith.constant 1.000000e+00 : f32
    %add3A_87 = vector.broadcast %add3A_86 : f32 to vector<200x128xf32>
    %add3A_88 = arith.addf %add3A_87, %exp23A_85 : vector<200x128xf32>
    %div3A_89 = arith.divf %dot_general3A_81, %add3A_88 : vector<200x128xf32>
    %convert_element_type3A_90 = arith.truncf %div3A_89 : vector<200x128xf32> to vector<200x128xbf16>
    %dot_general3A_91 = arith.constant dense<0.000000e+00> : vector<200x128xf32>
    %dot_general3A_92 = tpu.matmul %convert_element_type3A_90, %get3A_54, %dot_general3A_91 {dimension_numbers = #tpu.dot_dimension_numbers<[1], [0], [0], [1], [0, 0, 1, 1], [], []>, transpose_lhs_hint = false} : vector<200x128xbf16>, vector<128x128xbf16>, vector<200x128xf32> -> vector<200x128xf32>
    %mul3A_93 = arith.constant -1.44269502 : f32
    %mul3A_94 = vector.broadcast %mul3A_93 : f32 to vector<200x128xf32>
    %mul3A_95 = arith.mulf %dot_general3A_92, %mul3A_94 : vector<200x128xf32>
    %exp23A_96 = math.exp2 %mul3A_95 : vector<200x128xf32>
    %add3A_97 = arith.constant 1.000000e+00 : f32
    %add3A_98 = vector.broadcast %add3A_97 : f32 to vector<200x128xf32>
    %add3A_99 = arith.addf %add3A_98, %exp23A_96 : vector<200x128xf32>
    %div3A_100 = arith.divf %dot_general3A_92, %add3A_99 : vector<200x128xf32>
    %add3A_101 = arith.addf %div3A_78, %div3A_100 : vector<200x128xf32>
    %mul3A_102 = arith.constant 0.707106769 : f32
    %mul3A_103 = vector.broadcast %mul3A_102 : f32 to vector<200x128xf32>
    %mul3A_104 = arith.mulf %add3A_101, %mul3A_103 : vector<200x128xf32>
    %convert_element_type3A_105 = arith.truncf %mul3A_104 : vector<200x128xf32> to vector<200x128xbf16>
    %dot_general3A_106 = arith.constant dense<0.000000e+00> : vector<200x128xf32>
    %dot_general3A_107 = tpu.matmul %convert_element_type3A_105, %get3A_57, %dot_general3A_106 {dimension_numbers = #tpu.dot_dimension_numbers<[1], [0], [0], [1], [0, 0, 1, 1], [], []>, transpose_lhs_hint = false} : vector<200x128xbf16>, vector<128x128xbf16>, vector<200x128xf32> -> vector<200x128xf32>
    %mul3A_108 = arith.constant -1.44269502 : f32
    %mul3A_109 = vector.broadcast %mul3A_108 : f32 to vector<200x128xf32>
    %mul3A_110 = arith.mulf %dot_general3A_107, %mul3A_109 : vector<200x128xf32>
    %exp23A_111 = math.exp2 %mul3A_110 : vector<200x128xf32>
    %add3A_112 = arith.constant 1.000000e+00 : f32
    %add3A_113 = vector.broadcast %add3A_112 : f32 to vector<200x128xf32>
    %add3A_114 = arith.addf %add3A_113, %exp23A_111 : vector<200x128xf32>
    %div3A_115 = arith.divf %dot_general3A_107, %add3A_114 : vector<200x128xf32>
    %convert_element_type3A_116 = arith.truncf %div3A_115 : vector<200x128xf32> to vector<200x128xbf16>
    %dot_general3A_117 = arith.constant dense<0.000000e+00> : vector<200x128xf32>
    %dot_general3A_118 = tpu.matmul %convert_element_type3A_116, %get3A_60, %dot_general3A_117 {dimension_numbers = #tpu.dot_dimension_numbers<[1], [0], [0], [1], [0, 0, 1, 1], [], []>, transpose_lhs_hint = false} : vector<200x128xbf16>, vector<128x128xbf16>, vector<200x128xf32> -> vector<200x128xf32>
    %mul3A_119 = arith.constant -1.44269502 : f32
    %mul3A_120 = vector.broadcast %mul3A_119 : f32 to vector<200x128xf32>
    %mul3A_121 = arith.mulf %dot_general3A_118, %mul3A_120 : vector<200x128xf32>
    %exp23A_122 = math.exp2 %mul3A_121 : vector<200x128xf32>
    %add3A_123 = arith.constant 1.000000e+00 : f32
    %add3A_124 = vector.broadcast %add3A_123 : f32 to vector<200x128xf32>
    %add3A_125 = arith.addf %add3A_124, %exp23A_122 : vector<200x128xf32>
    %div3A_126 = arith.divf %dot_general3A_118, %add3A_125 : vector<200x128xf32>
    %add3A_127 = arith.addf %mul3A_104, %div3A_126 : vector<200x128xf32>
    %mul3A_128 = arith.constant 0.707106769 : f32
    %mul3A_129 = vector.broadcast %mul3A_128 : f32 to vector<200x128xf32>
    %mul3A_130 = arith.mulf %add3A_127, %mul3A_129 : vector<200x128xf32>
    %mul3A_131 = vector.broadcast %get3A_63 : vector<1x128xf32> to vector<200x128xf32>
    %mul3A_132 = arith.mulf %mul3A_130, %mul3A_131 : vector<200x128xf32>
    %reduce_sum3A_133 = vector.shape_cast %mul3A_132 : vector<200x128xf32> to vector<1x200x128xf32>
    %reduce_sum3A_134 = arith.constant dense<0.000000e+00> : vector<1xf32>
    %reduce_sum3A_135 = vector.multi_reduction <add>, %reduce_sum3A_133, %reduce_sum3A_134 [1, 2] : vector<1x200x128xf32> to vector<1xf32>
    %reduce_sum3A_136 = vector.shape_cast %reduce_sum3A_135 : vector<1xf32> to vector<1x1x1xf32>
    %reduce_sum3A_137 = vector.extract %reduce_sum3A_136[0, 0, 0] : f32 from vector<1x1x1xf32>
    %eq3A = arith.constant 0 : i32
    %eq3A_138 = arith.cmpi eq, %arg0, %eq3A : i32
    %convert_element_type3A_139 = arith.extui %eq3A_138 : i1 to i32
    %cond3A = arith.constant 0 : i32
    %cond3A_140 = arith.cmpi ne, %convert_element_type3A_139, %cond3A : i32
    scf.if %cond3A_140 {
      %broadcast_in_dim3A_150 = arith.constant 0.000000e+00 : f32
      %broadcast_in_dim3A_151 = vector.broadcast %broadcast_in_dim3A_150 : f32 to vector<1x1xf32>
      %swap3A_152 = arith.constant 0 : index
      %swap3A_153 = arith.constant 0 : index
      %swap3A_154 = vector.load %arg13[%swap3A_152, %swap3A_153] : memref<1x1xf32, #tpu.memory_space<vmem>>, vector<1x1xf32>
      tpu.vector_store %arg13[%swap3A_152, %swap3A_153], %broadcast_in_dim3A_151 {strides = array<i32>} : memref<1x1xf32, #tpu.memory_space<vmem>>, vector<1x1xf32>,
    } else {
    }
    %get3A_141 = arith.constant 0 : index
    %get3A_142 = arith.constant 0 : index
    %get3A_143 = vector.load %arg13[%get3A_141, %get3A_142] : memref<1x1xf32, #tpu.memory_space<vmem>>, vector<1x1xf32>
    %broadcast_in_dim3A = arith.constant 0.000000e+00 : f32
    %broadcast_in_dim3A_144 = vector.broadcast %broadcast_in_dim3A : f32 to vector<1x1xf32>
    %add3A_145 = arith.addf %get3A_143, %broadcast_in_dim3A_144 : vector<1x1xf32>
    %add3A_146 = vector.broadcast %reduce_sum3A_137 : f32 to vector<1x1xf32>
    %add3A_147 = arith.addf %add3A_145, %add3A_146 : vector<1x1xf32>
    %swap3A = arith.constant 0 : index
    %swap3A_148 = arith.constant 0 : index
    %swap3A_149 = vector.load %arg13[%swap3A, %swap3A_148] : memref<1x1xf32, #tpu.memory_space<vmem>>, vector<1x1xf32>
    tpu.vector_store %arg13[%swap3A, %swap3A_148], %add3A_147 {strides = array<i32>} : memref<1x1xf32, #tpu.memory_space<vmem>>, vector<1x1xf32>,
    return
  }
  func.func @transform_0(%arg0: i32) -> (i32, i32) {
    %c0_i32 = arith.constant 0 : i32
    %c0_i32_0 = arith.constant 0 : i32
    return %arg0, %c0_i32 : i32, i32
  }
  func.func @transform_1(%arg0: i32) -> (i32, i32) {
    %c0_i32 = arith.constant 0 : i32
    %c0_i32_0 = arith.constant 0 : i32
    return %arg0, %c0_i32 : i32, i32
  }
  func.func @transform_2(%arg0: i32) -> (i32, i32) {
    %c0_i32 = arith.constant 0 : i32
    %c0_i32_0 = arith.constant 0 : i32
    return %arg0, %c0_i32 : i32, i32
  }
  func.func @transform_3(%arg0: i32) -> (i32, i32) {
    %c0_i32 = arith.constant 0 : i32
    %c0_i32_0 = arith.constant 0 : i32
    %c0_i32_1 = arith.constant 0 : i32
    return %c0_i32, %c0_i32_0 : i32, i32
  }
  func.func @transform_4(%arg0: i32) -> (i32, i32) {
    %c0_i32 = arith.constant 0 : i32
    %c0_i32_0 = arith.constant 0 : i32
    %c0_i32_1 = arith.constant 0 : i32
    return %c0_i32, %c0_i32_0 : i32, i32
  }
  func.func @transform_5(%arg0: i32) -> (i32, i32) {
    %c0_i32 = arith.constant 0 : i32
    %c0_i32_0 = arith.constant 0 : i32
    %c0_i32_1 = arith.constant 0 : i32
    return %c0_i32, %c0_i32_0 : i32, i32
  }
  func.func @transform_6(%arg0: i32) -> (i32, i32) {
    %c0_i32 = arith.constant 0 : i32
    %c0_i32_0 = arith.constant 0 : i32
    %c0_i32_1 = arith.constant 0 : i32
    return %c0_i32, %c0_i32_0 : i32, i32
  }
  func.func @transform_7(%arg0: i32) -> (i32, i32) {
    %c0_i32 = arith.constant 0 : i32
    %c0_i32_0 = arith.constant 0 : i32
    %c0_i32_1 = arith.constant 0 : i32
    return %c0_i32, %c0_i32_0 : i32, i32
  }
  func.func @transform_8(%arg0: i32) -> (i32, i32) {
    %c0_i32 = arith.constant 0 : i32
    %c0_i32_0 = arith.constant 0 : i32
    %c0_i32_1 = arith.constant 0 : i32
    return %c0_i32, %c0_i32_0 : i32, i32
  }
  func.func @transform_9(%arg0: i32) -> (i32, i32) {
    %c0_i32 = arith.constant 0 : i32
    %c0_i32_0 = arith.constant 0 : i32
    %c0_i32_1 = arith.constant 0 : i32
    return %c0_i32, %c0_i32_0 : i32, i32
  }
  func.func @transform_10(%arg0: i32) -> (i32, i32) {
    %c0_i32 = arith.constant 0 : i32
    %c0_i32_0 = arith.constant 0 : i32
    %c0_i32_1 = arith.constant 0 : i32
    return %c0_i32, %c0_i32_0 : i32, i32
  }
  func.func @transform_11(%arg0: i32) -> (i32, i32) {
    %c0_i32 = arith.constant 0 : i32
    %c0_i32_0 = arith.constant 0 : i32
    %c0_i32_1 = arith.constant 0 : i32
    return %c0_i32, %c0_i32_0 : i32, i32
  }
  func.func @transform_12(%arg0: i32) -> (i32, i32) {
    %c0_i32 = arith.constant 0 : i32
    %c0_i32_0 = arith.constant 0 : i32
    %c0_i32_1 = arith.constant 0 : i32
    return %c0_i32, %c0_i32_0 : i32, i32
  }
}

</mosaic_0001>

<sc_bundles>
// kernel: kernel.12.cloned.1.call-start
scs
__scs_entry_jumppad:
0x0: {  	(pc) =	sbr.rel $0x88, $3  }
0x1: {  	(tag) =	ssettag $0x0;
	lr =	simm.s32 $0x1  }
0x2: {  	[smem:$0x3F5D] =	sst lr;
	_ =	strace $0xD0000000  }
0x3: {  	_ = 	snop  }
0x4: {  	_ = 	snop  }
0x5: {  	_ = 	snop  }
0x6: {  	_ = 	snop  }
0x7: {  	_ = 	snop  }
__scs_overlays_trampoline_lowered:
0x8: {  	[smem:$0x3F6C] =	sst s0  }
0x9: {  	[smem:$0x3F6D] =	sst s1  }
0xa: {  	[smem:$0x3F6E] =	sst s2  }
0xb: {  	[smem:$0x3F6F] =	sst s3  }
0xc: {  	[smem:$0x3F70] =	sst s4  }
0xd: {  	[smem:$0x3F71] =	sst s5  }
0xe: {  	[smem:$0x3F72] =	sst s6  }
0xf: {  	[smem:$0x3F73] =	sst s7  }
0x10: {  	[smem:$0x3F74] =	sst s8  }
0x11: {  	[smem:$0x3F75] =	sst s9;
	s0 =	simm.s32 @!p0 $0x0  }
0x12: {  	s1 =	sld [smem:$0x3F5B];
	s0 =	simm.s32 @p0 $0x1  }
0x13: {  	[smem:$0x3F76] =	sst s0;
	s0 =	simm.s32 @!p1 $0x0  }
0x14: {  	s2 =	sld [smem:$0x3F5A];
	s0 =	simm.s32 @p1 $0x1  }
0x15: {  	[smem:$0x3F77] =	sst s0;
	s0 =	simm.s32 @!p2 $0x0  }
0x16: {  	s3 =	sld [smem:$0x3FDB];
	s0 =	simm.s32 @p2 $0x1  }
0x17: {  	s4 =	simm.s32 $0x1BF5;
	[smem:$0x3F79] =	sst s0  }
0x18: {  	s0 =	sld [smem:$0x3F5C];
	_ =	swait.ge [sflag:s4], $0x0  }
0x19: {  	s7 =	sld [smem:$0x3F5D]  }
0x1a: {  	s8 =	sadd.s32 $0xFFFFE003, lr  }
0x1b: {  	s9 =	sadd.s32 $0xFFFFFEF7, lr;
	s5 =	simm.s32 $0xFFFFFFFF;
	p2 =	slt.u32 s8, $0xFFFFF086  }
0x1c: {  	p1 =	slt.u32 s9, $0xF7A;
	s5 =	simm.s32 @!p2 $0x0  }
0x1d: {  	s5 =	simm.s32 @p1 $0x1;
	p0 =	seq.s32 s7, s2  }
0x1e: {  	s7 =	smul.u32 @!p0 $0xF7A, s2;
	p2 =	seq.s32 @!p0 s5, $0x0  }
0x1f: {  	s9 =	smul.u32 $0xF7A, s1;
	s8 =	simm.s32 @!p0 $0x1BF5;
	p2 =	por !p2, p0  }
0x20: {  	[sflag:s8] =	ssyncset.s32 @!p0 $0xFFFFF086;
	s6 =	sadd.s32 @!p0 s3, s7;
	s7 =	simm.s32 @!p0 $0x108  }
0x21: {  	s3 =	sadd.s32 s3, s9;
	s6 =	sadd.s32 @!p0 $0x88, s6;
	s7 =	simm.s32 @p2 $0x1082  }
0x22: {  	[simem:s7], [sflag:s8] =	dma.local @!p0 [hbm:s6], $0xF7A  }
0x23: {  	s9 =	sor.u32 $0xD0000000, s2;
	s6 =	simm.s32 $0x108;
	_ =	swait.ge @!p0 [sflag:s8], $0x0  }
0x24: {  	s3 =	sadd.s32 $0x88, s3;
	s6 =	simm.s32 @!p1 $0x1082;
	[sflag:s4] =	ssyncset.s32 $0xFFFFF086  }
0x25: {  	[simem:s6], [sflag:s4] =	dma.local [hbm:s3], $0xF7A  }
0x26: {  	[smem:$0x3F5D] =	sst s1;
	(tag) =	ssettag s2;
	_ =	strace s9  }
0x27: {  	s1 =	sld [smem:$0x3F6D]  }
0x28: {  	s2 =	sld [smem:$0x3F6E]  }
0x29: {  	s4 =	sld [smem:$0x3F70]  }
0x2a: {  	p0 =	seq.s32 s5, $0x0;
	s5 =	sld [smem:$0x3F71]  }
0x2b: {  	s6 =	sld [smem:$0x3F72]  }
0x2c: {  	s7 =	sld [smem:$0x3F73]  }
0x2d: {  	s3 =	simm.s32 $0x108;
	s8 =	sld [smem:$0x3F74]  }
0x2e: {  	s3 =	simm.s32 @!p0 $0x1082;
	s9 =	sld [smem:$0x3F75]  }
0x2f: {  	lr =	sadd.s32 s0, s3;
	s0 =	sld [smem:$0x3F6C]  }
0x30: {  	s3 =	sld [smem:$0x3F6F]  }
0x31: {  	[smem:$0x3F78] =	sst s10  }
0x32: {  	s10 =	sld [smem:$0x3F76];
	_ =	sdelay $0x3  }
0x33: {  	p0 =	seq.s32 s10, $0x1;
	s10 =	sld [smem:$0x3F78];
	_ =	sdelay $0x3  }
0x34: {  	[smem:$0x3F78] =	sst s10  }
0x35: {  	s10 =	sld [smem:$0x3F77];
	_ =	sdelay $0x3  }
0x36: {  	p1 =	seq.s32 s10, $0x1;
	s10 =	sld [smem:$0x3F78];
	_ =	sdelay $0x3  }
0x37: {  	[smem:$0x3F78] =	sst s10  }
0x38: {  	s10 =	sld [smem:$0x3F79]  }
0x39: {  	_ = 	snop;
	(pc) =	sbr.ind lr, $3  }
0x3a: {  	_ = 	snop  }
0x3b: {  	_ = 	snop  }
0x3c: {  	p2 =	seq.s32 s10, $0x1;
	s10 =	sld [smem:$0x3F78]  }
0x3d: {  	_ =	shalt  }
0x3e: {  	_ =	shalt  }
0x3f: {  	_ =	shalt  }
0x40: {  	_ =	shalt  }
0x41: {  	_ =	shalt  }
0x42: {  	_ =	shalt  }
0x43: {  	_ =	shalt  }
0x44: {  	_ =	shalt  }
0x45: {  	_ =	shalt  }
0x46: {  	_ =	shalt  }
0x47: {  	_ =	shalt  }
0x48: {  	_ =	shalt  }
0x49: {  	_ =	shalt  }
0x4a: {  	_ =	shalt  }
0x4b: {  	_ =	shalt  }
0x4c: {  	_ =	shalt  }
0x4d: {  	_ =	shalt  }
0x4e: {  	_ =	shalt  }
0x4f: {  	_ =	shalt  }
0x50: {  	_ =	shalt  }
0x51: {  	_ =	shalt  }
0x52: {  	_ =	shalt  }
0x53: {  	_ =	shalt  }
0x54: {  	_ =	shalt  }
0x55: {  	_ =	shalt  }
0x56: {  	_ =	shalt  }
0x57: {  	_ =	shalt  }
0x58: {  	_ =	shalt  }
0x59: {  	_ =	shalt  }
0x5a: {  	_ =	shalt  }
0x5b: {  	_ =	shalt  }
0x5c: {  	_ =	shalt  }
0x5d: {  	_ =	shalt  }
0x5e: {  	_ =	shalt  }
0x5f: {  	_ =	shalt  }
0x60: {  	_ =	shalt  }
0x61: {  	_ =	shalt  }
0x62: {  	_ =	shalt  }
0x63: {  	_ =	shalt  }
0x64: {  	_ =	shalt  }
0x65: {  	_ =	shalt  }
0x66: {  	_ =	shalt  }
0x67: {  	_ =	shalt  }
0x68: {  	_ =	shalt  }
0x69: {  	_ =	shalt  }
0x6a: {  	_ =	shalt  }
0x6b: {  	_ =	shalt  }
0x6c: {  	_ =	shalt  }
0x6d: {  	_ =	shalt  }
0x6e: {  	_ =	shalt  }
0x6f: {  	_ =	shalt  }
0x70: {  	_ =	shalt  }
0x71: {  	_ =	shalt  }
0x72: {  	_ =	shalt  }
0x73: {  	_ =	shalt  }
0x74: {  	_ =	shalt  }
0x75: {  	_ =	shalt  }
0x76: {  	_ =	shalt  }
0x77: {  	_ =	shalt  }
0x78: {  	_ =	shalt  }
0x79: {  	_ =	shalt  }
0x7a: {  	_ =	shalt  }
0x7b: {  	_ =	shalt  }
0x7c: {  	_ =	shalt  }
0x7d: {  	_ =	shalt  }
0x7e: {  	_ =	shalt  }
0x7f: {  	_ =	shalt  }
0x80: {  	_ =	shalt  }
0x81: {  	_ =	shalt  }
0x82: {  	_ =	shalt  }
0x83: {  	_ =	shalt  }
0x84: {  	_ =	shalt  }
0x85: {  	_ =	shalt  }
0x86: {  	_ =	shalt  }
0x87: {  	_ =	shalt  }
.Lfunc_end0:
.L_simem_size_0:
called_computation.1_lowered:
.L_overlay_start_0:
0x88: {  	s2 =	sld [smem:$0x3FD9]  }
0x89: {  	s3 =	sld [smem:$0x3FFE];
	_ =	sdelay $0x1  }
0x8a: {  	s1 =	srdreg.scid  }
0x8b: {  	s0 =	sand.u32 $0x1, s1  }
0x8c: {  	s16 =	sshll.u32 s0, $0xA;
	s2 =	sadd.s32 s3, s2  }
0x8d: {  	s2 =	sadd.s32 s2, s16  }
0x8e: {  	[smem:$0x3F84] =	sst s2  }
0x8f: {  	_ = 	snop  }
0x90: {  	(tm) =	ssettm $0x1  }
0x91: {  	s17 =	sld [smem:$0x3FFB];
	_ =	sdelay $0x3  }
0x92: {  	_ =	strace s17  }
0x93: {  	s2 =	sld [smem:$0x3FFC];
	_ =	sdelay $0x3  }
0x94: {  	_ =	strace s2  }
0x95: {  	s2 =	sld [smem:$0x3FFD];
	_ =	sdelay $0x3  }
0x96: {  	_ =	strace s2  }
0x97: {  	_ =	strace $0x8FFFFFFF  }
0x98: {  	s18 =	sld [smem:$0x3FDB];
	_ =	sdelay $0x1  }
0x99: {  	s19 =	simm.s32 $_scs_section_size  }
0x9a: {  	s4 =	simm.s32 $_size__tile_overlayer_lowered;
	s5 =	simm.s32 $_tile_overlayer_lowered  }
0x9b: {  	s22 =	simm.s32 $0x1BFF;
	s21 =	sshll.u32 s5, $0x1;
	s2 =	sadd.s32 s19, s18  }
0x9c: {  	s6 =	simm.s32 $0x0;
	s20 =	sshll.u32 s4, $0x1;
	s4 =	sadd.s32 s21, s2  }
0x9d: {  	[timem:s6], [sflag:s22] =	dma.local [hbm:s4], s20  }
0x9e: {  	_ =	swait.ge [sflag:s22], s20  }
0x9f: {  	s3 =	ssub.s32 $0x0, s20;
	[sflag:s22] =	ssyncset.done $0x0  }
0xa0: {  	[sflag:s22] =	ssyncadd.s32 s3;
	_ =	sdelay $0x1  }
0xa1: {  	s23 =	simm.s32 $0x1B8B  }
0xa2: {  	_ =	swait.ge [sflag:s23], $0x1  }
0xa3: {  	[sflag:s23] =	ssyncset.done $0x0  }
0xa4: {  	s25 =	simm.s32 $0x1B8E;
	s24 =	sld [smem:$0x3FFE];
	[sflag:s23] =	ssyncadd.s32 $0xFFFFFFFF  }
0xa5: {  	s26 =	simm.s32 $execute0_lowered;
	[smem:$0x3FD2] =	sst s25  }
0xa6: {  	s4 =	sshll.u32 s26, $0x1;
	_ =	strace $0x80000049;
	[dreg:$0x1] =	wrdreg $0xFFFFFFFF  }
0xa7: {  	s28 =	simm.s32 $_size_execute0_lowered;
	s2 =	sadd.s32 s2, s4;
	[dreg:$0x0] =	wrdreg $0x0  }
0xa8: {  	s4 =	sshll.u32 s28, $0x1;
	[dreg:$0x2] =	wrdreg s2  }
0xa9: {  	[dreg:$0x3] =	wrdreg s4  }
0xaa: {  	[dreg:$0x4] =	wrdreg $0xC0  }
0xab: {  	_ =	task [dreg:s6], $0x5FFFF  }
0xac: {  	[dreg:$0x1] =	wrdreg $0xFFFFFFFF  }
0xad: {  	[dreg:$0x0] =	wrdreg $0x60  }
0xae: {  	[dreg:$0x2] =	wrdreg s24  }
0xaf: {  	[dreg:$0x3] =	wrdreg $0x9  }
0xb0: {  	_ =	task.clear_ibuf [dreg:s6], $0x4FFFF;
	_ =	strace $0x90000049  }
0xb1: {  	s29 =	simm.s32 $0x9;
	_ =	strace $0x8000004B  }
0xb2: {  	_ =	swait.ge [sflag:s29], $0x1  }
0xb3: {  	[sflag:s29] =	ssyncadd.s32 $0xFFFFFFFF  }
0xb4: {  	_ =	strace $0x9000004B  }
0xb5: {  	_ =	sfence  }
0xb6: {  	s30 =	sld [smem:$0x0];
	_ =	sdelay $0x2  }
0xb7: {  	s31 =	sshll.u32 s1, $0xD;
	s1 =	sshrl.u32 s1, $0x2  }
0xb8: {  	s3 =	sand.u32 $0x4000, s31;
	s1 =	sadd.s32 s1, s30  }
0xb9: {  	s0 =	sor.u32 s3, s0;
	s1 =	sshll.u32 s1, $0x11  }
0xba: {  	s0 =	sor.u32 s1, s0  }
0xbb: {  	s0 =	sadd.s32 $0x8F2B, s0  }
0xbc: {  	[sflag:s0] =	ssyncadd.remote.s32 $0x1  }
0xbd: {  	_ =	sfence.sel $0xFFFF  }
0xbe: {  	[dreg:$0x0] =	wrdreg $0xFFFFFFFF;
	(pc) =	sbr.abs _section_cstart, $3  }
0xbf: {  	[dreg:$0x1] =	wrdreg $0xFFFFFFFF  }
0xc0: {  	_ =	task.clear_ibuf [dreg:s6], $0x2FFFF;
	_ =	strace $0x9FFFFFFF  }
0xc1: {  	(tm) =	ssettm $0x7FFFFFFF  }
tec
execute0_lowered:
.L_overlay_start_1:
0x0: {  	(tag) =	ssettag $0x1  }
0x1: {  	s1 =	srdreg.scid  }
0x2: {  	s0 =	stileid.u32;
	s4 =	rddreg [dreg:$0x0]  }
0x3: {  	s2 =	simm.s32 $0x0;
	s10 =	simm.s32 $0x2800;
	s11 =	simm.s32 $0x3C00  }
0x4: {  	s12 =	simm.s32 $0x5000;
	s13 =	simm.s32 $0x6400;
	s14 =	simm.s32 $0x1  }
0x5: {  	s15 =	simm.s32 $0x0;
	s5 =	sand.u32 $0x1, s1;
	s1 =	rddreg [dreg:$0x1]  }
0x6: {  	s3 =	sshll.u32 s0, $0x1;
	[smem:$0x7FF] =	sst s2;
	s7 =	smul.u32 $0x27100, s0  }
0x7: {  	s3 =	sor.u32 s5, s3;
	s8 =	ssub.s32 $0x2, s5;
	s5 =	smul.u32 $0x13880, s5  }
0x8: {  	_ =	strace $0x8000004A;
	s6 =	smul.u32 $0x1388, s3;
	s9 =	sshrl.u32 s8, $0x1  }
0x9: {  	s3 =	sadd.s32 $0xA800, s4;
	s7 =	sadd.s32 s7, s4;
	s31 =	ssub.s32 s8, s9  }
0xa: {  	s7 =	sadd.s32 s5, s7;
	s8 =	simm.s32 $0x28;
	s6 =	sshrl.u32 s6, $0x3  }
0xb: {  	s9 =	simm.s32 $0x1400;
	s5 =	smax.u32 s31, $0x1;
	s4 =	sadd.s32 s6, s4  }
0xc: {  	s6 =	sadd.s32 $0xA70600, s7;
	s7 =	simm.s32 $0x2;
	s4 =	sadd.s32 $0x32200, s4  }
.LBB2_1:
0xd: {  	[tilespmem:s2], [sflag:$0x2] =	stream.linear.gather [hbm4b:s4+s2], $0x1388, $0x38;
	[tilespmem:$0x7800] =	vst v63  }
0xe: {  	_ =	swait.ge [sflag:s7], $0x1388  }
0xf: {  	[sflag:s7] =	ssyncset.done $0x0  }
0x10: {  	s16 =	simm.s32 $0x0;
	[sflag:s7] =	ssyncadd.s32 $0xFFFFEC78  }
0x11: {  	[tilespmem:s9], [sflag:$0x1] =	stream.indirect.gather [hbm4b:s3+s8], $0x80, s16, s8, $0xb8;
	[tilespmem:$0x7800] =	vst v63  }
0x12: {  	s28 =	simm.s32 $0x28  }
0x13: {  	[tilespmem:s10], [sflag:$0x1] =	stream.indirect.gather [hbm4b:s3+s8], $0x80, s28, s8, $0xb8;
	[tilespmem:$0x7800] =	vst v63  }
0x14: {  	s29 =	simm.s32 $0x50  }
0x15: {  	[tilespmem:s11], [sflag:$0x1] =	stream.indirect.gather [hbm4b:s3+s8], $0x80, s29, s8, $0xb8;
	[tilespmem:$0x7800] =	vst v63  }
0x16: {  	s30 =	simm.s32 $0x78  }
0x17: {  	[tilespmem:s12], [sflag:$0x1] =	stream.indirect.gather [hbm4b:s3+s8], $0x80, s30, s8, $0xb8;
	[tilespmem:$0x7800] =	vst v63  }
0x18: {  	s31 =	simm.s32 $0xA0  }
0x19: {  	[tilespmem:s13], [sflag:$0x1] =	stream.indirect.gather [hbm4b:s3+s8], $0x80, s31, s8, $0xb8;
	[tilespmem:$0x7800] =	vst v63  }
0x1a: {  	_ =	swait.ge [sflag:s14], $0x1400  }
0x1b: {  	[sflag:s14] =	ssyncset.done $0x0  }
0x1c: {  	[sflag:s14] =	ssyncadd.s32 $0xFFFFEC00  }
0x1d: {  	_ =	swait.ge [sflag:s14], $0x1400  }
0x1e: {  	[sflag:s14] =	ssyncset.done $0x0  }
0x1f: {  	[sflag:s14] =	ssyncadd.s32 $0xFFFFEC00  }
0x20: {  	_ =	swait.ge [sflag:s14], $0x1400  }
0x21: {  	[sflag:s14] =	ssyncset.done $0x0  }
0x22: {  	[sflag:s14] =	ssyncadd.s32 $0xFFFFEC00  }
0x23: {  	_ =	swait.ge [sflag:s14], $0x1400  }
0x24: {  	[sflag:s14] =	ssyncset.done $0x0  }
0x25: {  	[sflag:s14] =	ssyncadd.s32 $0xFFFFEC00  }
0x26: {  	_ =	swait.ge [sflag:s14], $0x1400  }
0x27: {  	[sflag:s14] =	ssyncset.done $0x0  }
0x28: {  	[sflag:s14] =	ssyncadd.s32 $0xFFFFEC00  }
0x29: {  	[hbm4b:s6+s2] =	stream.linear.scatter [tilespmem:s9], [sflag:$0x2], $0x6400, $0x38;
	[tilespmem:$0x7800] =	vst v63  }
0x2a: {  	s17 =	simm.s32 $0x320;
	_ =	swait.ge [sflag:s7], $0x6400  }
0x2b: {  	s18 =	simm.s32 $0x640;
	s16 =	sadd.s32 $0xC80, s6;
	[sflag:s7] =	ssyncset.done $0x0  }
.LBB2_2:
0x2c: {  	s19 =	sshra.s32 s17, $0x2  }
0x2d: {  	[sflag:s7] =	ssyncadd.s32 $0xFFFF9C00;
	s17 =	smov.u32 s18;
	s20 =	sadd.s32 $0x320, s18  }
0x2e: {  	[tilespmem:s9], [sflag:$0x1] =	stream.indirect.gather [hbm4b:s3+s8], $0x80, s19, s8, $0xb8;
	[tilespmem:$0x7800] =	vst v63  }
0x2f: {  	p0 =	sne.s32 s18, $0x4B00;
	s18 =	sadd.s32 $0x28, s19  }
0x30: {  	[tilespmem:s10], [sflag:$0x1] =	stream.indirect.gather [hbm4b:s3+s8], $0x80, s18, s8, $0xb8;
	[tilespmem:$0x7800] =	vst v63  }
0x31: {  	s18 =	sadd.s32 $0x50, s19  }
0x32: {  	[tilespmem:s11], [sflag:$0x1] =	stream.indirect.gather [hbm4b:s3+s8], $0x80, s18, s8, $0xb8;
	[tilespmem:$0x7800] =	vst v63  }
0x33: {  	s18 =	sadd.s32 $0x78, s19  }
0x34: {  	[tilespmem:s12], [sflag:$0x1] =	stream.indirect.gather [hbm4b:s3+s8], $0x80, s18, s8, $0xb8;
	[tilespmem:$0x7800] =	vst v63  }
0x35: {  	s18 =	sadd.s32 $0xA0, s19  }
0x36: {  	[tilespmem:s13], [sflag:$0x1] =	stream.indirect.gather [hbm4b:s3+s8], $0x80, s18, s8, $0xb8;
	[tilespmem:$0x7800] =	vst v63  }
0x37: {  	_ =	swait.ge [sflag:s14], $0x1400  }
0x38: {  	[sflag:s14] =	ssyncset.done $0x0  }
0x39: {  	[sflag:s14] =	ssyncadd.s32 $0xFFFFEC00  }
0x3a: {  	_ =	swait.ge [sflag:s14], $0x1400  }
0x3b: {  	[sflag:s14] =	ssyncset.done $0x0  }
0x3c: {  	[sflag:s14] =	ssyncadd.s32 $0xFFFFEC00  }
0x3d: {  	_ =	swait.ge [sflag:s14], $0x1400  }
0x3e: {  	[sflag:s14] =	ssyncset.done $0x0  }
0x3f: {  	[sflag:s14] =	ssyncadd.s32 $0xFFFFEC00  }
0x40: {  	_ =	swait.ge [sflag:s14], $0x1400  }
0x41: {  	[sflag:s14] =	ssyncset.done $0x0  }
0x42: {  	[sflag:s14] =	ssyncadd.s32 $0xFFFFEC00  }
0x43: {  	_ =	swait.ge [sflag:s14], $0x1400  }
.Ltmp0:
0x44: {  	[sflag:s14] =	ssyncset.done $0x0;
	(pc) =	sbr.rel @p0 .LBB2_2-.Ltmp0, $4  }
0x45: {  	[sflag:s14] =	ssyncadd.s32 $0xFFFFEC00  }
0x46: {  	[hbm4b:s16+s2] =	stream.linear.scatter [tilespmem:s9], [sflag:$0x2], $0x6400, $0x38;
	[tilespmem:$0x7800] =	vst v63  }
0x47: {  	_ =	swait.ge [sflag:s7], $0x6400  }
0x48: {  	s18 =	smov.u32 s20;
	s16 =	sadd.s32 $0xC80, s16;
	[sflag:s7] =	ssyncset.done $0x0  }
0x49: {  	s17 =	sshra.s32 s17, $0x2;
	[sflag:s7] =	ssyncadd.s32 $0xFFFF9C00  }
0x4a: {  	[tilespmem:s9], [sflag:$0x1] =	stream.indirect.gather [hbm4b:s3+s8], $0x80, s17, s8, $0xb8;
	[tilespmem:$0x7800] =	vst v63  }
0x4b: {  	s18 =	sadd.s32 $0x28, s17  }
0x4c: {  	[tilespmem:s10], [sflag:$0x1] =	stream.indirect.gather [hbm4b:s3+s8], $0x80, s18, s8, $0xb8;
	[tilespmem:$0x7800] =	vst v63  }
0x4d: {  	s30 =	sadd.s32 $0x50, s17  }
0x4e: {  	[tilespmem:s11], [sflag:$0x1] =	stream.indirect.gather [hbm4b:s3+s8], $0x80, s30, s8, $0xb8;
	[tilespmem:$0x7800] =	vst v63  }
0x4f: {  	s31 =	sadd.s32 $0x78, s17  }
0x50: {  	[tilespmem:s12], [sflag:$0x1] =	stream.indirect.gather [hbm4b:s3+s8], $0x80, s31, s8, $0xb8;
	[tilespmem:$0x7800] =	vst v63  }
0x51: {  	s17 =	sadd.s32 $0xA0, s17  }
0x52: {  	[tilespmem:s13], [sflag:$0x1] =	stream.indirect.gather [hbm4b:s3+s8], $0x80, s17, s8, $0xb8;
	[tilespmem:$0x7800] =	vst v63  }
0x53: {  	_ =	swait.ge [sflag:s14], $0x1400  }
0x54: {  	[sflag:s14] =	ssyncset.done $0x0  }
0x55: {  	[sflag:s14] =	ssyncadd.s32 $0xFFFFEC00  }
0x56: {  	_ =	swait.ge [sflag:s14], $0x1400  }
0x57: {  	[sflag:s14] =	ssyncset.done $0x0  }
0x58: {  	[sflag:s14] =	ssyncadd.s32 $0xFFFFEC00  }
0x59: {  	_ =	swait.ge [sflag:s14], $0x1400  }
0x5a: {  	[sflag:s14] =	ssyncset.done $0x0  }
0x5b: {  	[sflag:s14] =	ssyncadd.s32 $0xFFFFEC00  }
0x5c: {  	_ =	swait.ge [sflag:s14], $0x1400  }
0x5d: {  	[sflag:s14] =	ssyncset.done $0x0  }
0x5e: {  	[sflag:s14] =	ssyncadd.s32 $0xFFFFEC00  }
0x5f: {  	s15 =	sadd.s32 $0x1, s15;
	_ =	swait.ge [sflag:s14], $0x1400  }
0x60: {  	p0 =	sne.s32 s15, s5;
	[sflag:s14] =	ssyncset.done $0x0  }
.Ltmp1:
0x61: {  	[sflag:s14] =	ssyncadd.s32 $0xFFFFEC00;
	(pc) =	sbr.rel @p0 .LBB2_1-.Ltmp1, $4  }
0x62: {  	[hbm4b:s16+s2] =	stream.linear.scatter [tilespmem:s9], [sflag:$0x2], $0x6400, $0x38;
	[tilespmem:$0x7800] =	vst v63  }
0x63: {  	_ =	swait.ge [sflag:s7], $0x6400  }
0x64: {  	[sflag:s7] =	ssyncset.done $0x0  }
0x65: {  	[sflag:s7] =	ssyncadd.s32 $0xFFFF9C00  }
0x66: {  	_ =	sfence.sel $0x180000  }
0x67: {  	[bflag:$0x0] =	sbarrier.arrive $0xFFFF  }
0x68: {  	p0 =	sne.s32 s0, $0x0;
	_ =	strace $0x9000004A  }
0x69: {  	s0 =	sadd.s32 @!p0 $0x100000, s1;
	[bflag:$0x2] =	sbarrier.arrive $0xFFFF  }
0x6a: {  	[sflag:s0] =	ssyncadd.tile.s32 @!p0 $0x1;
	_ =	shalt  }
.Lfunc_end2:
_tile_overlayer_lowered:
.L_overlay_start_2:
0x6b: {  	(tag) =	ssettag $0x2  }
0x6c: {  	s0 =	rddreg [dreg:$0x0];
	s2 =	stileid.u32  }
0x6d: {  	s1 =	rddreg [dreg:$0x1];
	p0 =	sne.s32 s2, $0x0  }
0x6e: {  	s3 =	rddreg [dreg:$0x2];
	[bflag:$0x3] =	sbarrier.arrive $0xFFFF;
	s2 =	simm.s32 @!p0 $0x1C02  }
0x6f: {  	[timem:s3], [sflag:s2] =	dma.local @!p0 [hbm:s0], s1  }
0x70: {  	s0 =	simm.s32 @!p0 $0x2  }
0x71: {  	_ =	swait.ge @!p0 [sflag:s0], s1  }
0x72: {  	s1 =	ssub.s32 @!p0 $0x0, s1;
	[sflag:s0] =	ssyncset.done @!p0 $0x0  }
0x73: {  	[sflag:s0] =	ssyncadd.s32 @!p0 s1  }
0x74: {  	[bflag:$0x3] =	sbarrier.arrive $0xFFFF  }
0x75: {  	_ =	shalt  }

// kernel: kernel.15.cloned.1.call-start
scs
__scs_entry_jumppad:
0x0: {  	(pc) =	sbr.rel $0x88, $3  }
0x1: {  	(tag) =	ssettag $0x0;
	lr =	simm.s32 $0x1  }
0x2: {  	[smem:$0x3F5D] =	sst lr;
	_ =	strace $0xD0000000  }
0x3: {  	_ = 	snop  }
0x4: {  	_ = 	snop  }
0x5: {  	_ = 	snop  }
0x6: {  	_ = 	snop  }
0x7: {  	_ = 	snop  }
__scs_overlays_trampoline_lowered:
0x8: {  	[smem:$0x3F6C] =	sst s0  }
0x9: {  	[smem:$0x3F6D] =	sst s1  }
0xa: {  	[smem:$0x3F6E] =	sst s2  }
0xb: {  	[smem:$0x3F6F] =	sst s3  }
0xc: {  	[smem:$0x3F70] =	sst s4  }
0xd: {  	[smem:$0x3F71] =	sst s5  }
0xe: {  	[smem:$0x3F72] =	sst s6  }
0xf: {  	[smem:$0x3F73] =	sst s7  }
0x10: {  	[smem:$0x3F74] =	sst s8  }
0x11: {  	[smem:$0x3F75] =	sst s9;
	s0 =	simm.s32 @!p0 $0x0  }
0x12: {  	s1 =	sld [smem:$0x3F5B];
	s0 =	simm.s32 @p0 $0x1  }
0x13: {  	[smem:$0x3F76] =	sst s0;
	s0 =	simm.s32 @!p1 $0x0  }
0x14: {  	s2 =	sld [smem:$0x3F5A];
	s0 =	simm.s32 @p1 $0x1  }
0x15: {  	[smem:$0x3F77] =	sst s0;
	s0 =	simm.s32 @!p2 $0x0  }
0x16: {  	s3 =	sld [smem:$0x3FDB];
	s0 =	simm.s32 @p2 $0x1  }
0x17: {  	s4 =	simm.s32 $0x1BF5;
	[smem:$0x3F79] =	sst s0  }
0x18: {  	s0 =	sld [smem:$0x3F5C];
	_ =	swait.ge [sflag:s4], $0x0  }
0x19: {  	s7 =	sld [smem:$0x3F5D]  }
0x1a: {  	s8 =	sadd.s32 $0xFFFFE003, lr  }
0x1b: {  	s9 =	sadd.s32 $0xFFFFFEF7, lr;
	s5 =	simm.s32 $0xFFFFFFFF;
	p2 =	slt.u32 s8, $0xFFFFF086  }
0x1c: {  	p1 =	slt.u32 s9, $0xF7A;
	s5 =	simm.s32 @!p2 $0x0  }
0x1d: {  	s5 =	simm.s32 @p1 $0x1;
	p0 =	seq.s32 s7, s2  }
0x1e: {  	s7 =	smul.u32 @!p0 $0xF7A, s2;
	p2 =	seq.s32 @!p0 s5, $0x0  }
0x1f: {  	s9 =	smul.u32 $0xF7A, s1;
	s8 =	simm.s32 @!p0 $0x1BF5;
	p2 =	por !p2, p0  }
0x20: {  	[sflag:s8] =	ssyncset.s32 @!p0 $0xFFFFF086;
	s6 =	sadd.s32 @!p0 s3, s7;
	s7 =	simm.s32 @!p0 $0x108  }
0x21: {  	s3 =	sadd.s32 s3, s9;
	s6 =	sadd.s32 @!p0 $0x88, s6;
	s7 =	simm.s32 @p2 $0x1082  }
0x22: {  	[simem:s7], [sflag:s8] =	dma.local @!p0 [hbm:s6], $0xF7A  }
0x23: {  	s9 =	sor.u32 $0xD0000000, s2;
	s6 =	simm.s32 $0x108;
	_ =	swait.ge @!p0 [sflag:s8], $0x0  }
0x24: {  	s3 =	sadd.s32 $0x88, s3;
	s6 =	simm.s32 @!p1 $0x1082;
	[sflag:s4] =	ssyncset.s32 $0xFFFFF086  }
0x25: {  	[simem:s6], [sflag:s4] =	dma.local [hbm:s3], $0xF7A  }
0x26: {  	[smem:$0x3F5D] =	sst s1;
	(tag) =	ssettag s2;
	_ =	strace s9  }
0x27: {  	s1 =	sld [smem:$0x3F6D]  }
0x28: {  	s2 =	sld [smem:$0x3F6E]  }
0x29: {  	s4 =	sld [smem:$0x3F70]  }
0x2a: {  	p0 =	seq.s32 s5, $0x0;
	s5 =	sld [smem:$0x3F71]  }
0x2b: {  	s6 =	sld [smem:$0x3F72]  }
0x2c: {  	s7 =	sld [smem:$0x3F73]  }
0x2d: {  	s3 =	simm.s32 $0x108;
	s8 =	sld [smem:$0x3F74]  }
0x2e: {  	s3 =	simm.s32 @!p0 $0x1082;
	s9 =	sld [smem:$0x3F75]  }
0x2f: {  	lr =	sadd.s32 s0, s3;
	s0 =	sld [smem:$0x3F6C]  }
0x30: {  	s3 =	sld [smem:$0x3F6F]  }
0x31: {  	[smem:$0x3F78] =	sst s10  }
0x32: {  	s10 =	sld [smem:$0x3F76];
	_ =	sdelay $0x3  }
0x33: {  	p0 =	seq.s32 s10, $0x1;
	s10 =	sld [smem:$0x3F78];
	_ =	sdelay $0x3  }
0x34: {  	[smem:$0x3F78] =	sst s10  }
0x35: {  	s10 =	sld [smem:$0x3F77];
	_ =	sdelay $0x3  }
0x36: {  	p1 =	seq.s32 s10, $0x1;
	s10 =	sld [smem:$0x3F78];
	_ =	sdelay $0x3  }
0x37: {  	[smem:$0x3F78] =	sst s10  }
0x38: {  	s10 =	sld [smem:$0x3F79]  }
0x39: {  	_ = 	snop;
	(pc) =	sbr.ind lr, $3  }
0x3a: {  	_ = 	snop  }
0x3b: {  	_ = 	snop  }
0x3c: {  	p2 =	seq.s32 s10, $0x1;
	s10 =	sld [smem:$0x3F78]  }
0x3d: {  	_ =	shalt  }
0x3e: {  	_ =	shalt  }
0x3f: {  	_ =	shalt  }
0x40: {  	_ =	shalt  }
0x41: {  	_ =	shalt  }
0x42: {  	_ =	shalt  }
0x43: {  	_ =	shalt  }
0x44: {  	_ =	shalt  }
0x45: {  	_ =	shalt  }
0x46: {  	_ =	shalt  }
0x47: {  	_ =	shalt  }
0x48: {  	_ =	shalt  }
0x49: {  	_ =	shalt  }
0x4a: {  	_ =	shalt  }
0x4b: {  	_ =	shalt  }
0x4c: {  	_ =	shalt  }
0x4d: {  	_ =	shalt  }
0x4e: {  	_ =	shalt  }
0x4f: {  	_ =	shalt  }
0x50: {  	_ =	shalt  }
0x51: {  	_ =	shalt  }
0x52: {  	_ =	shalt  }
0x53: {  	_ =	shalt  }
0x54: {  	_ =	shalt  }
0x55: {  	_ =	shalt  }
0x56: {  	_ =	shalt  }
0x57: {  	_ =	shalt  }
0x58: {  	_ =	shalt  }
0x59: {  	_ =	shalt  }
0x5a: {  	_ =	shalt  }
0x5b: {  	_ =	shalt  }
0x5c: {  	_ =	shalt  }
0x5d: {  	_ =	shalt  }
0x5e: {  	_ =	shalt  }
0x5f: {  	_ =	shalt  }
0x60: {  	_ =	shalt  }
0x61: {  	_ =	shalt  }
0x62: {  	_ =	shalt  }
0x63: {  	_ =	shalt  }
0x64: {  	_ =	shalt  }
0x65: {  	_ =	shalt  }
0x66: {  	_ =	shalt  }
0x67: {  	_ =	shalt  }
0x68: {  	_ =	shalt  }
0x69: {  	_ =	shalt  }
0x6a: {  	_ =	shalt  }
0x6b: {  	_ =	shalt  }
0x6c: {  	_ =	shalt  }
0x6d: {  	_ =	shalt  }
0x6e: {  	_ =	shalt  }
0x6f: {  	_ =	shalt  }
0x70: {  	_ =	shalt  }
0x71: {  	_ =	shalt  }
0x72: {  	_ =	shalt  }
0x73: {  	_ =	shalt  }
0x74: {  	_ =	shalt  }
0x75: {  	_ =	shalt  }
0x76: {  	_ =	shalt  }
0x77: {  	_ =	shalt  }
0x78: {  	_ =	shalt  }
0x79: {  	_ =	shalt  }
0x7a: {  	_ =	shalt  }
0x7b: {  	_ =	shalt  }
0x7c: {  	_ =	shalt  }
0x7d: {  	_ =	shalt  }
0x7e: {  	_ =	shalt  }
0x7f: {  	_ =	shalt  }
0x80: {  	_ =	shalt  }
0x81: {  	_ =	shalt  }
0x82: {  	_ =	shalt  }
0x83: {  	_ =	shalt  }
0x84: {  	_ =	shalt  }
0x85: {  	_ =	shalt  }
0x86: {  	_ =	shalt  }
0x87: {  	_ =	shalt  }
.Lfunc_end0:
.L_simem_size_0:
called_computation.2_lowered:
.L_overlay_start_0:
0x88: {  	s2 =	sld [smem:$0x3FD9]  }
0x89: {  	s3 =	sld [smem:$0x3FFE];
	_ =	sdelay $0x1  }
0x8a: {  	s1 =	srdreg.scid  }
0x8b: {  	s0 =	sand.u32 $0x1, s1  }
0x8c: {  	s16 =	sshll.u32 s0, $0xA;
	s2 =	sadd.s32 s3, s2  }
0x8d: {  	s2 =	sadd.s32 s2, s16  }
0x8e: {  	[smem:$0x3F84] =	sst s2  }
0x8f: {  	_ = 	snop  }
0x90: {  	(tm) =	ssettm $0x1  }
0x91: {  	s17 =	sld [smem:$0x3FFB];
	_ =	sdelay $0x3  }
0x92: {  	_ =	strace s17  }
0x93: {  	s2 =	sld [smem:$0x3FFC];
	_ =	sdelay $0x3  }
0x94: {  	_ =	strace s2  }
0x95: {  	s2 =	sld [smem:$0x3FFD];
	_ =	sdelay $0x3  }
0x96: {  	_ =	strace s2  }
0x97: {  	_ =	strace $0x8FFFFFFF  }
0x98: {  	s18 =	sld [smem:$0x3FDB];
	_ =	sdelay $0x1  }
0x99: {  	s19 =	simm.s32 $_scs_section_size  }
0x9a: {  	s4 =	simm.s32 $_size__tile_overlayer_lowered;
	s5 =	simm.s32 $_tile_overlayer_lowered  }
0x9b: {  	s22 =	simm.s32 $0x1BFF;
	s21 =	sshll.u32 s5, $0x1;
	s2 =	sadd.s32 s19, s18  }
0x9c: {  	s6 =	simm.s32 $0x0;
	s20 =	sshll.u32 s4, $0x1;
	s4 =	sadd.s32 s21, s2  }
0x9d: {  	[timem:s6], [sflag:s22] =	dma.local [hbm:s4], s20  }
0x9e: {  	_ =	swait.ge [sflag:s22], s20  }
0x9f: {  	s3 =	ssub.s32 $0x0, s20;
	[sflag:s22] =	ssyncset.done $0x0  }
0xa0: {  	[sflag:s22] =	ssyncadd.s32 s3;
	_ =	sdelay $0x1  }
0xa1: {  	s23 =	simm.s32 $0x1B8B  }
0xa2: {  	_ =	swait.ge [sflag:s23], $0x1  }
0xa3: {  	[sflag:s23] =	ssyncset.done $0x0  }
0xa4: {  	s25 =	simm.s32 $0x1B8E;
	s24 =	sld [smem:$0x3FFE];
	[sflag:s23] =	ssyncadd.s32 $0xFFFFFFFF  }
0xa5: {  	s26 =	simm.s32 $execute0_lowered;
	[smem:$0x3FD2] =	sst s25  }
0xa6: {  	s4 =	sshll.u32 s26, $0x1;
	_ =	strace $0x8000004C;
	[dreg:$0x1] =	wrdreg $0xFFFFFFFF  }
0xa7: {  	s28 =	simm.s32 $_size_execute0_lowered;
	s2 =	sadd.s32 s2, s4;
	[dreg:$0x0] =	wrdreg $0x0  }
0xa8: {  	s4 =	sshll.u32 s28, $0x1;
	[dreg:$0x2] =	wrdreg s2  }
0xa9: {  	[dreg:$0x3] =	wrdreg s4  }
0xaa: {  	[dreg:$0x4] =	wrdreg $0xC0  }
0xab: {  	_ =	task [dreg:s6], $0x5FFFF  }
0xac: {  	[dreg:$0x1] =	wrdreg $0xFFFFFFFF  }
0xad: {  	[dreg:$0x0] =	wrdreg $0x60  }
0xae: {  	[dreg:$0x2] =	wrdreg s24  }
0xaf: {  	[dreg:$0x3] =	wrdreg $0x9  }
0xb0: {  	_ =	task.clear_ibuf [dreg:s6], $0x4FFFF;
	_ =	strace $0x9000004C  }
0xb1: {  	s29 =	simm.s32 $0x9;
	_ =	strace $0x8000004E  }
0xb2: {  	_ =	swait.ge [sflag:s29], $0x1  }
0xb3: {  	[sflag:s29] =	ssyncadd.s32 $0xFFFFFFFF  }
0xb4: {  	_ =	strace $0x9000004E  }
0xb5: {  	_ =	sfence  }
0xb6: {  	s30 =	sld [smem:$0x0];
	_ =	sdelay $0x2  }
0xb7: {  	s31 =	sshll.u32 s1, $0xD;
	s1 =	sshrl.u32 s1, $0x2  }
0xb8: {  	s3 =	sand.u32 $0x4000, s31;
	s1 =	sadd.s32 s1, s30  }
0xb9: {  	s0 =	sor.u32 s3, s0;
	s1 =	sshll.u32 s1, $0x11  }
0xba: {  	s0 =	sor.u32 s1, s0  }
0xbb: {  	s0 =	sadd.s32 $0x8F2B, s0  }
0xbc: {  	[sflag:s0] =	ssyncadd.remote.s32 $0x1  }
0xbd: {  	_ =	sfence.sel $0xFFFF  }
0xbe: {  	[dreg:$0x0] =	wrdreg $0xFFFFFFFF;
	(pc) =	sbr.abs _section_cstart, $3  }
0xbf: {  	[dreg:$0x1] =	wrdreg $0xFFFFFFFF  }
0xc0: {  	_ =	task.clear_ibuf [dreg:s6], $0x2FFFF;
	_ =	strace $0x9FFFFFFF  }
0xc1: {  	(tm) =	ssettm $0x7FFFFFFF  }
tec
execute0_lowered:
.L_overlay_start_1:
0x0: {  	(tag) =	ssettag $0x1  }
0x1: {  	s1 =	srdreg.scid  }
0x2: {  	s0 =	stileid.u32;
	s4 =	rddreg [dreg:$0x0]  }
0x3: {  	s2 =	simm.s32 $0x0;
	s10 =	simm.s32 $0x2800;
	s11 =	simm.s32 $0x3C00  }
0x4: {  	s12 =	simm.s32 $0x5000;
	s13 =	simm.s32 $0x6400;
	s14 =	simm.s32 $0x1  }
0x5: {  	s15 =	simm.s32 $0x0;
	s5 =	sand.u32 $0x1, s1;
	s1 =	rddreg [dreg:$0x1]  }
0x6: {  	s3 =	sshll.u32 s0, $0x1;
	[smem:$0x7FF] =	sst s2;
	s7 =	smul.u32 $0x27100, s0  }
0x7: {  	s3 =	sor.u32 s5, s3;
	s8 =	ssub.s32 $0x2, s5;
	s5 =	smul.u32 $0x13880, s5  }
0x8: {  	_ =	strace $0x8000004D;
	s6 =	smul.u32 $0x1388, s3;
	s9 =	sshrl.u32 s8, $0x1  }
0x9: {  	s3 =	sadd.s32 $0xA800, s4;
	s7 =	sadd.s32 s7, s4;
	s31 =	ssub.s32 s8, s9  }
0xa: {  	s7 =	sadd.s32 s5, s7;
	s8 =	simm.s32 $0x28;
	s6 =	sshrl.u32 s6, $0x3  }
0xb: {  	s9 =	simm.s32 $0x1400;
	s5 =	smax.u32 s31, $0x1;
	s4 =	sadd.s32 s6, s4  }
0xc: {  	s6 =	sadd.s32 $0xA70600, s7;
	s7 =	simm.s32 $0x2;
	s4 =	sadd.s32 $0x32200, s4  }
.LBB2_1:
0xd: {  	[tilespmem:s2], [sflag:$0x2] =	stream.linear.gather [hbm4b:s4+s2], $0x1388, $0x38;
	[tilespmem:$0x7800] =	vst v63  }
0xe: {  	_ =	swait.ge [sflag:s7], $0x1388  }
0xf: {  	[sflag:s7] =	ssyncset.done $0x0  }
0x10: {  	s16 =	simm.s32 $0x0;
	[sflag:s7] =	ssyncadd.s32 $0xFFFFEC78  }
0x11: {  	[tilespmem:s9], [sflag:$0x1] =	stream.indirect.gather [hbm4b:s3+s8], $0x80, s16, s8, $0xb8;
	[tilespmem:$0x7800] =	vst v63  }
0x12: {  	s28 =	simm.s32 $0x28  }
0x13: {  	[tilespmem:s10], [sflag:$0x1] =	stream.indirect.gather [hbm4b:s3+s8], $0x80, s28, s8, $0xb8;
	[tilespmem:$0x7800] =	vst v63  }
0x14: {  	s29 =	simm.s32 $0x50  }
0x15: {  	[tilespmem:s11], [sflag:$0x1] =	stream.indirect.gather [hbm4b:s3+s8], $0x80, s29, s8, $0xb8;
	[tilespmem:$0x7800] =	vst v63  }
0x16: {  	s30 =	simm.s32 $0x78  }
0x17: {  	[tilespmem:s12], [sflag:$0x1] =	stream.indirect.gather [hbm4b:s3+s8], $0x80, s30, s8, $0xb8;
	[tilespmem:$0x7800] =	vst v63  }
0x18: {  	s31 =	simm.s32 $0xA0  }
0x19: {  	[tilespmem:s13], [sflag:$0x1] =	stream.indirect.gather [hbm4b:s3+s8], $0x80, s31, s8, $0xb8;
	[tilespmem:$0x7800] =	vst v63  }
0x1a: {  	_ =	swait.ge [sflag:s14], $0x1400  }
0x1b: {  	[sflag:s14] =	ssyncset.done $0x0  }
0x1c: {  	[sflag:s14] =	ssyncadd.s32 $0xFFFFEC00  }
0x1d: {  	_ =	swait.ge [sflag:s14], $0x1400  }
0x1e: {  	[sflag:s14] =	ssyncset.done $0x0  }
0x1f: {  	[sflag:s14] =	ssyncadd.s32 $0xFFFFEC00  }
0x20: {  	_ =	swait.ge [sflag:s14], $0x1400  }
0x21: {  	[sflag:s14] =	ssyncset.done $0x0  }
0x22: {  	[sflag:s14] =	ssyncadd.s32 $0xFFFFEC00  }
0x23: {  	_ =	swait.ge [sflag:s14], $0x1400  }
0x24: {  	[sflag:s14] =	ssyncset.done $0x0  }
0x25: {  	[sflag:s14] =	ssyncadd.s32 $0xFFFFEC00  }
0x26: {  	_ =	swait.ge [sflag:s14], $0x1400  }
0x27: {  	[sflag:s14] =	ssyncset.done $0x0  }
0x28: {  	[sflag:s14] =	ssyncadd.s32 $0xFFFFEC00  }
0x29: {  	[hbm4b:s6+s2] =	stream.linear.scatter [tilespmem:s9], [sflag:$0x2], $0x6400, $0x38;
	[tilespmem:$0x7800] =	vst v63  }
0x2a: {  	s17 =	simm.s32 $0x320;
	_ =	swait.ge [sflag:s7], $0x6400  }
0x2b: {  	s18 =	simm.s32 $0x640;
	s16 =	sadd.s32 $0xC80, s6;
	[sflag:s7] =	ssyncset.done $0x0  }
.LBB2_2:
0x2c: {  	s19 =	sshra.s32 s17, $0x2  }
0x2d: {  	[sflag:s7] =	ssyncadd.s32 $0xFFFF9C00;
	s17 =	smov.u32 s18;
	s20 =	sadd.s32 $0x320, s18  }
0x2e: {  	[tilespmem:s9], [sflag:$0x1] =	stream.indirect.gather [hbm4b:s3+s8], $0x80, s19, s8, $0xb8;
	[tilespmem:$0x7800] =	vst v63  }
0x2f: {  	p0 =	sne.s32 s18, $0x4B00;
	s18 =	sadd.s32 $0x28, s19  }
0x30: {  	[tilespmem:s10], [sflag:$0x1] =	stream.indirect.gather [hbm4b:s3+s8], $0x80, s18, s8, $0xb8;
	[tilespmem:$0x7800] =	vst v63  }
0x31: {  	s18 =	sadd.s32 $0x50, s19  }
0x32: {  	[tilespmem:s11], [sflag:$0x1] =	stream.indirect.gather [hbm4b:s3+s8], $0x80, s18, s8, $0xb8;
	[tilespmem:$0x7800] =	vst v63  }
0x33: {  	s18 =	sadd.s32 $0x78, s19  }
0x34: {  	[tilespmem:s12], [sflag:$0x1] =	stream.indirect.gather [hbm4b:s3+s8], $0x80, s18, s8, $0xb8;
	[tilespmem:$0x7800] =	vst v63  }
0x35: {  	s18 =	sadd.s32 $0xA0, s19  }
0x36: {  	[tilespmem:s13], [sflag:$0x1] =	stream.indirect.gather [hbm4b:s3+s8], $0x80, s18, s8, $0xb8;
	[tilespmem:$0x7800] =	vst v63  }
0x37: {  	_ =	swait.ge [sflag:s14], $0x1400  }
0x38: {  	[sflag:s14] =	ssyncset.done $0x0  }
0x39: {  	[sflag:s14] =	ssyncadd.s32 $0xFFFFEC00  }
0x3a: {  	_ =	swait.ge [sflag:s14], $0x1400  }
0x3b: {  	[sflag:s14] =	ssyncset.done $0x0  }
0x3c: {  	[sflag:s14] =	ssyncadd.s32 $0xFFFFEC00  }
0x3d: {  	_ =	swait.ge [sflag:s14], $0x1400  }
0x3e: {  	[sflag:s14] =	ssyncset.done $0x0  }
0x3f: {  	[sflag:s14] =	ssyncadd.s32 $0xFFFFEC00  }
0x40: {  	_ =	swait.ge [sflag:s14], $0x1400  }
0x41: {  	[sflag:s14] =	ssyncset.done $0x0  }
0x42: {  	[sflag:s14] =	ssyncadd.s32 $0xFFFFEC00  }
0x43: {  	_ =	swait.ge [sflag:s14], $0x1400  }
.Ltmp0:
0x44: {  	[sflag:s14] =	ssyncset.done $0x0;
	(pc) =	sbr.rel @p0 .LBB2_2-.Ltmp0, $4  }
0x45: {  	[sflag:s14] =	ssyncadd.s32 $0xFFFFEC00  }
0x46: {  	[hbm4b:s16+s2] =	stream.linear.scatter [tilespmem:s9], [sflag:$0x2], $0x6400, $0x38;
	[tilespmem:$0x7800] =	vst v63  }
0x47: {  	_ =	swait.ge [sflag:s7], $0x6400  }
0x48: {  	s18 =	smov.u32 s20;
	s16 =	sadd.s32 $0xC80, s16;
	[sflag:s7] =	ssyncset.done $0x0  }
0x49: {  	s17 =	sshra.s32 s17, $0x2;
	[sflag:s7] =	ssyncadd.s32 $0xFFFF9C00  }
0x4a: {  	[tilespmem:s9], [sflag:$0x1] =	stream.indirect.gather [hbm4b:s3+s8], $0x80, s17, s8, $0xb8;
	[tilespmem:$0x7800] =	vst v63  }
0x4b: {  	s18 =	sadd.s32 $0x28, s17  }
0x4c: {  	[tilespmem:s10], [sflag:$0x1] =	stream.indirect.gather [hbm4b:s3+s8], $0x80, s18, s8, $0xb8;
	[tilespmem:$0x7800] =	vst v63  }
0x4d: {  	s30 =	sadd.s32 $0x50, s17  }
0x4e: {  	[tilespmem:s11], [sflag:$0x1] =	stream.indirect.gather [hbm4b:s3+s8], $0x80, s30, s8, $0xb8;
	[tilespmem:$0x7800] =	vst v63  }
0x4f: {  	s31 =	sadd.s32 $0x78, s17  }
0x50: {  	[tilespmem:s12], [sflag:$0x1] =	stream.indirect.gather [hbm4b:s3+s8], $0x80, s31, s8, $0xb8;
	[tilespmem:$0x7800] =	vst v63  }
0x51: {  	s17 =	sadd.s32 $0xA0, s17  }
0x52: {  	[tilespmem:s13], [sflag:$0x1] =	stream.indirect.gather [hbm4b:s3+s8], $0x80, s17, s8, $0xb8;
	[tilespmem:$0x7800] =	vst v63  }
0x53: {  	_ =	swait.ge [sflag:s14], $0x1400  }
0x54: {  	[sflag:s14] =	ssyncset.done $0x0  }
0x55: {  	[sflag:s14] =	ssyncadd.s32 $0xFFFFEC00  }
0x56: {  	_ =	swait.ge [sflag:s14], $0x1400  }
0x57: {  	[sflag:s14] =	ssyncset.done $0x0  }
0x58: {  	[sflag:s14] =	ssyncadd.s32 $0xFFFFEC00  }
0x59: {  	_ =	swait.ge [sflag:s14], $0x1400  }
0x5a: {  	[sflag:s14] =	ssyncset.done $0x0  }
0x5b: {  	[sflag:s14] =	ssyncadd.s32 $0xFFFFEC00  }
0x5c: {  	_ =	swait.ge [sflag:s14], $0x1400  }
0x5d: {  	[sflag:s14] =	ssyncset.done $0x0  }
0x5e: {  	[sflag:s14] =	ssyncadd.s32 $0xFFFFEC00  }
0x5f: {  	s15 =	sadd.s32 $0x1, s15;
	_ =	swait.ge [sflag:s14], $0x1400  }
0x60: {  	p0 =	sne.s32 s15, s5;
	[sflag:s14] =	ssyncset.done $0x0  }
.Ltmp1:
0x61: {  	[sflag:s14] =	ssyncadd.s32 $0xFFFFEC00;
	(pc) =	sbr.rel @p0 .LBB2_1-.Ltmp1, $4  }
0x62: {  	[hbm4b:s16+s2] =	stream.linear.scatter [tilespmem:s9], [sflag:$0x2], $0x6400, $0x38;
	[tilespmem:$0x7800] =	vst v63  }
0x63: {  	_ =	swait.ge [sflag:s7], $0x6400  }
0x64: {  	[sflag:s7] =	ssyncset.done $0x0  }
0x65: {  	[sflag:s7] =	ssyncadd.s32 $0xFFFF9C00  }
0x66: {  	_ =	sfence.sel $0x180000  }
0x67: {  	[bflag:$0x0] =	sbarrier.arrive $0xFFFF  }
0x68: {  	p0 =	sne.s32 s0, $0x0;
	_ =	strace $0x9000004D  }
0x69: {  	s0 =	sadd.s32 @!p0 $0x100000, s1;
	[bflag:$0x2] =	sbarrier.arrive $0xFFFF  }
0x6a: {  	[sflag:s0] =	ssyncadd.tile.s32 @!p0 $0x1;
	_ =	shalt  }
.Lfunc_end2:
_tile_overlayer_lowered:
.L_overlay_start_2:
0x6b: {  	(tag) =	ssettag $0x2  }
0x6c: {  	s0 =	rddreg [dreg:$0x0];
	s2 =	stileid.u32  }
0x6d: {  	s1 =	rddreg [dreg:$0x1];
	p0 =	sne.s32 s2, $0x0  }
0x6e: {  	s3 =	rddreg [dreg:$0x2];
	[bflag:$0x3] =	sbarrier.arrive $0xFFFF;
	s2 =	simm.s32 @!p0 $0x1C02  }
0x6f: {  	[timem:s3], [sflag:s2] =	dma.local @!p0 [hbm:s0], s1  }
0x70: {  	s0 =	simm.s32 @!p0 $0x2  }
0x71: {  	_ =	swait.ge @!p0 [sflag:s0], s1  }
0x72: {  	s1 =	ssub.s32 @!p0 $0x0, s1;
	[sflag:s0] =	ssyncset.done @!p0 $0x0  }
0x73: {  	[sflag:s0] =	ssyncadd.s32 @!p0 s1  }
0x74: {  	[bflag:$0x3] =	sbarrier.arrive $0xFFFF  }
0x75: {  	_ =	shalt  }

// kernel: kernel.9.cloned.1.call-start
scs
__scs_entry_jumppad:
0x0: {  	(pc) =	sbr.rel $0x88, $3  }
0x1: {  	(tag) =	ssettag $0x0;
	lr =	simm.s32 $0x1  }
0x2: {  	[smem:$0x3F5D] =	sst lr;
	_ =	strace $0xD0000000  }
0x3: {  	_ = 	snop  }
0x4: {  	_ = 	snop  }
0x5: {  	_ = 	snop  }
0x6: {  	_ = 	snop  }
0x7: {  	_ = 	snop  }
__scs_overlays_trampoline_lowered:
0x8: {  	[smem:$0x3F6C] =	sst s0  }
0x9: {  	[smem:$0x3F6D] =	sst s1  }
0xa: {  	[smem:$0x3F6E] =	sst s2  }
0xb: {  	[smem:$0x3F6F] =	sst s3  }
0xc: {  	[smem:$0x3F70] =	sst s4  }
0xd: {  	[smem:$0x3F71] =	sst s5  }
0xe: {  	[smem:$0x3F72] =	sst s6  }
0xf: {  	[smem:$0x3F73] =	sst s7  }
0x10: {  	[smem:$0x3F74] =	sst s8  }
0x11: {  	[smem:$0x3F75] =	sst s9;
	s0 =	simm.s32 @!p0 $0x0  }
0x12: {  	s1 =	sld [smem:$0x3F5B];
	s0 =	simm.s32 @p0 $0x1  }
0x13: {  	[smem:$0x3F76] =	sst s0;
	s0 =	simm.s32 @!p1 $0x0  }
0x14: {  	s2 =	sld [smem:$0x3F5A];
	s0 =	simm.s32 @p1 $0x1  }
0x15: {  	[smem:$0x3F77] =	sst s0;
	s0 =	simm.s32 @!p2 $0x0  }
0x16: {  	s3 =	sld [smem:$0x3FDB];
	s0 =	simm.s32 @p2 $0x1  }
0x17: {  	s4 =	simm.s32 $0x1BF5;
	[smem:$0x3F79] =	sst s0  }
0x18: {  	s0 =	sld [smem:$0x3F5C];
	_ =	swait.ge [sflag:s4], $0x0  }
0x19: {  	s7 =	sld [smem:$0x3F5D]  }
0x1a: {  	s8 =	sadd.s32 $0xFFFFE003, lr  }
0x1b: {  	s9 =	sadd.s32 $0xFFFFFEF7, lr;
	s5 =	simm.s32 $0xFFFFFFFF;
	p2 =	slt.u32 s8, $0xFFFFF086  }
0x1c: {  	p1 =	slt.u32 s9, $0xF7A;
	s5 =	simm.s32 @!p2 $0x0  }
0x1d: {  	s5 =	simm.s32 @p1 $0x1;
	p0 =	seq.s32 s7, s2  }
0x1e: {  	s7 =	smul.u32 @!p0 $0xF7A, s2;
	p2 =	seq.s32 @!p0 s5, $0x0  }
0x1f: {  	s9 =	smul.u32 $0xF7A, s1;
	s8 =	simm.s32 @!p0 $0x1BF5;
	p2 =	por !p2, p0  }
0x20: {  	[sflag:s8] =	ssyncset.s32 @!p0 $0xFFFFF086;
	s6 =	sadd.s32 @!p0 s3, s7;
	s7 =	simm.s32 @!p0 $0x108  }
0x21: {  	s3 =	sadd.s32 s3, s9;
	s6 =	sadd.s32 @!p0 $0x88, s6;
	s7 =	simm.s32 @p2 $0x1082  }
0x22: {  	[simem:s7], [sflag:s8] =	dma.local @!p0 [hbm:s6], $0xF7A  }
0x23: {  	s9 =	sor.u32 $0xD0000000, s2;
	s6 =	simm.s32 $0x108;
	_ =	swait.ge @!p0 [sflag:s8], $0x0  }
0x24: {  	s3 =	sadd.s32 $0x88, s3;
	s6 =	simm.s32 @!p1 $0x1082;
	[sflag:s4] =	ssyncset.s32 $0xFFFFF086  }
0x25: {  	[simem:s6], [sflag:s4] =	dma.local [hbm:s3], $0xF7A  }
0x26: {  	[smem:$0x3F5D] =	sst s1;
	(tag) =	ssettag s2;
	_ =	strace s9  }
0x27: {  	s1 =	sld [smem:$0x3F6D]  }
0x28: {  	s2 =	sld [smem:$0x3F6E]  }
0x29: {  	s4 =	sld [smem:$0x3F70]  }
0x2a: {  	p0 =	seq.s32 s5, $0x0;
	s5 =	sld [smem:$0x3F71]  }
0x2b: {  	s6 =	sld [smem:$0x3F72]  }
0x2c: {  	s7 =	sld [smem:$0x3F73]  }
0x2d: {  	s3 =	simm.s32 $0x108;
	s8 =	sld [smem:$0x3F74]  }
0x2e: {  	s3 =	simm.s32 @!p0 $0x1082;
	s9 =	sld [smem:$0x3F75]  }
0x2f: {  	lr =	sadd.s32 s0, s3;
	s0 =	sld [smem:$0x3F6C]  }
0x30: {  	s3 =	sld [smem:$0x3F6F]  }
0x31: {  	[smem:$0x3F78] =	sst s10  }
0x32: {  	s10 =	sld [smem:$0x3F76];
	_ =	sdelay $0x3  }
0x33: {  	p0 =	seq.s32 s10, $0x1;
	s10 =	sld [smem:$0x3F78];
	_ =	sdelay $0x3  }
0x34: {  	[smem:$0x3F78] =	sst s10  }
0x35: {  	s10 =	sld [smem:$0x3F77];
	_ =	sdelay $0x3  }
0x36: {  	p1 =	seq.s32 s10, $0x1;
	s10 =	sld [smem:$0x3F78];
	_ =	sdelay $0x3  }
0x37: {  	[smem:$0x3F78] =	sst s10  }
0x38: {  	s10 =	sld [smem:$0x3F79]  }
0x39: {  	_ = 	snop;
	(pc) =	sbr.ind lr, $3  }
0x3a: {  	_ = 	snop  }
0x3b: {  	_ = 	snop  }
0x3c: {  	p2 =	seq.s32 s10, $0x1;
	s10 =	sld [smem:$0x3F78]  }
0x3d: {  	_ =	shalt  }
0x3e: {  	_ =	shalt  }
0x3f: {  	_ =	shalt  }
0x40: {  	_ =	shalt  }
0x41: {  	_ =	shalt  }
0x42: {  	_ =	shalt  }
0x43: {  	_ =	shalt  }
0x44: {  	_ =	shalt  }
0x45: {  	_ =	shalt  }
0x46: {  	_ =	shalt  }
0x47: {  	_ =	shalt  }
0x48: {  	_ =	shalt  }
0x49: {  	_ =	shalt  }
0x4a: {  	_ =	shalt  }
0x4b: {  	_ =	shalt  }
0x4c: {  	_ =	shalt  }
0x4d: {  	_ =	shalt  }
0x4e: {  	_ =	shalt  }
0x4f: {  	_ =	shalt  }
0x50: {  	_ =	shalt  }
0x51: {  	_ =	shalt  }
0x52: {  	_ =	shalt  }
0x53: {  	_ =	shalt  }
0x54: {  	_ =	shalt  }
0x55: {  	_ =	shalt  }
0x56: {  	_ =	shalt  }
0x57: {  	_ =	shalt  }
0x58: {  	_ =	shalt  }
0x59: {  	_ =	shalt  }
0x5a: {  	_ =	shalt  }
0x5b: {  	_ =	shalt  }
0x5c: {  	_ =	shalt  }
0x5d: {  	_ =	shalt  }
0x5e: {  	_ =	shalt  }
0x5f: {  	_ =	shalt  }
0x60: {  	_ =	shalt  }
0x61: {  	_ =	shalt  }
0x62: {  	_ =	shalt  }
0x63: {  	_ =	shalt  }
0x64: {  	_ =	shalt  }
0x65: {  	_ =	shalt  }
0x66: {  	_ =	shalt  }
0x67: {  	_ =	shalt  }
0x68: {  	_ =	shalt  }
0x69: {  	_ =	shalt  }
0x6a: {  	_ =	shalt  }
0x6b: {  	_ =	shalt  }
0x6c: {  	_ =	shalt  }
0x6d: {  	_ =	shalt  }
0x6e: {  	_ =	shalt  }
0x6f: {  	_ =	shalt  }
0x70: {  	_ =	shalt  }
0x71: {  	_ =	shalt  }
0x72: {  	_ =	shalt  }
0x73: {  	_ =	shalt  }
0x74: {  	_ =	shalt  }
0x75: {  	_ =	shalt  }
0x76: {  	_ =	shalt  }
0x77: {  	_ =	shalt  }
0x78: {  	_ =	shalt  }
0x79: {  	_ =	shalt  }
0x7a: {  	_ =	shalt  }
0x7b: {  	_ =	shalt  }
0x7c: {  	_ =	shalt  }
0x7d: {  	_ =	shalt  }
0x7e: {  	_ =	shalt  }
0x7f: {  	_ =	shalt  }
0x80: {  	_ =	shalt  }
0x81: {  	_ =	shalt  }
0x82: {  	_ =	shalt  }
0x83: {  	_ =	shalt  }
0x84: {  	_ =	shalt  }
0x85: {  	_ =	shalt  }
0x86: {  	_ =	shalt  }
0x87: {  	_ =	shalt  }
.Lfunc_end0:
.L_simem_size_0:
called_computation_lowered:
.L_overlay_start_0:
0x88: {  	s2 =	sld [smem:$0x3FD9]  }
0x89: {  	s3 =	sld [smem:$0x3FFE];
	_ =	sdelay $0x1  }
0x8a: {  	s1 =	srdreg.scid  }
0x8b: {  	s0 =	sand.u32 $0x1, s1  }
0x8c: {  	s16 =	sshll.u32 s0, $0xA;
	s2 =	sadd.s32 s3, s2  }
0x8d: {  	s2 =	sadd.s32 s2, s16  }
0x8e: {  	[smem:$0x3F84] =	sst s2  }
0x8f: {  	_ = 	snop  }
0x90: {  	(tm) =	ssettm $0x1  }
0x91: {  	s17 =	sld [smem:$0x3FFB];
	_ =	sdelay $0x3  }
0x92: {  	_ =	strace s17  }
0x93: {  	s2 =	sld [smem:$0x3FFC];
	_ =	sdelay $0x3  }
0x94: {  	_ =	strace s2  }
0x95: {  	s2 =	sld [smem:$0x3FFD];
	_ =	sdelay $0x3  }
0x96: {  	_ =	strace s2  }
0x97: {  	_ =	strace $0x8FFFFFFF  }
0x98: {  	s18 =	sld [smem:$0x3FDB];
	_ =	sdelay $0x1  }
0x99: {  	s19 =	simm.s32 $_scs_section_size  }
0x9a: {  	s4 =	simm.s32 $_size__tile_overlayer_lowered;
	s5 =	simm.s32 $_tile_overlayer_lowered  }
0x9b: {  	s22 =	simm.s32 $0x1BFF;
	s21 =	sshll.u32 s5, $0x1;
	s2 =	sadd.s32 s19, s18  }
0x9c: {  	s6 =	simm.s32 $0x0;
	s20 =	sshll.u32 s4, $0x1;
	s4 =	sadd.s32 s21, s2  }
0x9d: {  	[timem:s6], [sflag:s22] =	dma.local [hbm:s4], s20  }
0x9e: {  	_ =	swait.ge [sflag:s22], s20  }
0x9f: {  	s3 =	ssub.s32 $0x0, s20;
	[sflag:s22] =	ssyncset.done $0x0  }
0xa0: {  	[sflag:s22] =	ssyncadd.s32 s3;
	_ =	sdelay $0x1  }
0xa1: {  	s23 =	simm.s32 $0x1B8B  }
0xa2: {  	_ =	swait.ge [sflag:s23], $0x1  }
0xa3: {  	[sflag:s23] =	ssyncset.done $0x0  }
0xa4: {  	s25 =	simm.s32 $0x1B8E;
	s24 =	sld [smem:$0x3FFE];
	[sflag:s23] =	ssyncadd.s32 $0xFFFFFFFF  }
0xa5: {  	s26 =	simm.s32 $execute0_lowered;
	[smem:$0x3FD2] =	sst s25  }
0xa6: {  	s4 =	sshll.u32 s26, $0x1;
	_ =	strace $0x80000046;
	[dreg:$0x1] =	wrdreg $0xFFFFFFFF  }
0xa7: {  	s28 =	simm.s32 $_size_execute0_lowered;
	s2 =	sadd.s32 s2, s4;
	[dreg:$0x0] =	wrdreg $0x0  }
0xa8: {  	s4 =	sshll.u32 s28, $0x1;
	[dreg:$0x2] =	wrdreg s2  }
0xa9: {  	[dreg:$0x3] =	wrdreg s4  }
0xaa: {  	[dreg:$0x4] =	wrdreg $0xC0  }
0xab: {  	_ =	task [dreg:s6], $0x5FFFF  }
0xac: {  	[dreg:$0x1] =	wrdreg $0xFFFFFFFF  }
0xad: {  	[dreg:$0x0] =	wrdreg $0x60  }
0xae: {  	[dreg:$0x2] =	wrdreg s24  }
0xaf: {  	[dreg:$0x3] =	wrdreg $0x9  }
0xb0: {  	_ =	task.clear_ibuf [dreg:s6], $0x4FFFF;
	_ =	strace $0x90000046  }
0xb1: {  	s29 =	simm.s32 $0x9;
	_ =	strace $0x80000048  }
0xb2: {  	_ =	swait.ge [sflag:s29], $0x1  }
0xb3: {  	[sflag:s29] =	ssyncadd.s32 $0xFFFFFFFF  }
0xb4: {  	_ =	strace $0x90000048  }
0xb5: {  	_ =	sfence  }
0xb6: {  	s30 =	sld [smem:$0x0];
	_ =	sdelay $0x2  }
0xb7: {  	s31 =	sshll.u32 s1, $0xD;
	s1 =	sshrl.u32 s1, $0x2  }
0xb8: {  	s3 =	sand.u32 $0x4000, s31;
	s1 =	sadd.s32 s1, s30  }
0xb9: {  	s0 =	sor.u32 s3, s0;
	s1 =	sshll.u32 s1, $0x11  }
0xba: {  	s0 =	sor.u32 s1, s0  }
0xbb: {  	s0 =	sadd.s32 $0x8F2B, s0  }
0xbc: {  	[sflag:s0] =	ssyncadd.remote.s32 $0x1  }
0xbd: {  	_ =	sfence.sel $0xFFFF  }
0xbe: {  	[dreg:$0x0] =	wrdreg $0xFFFFFFFF;
	(pc) =	sbr.abs _section_cstart, $3  }
0xbf: {  	[dreg:$0x1] =	wrdreg $0xFFFFFFFF  }
0xc0: {  	_ =	task.clear_ibuf [dreg:s6], $0x2FFFF;
	_ =	strace $0x9FFFFFFF  }
0xc1: {  	(tm) =	ssettm $0x7FFFFFFF  }
tec
execute0_lowered:
.L_overlay_start_1:
0x0: {  	(tag) =	ssettag $0x1  }
0x1: {  	s0 =	srdreg.scid  }
0x2: {  	s3 =	stileid.u32;
	s4 =	rddreg [dreg:$0x0]  }
0x3: {  	s2 =	simm.s32 $0x0;
	s24 =	simm.s32 $0x1C00;
	s25 =	simm.s32 $0x2400  }
0x4: {  	s7 =	simm.s32 $0x1400;
	s26 =	simm.s32 $0x2C00;
	s8 =	simm.s32 $0x3400  }
0x5: {  	s9 =	simm.s32 $0x3C00;
	s10 =	simm.s32 $0x4400;
	s11 =	simm.s32 $0x4C00  }
0x6: {  	s12 =	simm.s32 $0x5400;
	s13 =	simm.s32 $0x5C00;
	s14 =	simm.s32 $0x6400  }
0x7: {  	s15 =	simm.s32 $0x6C00;
	s16 =	simm.s32 $0x7400;
	s17 =	simm.s32 $0x7C00  }
0x8: {  	s18 =	simm.s32 $0x8400;
	s19 =	simm.s32 $0x8C00;
	s20 =	simm.s32 $0x9400  }
0x9: {  	s21 =	simm.s32 $0x9C00;
	s28 =	simm.s32 $0xCC00;
	s29 =	simm.s32 $0xD400  }
0xa: {  	s30 =	simm.s32 $0x1;
	s31 =	simm.s32 $0x0;
	s0 =	sand.u32 $0x1, s0  }
0xb: {  	s1 =	sshll.u32 s3, $0x1;
	[smem:$0x7FF] =	sst s2;
	s5 =	smul.u32 $0x4E200, s3  }
0xc: {  	s3 =	sadd.s32 $0x37200, s4;
	_ =	strace $0x80000047;
	[dreg:$0x3] =	wrdreg s24  }
0xd: {  	s1 =	sor.u32 s0, s1;
	s6 =	smul.u32 $0x27100, s0;
	[dreg:$0x4] =	wrdreg s25  }
0xe: {  	s0 =	ssub.s32 $0x2, s0;
	[dreg:$0x5] =	wrdreg s26;
	s24 =	simm.s32 $0xB400  }
0xf: {  	s25 =	simm.s32 $0xBC00;
	s1 =	smul.u32 $0x1388, s1;
	s22 =	sshrl.u32 s0, $0x1  }
0x10: {  	s26 =	simm.s32 $0xC400;
	s5 =	sadd.s32 s5, s4;
	s0 =	ssub.s32 s0, s22  }
0x11: {  	s5 =	sadd.s32 s6, s5;
	s1 =	sshrl.u32 s1, $0x3;
	s0 =	smax.u32 s0, $0x1  }
0x12: {  	v2 =	vlaneseq.u32;
	s23 =	sadd.s32 $0xAC600, s5;
	s1 =	sadd.s32 s1, s4;
	[dreg:$0x7] =	wrdreg s0  }
0x13: {  	vm0 =	vmmov $0xffff;
	v1 =	vshrl.u32 v2, $0x3;
	s6 =	simm.s32 $0x2;
	[dreg:$0x2] =	wrdreg s23;
	s1 =	sadd.s32 $0x32200, s1  }
0x14: {  	v0 =	vand.u32 $0x7, v2;
	v2 =	vor.u32 $0x8, v2;
	v1 =	vmul.u32 $0x8, v1;
	s22 =	simm.s32 $0xA400;
	s23 =	simm.s32 $0xAC00;
	[dreg:$0x6] =	wrdreg s1  }
.LBB2_1:
0x15: {  	s0 =	rddreg [dreg:$0x6]  }
0x16: {  	[tilespmem:s2], [sflag:$0x2] =	stream.linear.gather [hbm4b:s0+s2], $0x1388, $0x38;
	[tilespmem:$0xDC00] =	vst v63  }
0x17: {  	_ =	swait.ge [sflag:s6], $0x1388  }
0x18: {  	[sflag:s6] =	ssyncset.done $0x0  }
0x19: {  	s1 =	simm.s32 $0x60;
	s0 =	simm.s32 $0x0;
	[sflag:s6] =	ssyncadd.s32 $0xFFFFEC78  }
.LBB2_2:
0x1a: {  	v3 =	vld [tilespmem:s1+$0xFFFFFFA0];
	_ =	sdelay $0x4  }
0x1b: {  	v4 =	vshll.u32 v3, $0x1  }
0x1c: {  	v3 =	vand.u32 $0x7, v3;
	v4 =	vand.u32 $0xFFFFFFF0, v4  }
0x1d: {  	v3 =	vor.u32 v3, v4  }
0x1e: {  	v4 =	vperm.xlane v3, v0;
	_ =	sdelay $0x1  }
0x1f: {  	v3 =	vperm.xlane v3, v2;
	v4 =	vadd.s32 v1, v4;
	_ =	sdelay $0x1  }
0x20: {  	v3 =	vadd.s32 v1, v3;
	_ =	sdelay $0x2  }
0x21: {  	[tilespmem:s7], [sflag:$0x1] =	stream.indirect_vreg.gather [hbm4b:s3+s2], $0x80, v4, vm0, $0xb8;
	[tilespmem:$0xDC00] =	vst v63  }
0x22: {  	s4 =	rddreg [dreg:$0x3]  }
0x23: {  	[tilespmem:s4], [sflag:$0x1] =	stream.indirect_vreg.gather [hbm4b:s3+s2], $0x80, v3, vm0, $0xb8;
	[tilespmem:$0xDC00] =	vst v63  }
0x24: {  	v3 =	vld [tilespmem:s1+$0xFFFFFFB0];
	_ =	sdelay $0x4  }
0x25: {  	v50 =	vshll.u32 v3, $0x1  }
0x26: {  	v3 =	vand.u32 $0x7, v3;
	v4 =	vand.u32 $0xFFFFFFF0, v50  }
0x27: {  	v3 =	vor.u32 v3, v4  }
0x28: {  	v4 =	vperm.xlane v3, v0;
	_ =	sdelay $0x1  }
0x29: {  	v3 =	vperm.xlane v3, v2;
	v4 =	vadd.s32 v1, v4;
	_ =	sdelay $0x1  }
0x2a: {  	v3 =	vadd.s32 v1, v3;
	_ =	sdelay $0x1  }
0x2b: {  	s4 =	rddreg [dreg:$0x4]  }
0x2c: {  	[tilespmem:s4], [sflag:$0x1] =	stream.indirect_vreg.gather [hbm4b:s3+s2], $0x80, v4, vm0, $0xb8;
	[tilespmem:$0xDC00] =	vst v63  }
0x2d: {  	s5 =	rddreg [dreg:$0x5]  }
0x2e: {  	[tilespmem:s5], [sflag:$0x1] =	stream.indirect_vreg.gather [hbm4b:s3+s2], $0x80, v3, vm0, $0xb8;
	[tilespmem:$0xDC00] =	vst v63  }
0x2f: {  	v3 =	vld.msk [tilespmem:s1+$0xFFFFFFC0], $0xff;
	_ =	sdelay $0x4  }
0x30: {  	v51 =	vshll.u32 v3, $0x1  }
0x31: {  	v3 =	vand.u32 $0x7, v3;
	v4 =	vand.u32 $0xFFFFFFF0, v51  }
0x32: {  	v3 =	vor.u32 v3, v4  }
0x33: {  	v3 =	vperm.xlane v3, v0;
	_ =	sdelay $0x1  }
0x34: {  	v3 =	vadd.s32 v1, v3;
	_ =	sdelay $0x4  }
0x35: {  	[tilespmem:s8], [sflag:$0x1] =	stream.indirect_vreg.gather [hbm4b:s3+s2], $0x80, v3, vm0, $0xb8;
	[tilespmem:$0xDC00] =	vst v63  }
0x36: {  	v3 =	vld [tilespmem:s1+$0xFFFFFFC8];
	_ =	sdelay $0x4  }
0x37: {  	v52 =	vshll.u32 v3, $0x1  }
0x38: {  	v3 =	vand.u32 $0x7, v3;
	v4 =	vand.u32 $0xFFFFFFF0, v52  }
0x39: {  	v3 =	vor.u32 v3, v4  }
0x3a: {  	v4 =	vperm.xlane v3, v0;
	_ =	sdelay $0x1  }
0x3b: {  	v3 =	vperm.xlane v3, v2;
	v4 =	vadd.s32 v1, v4;
	_ =	sdelay $0x1  }
0x3c: {  	v3 =	vadd.s32 v1, v3;
	_ =	sdelay $0x2  }
0x3d: {  	[tilespmem:s9], [sflag:$0x1] =	stream.indirect_vreg.gather [hbm4b:s3+s2], $0x80, v4, vm0, $0xb8;
	[tilespmem:$0xDC00] =	vst v63  }
0x3e: {  	_ = 	snop  }
0x3f: {  	[tilespmem:s10], [sflag:$0x1] =	stream.indirect_vreg.gather [hbm4b:s3+s2], $0x80, v3, vm0, $0xb8;
	[tilespmem:$0xDC00] =	vst v63  }
0x40: {  	v3 =	vld [tilespmem:s1+$0xFFFFFFD8];
	_ =	sdelay $0x4  }
0x41: {  	v53 =	vshll.u32 v3, $0x1  }
0x42: {  	v3 =	vand.u32 $0x7, v3;
	v4 =	vand.u32 $0xFFFFFFF0, v53  }
0x43: {  	v3 =	vor.u32 v3, v4  }
0x44: {  	v4 =	vperm.xlane v3, v0;
	_ =	sdelay $0x1  }
0x45: {  	v3 =	vperm.xlane v3, v2;
	v4 =	vadd.s32 v1, v4;
	_ =	sdelay $0x1  }
0x46: {  	v3 =	vadd.s32 v1, v3;
	_ =	sdelay $0x2  }
0x47: {  	[tilespmem:s11], [sflag:$0x1] =	stream.indirect_vreg.gather [hbm4b:s3+s2], $0x80, v4, vm0, $0xb8;
	[tilespmem:$0xDC00] =	vst v63  }
0x48: {  	_ = 	snop  }
0x49: {  	[tilespmem:s12], [sflag:$0x1] =	stream.indirect_vreg.gather [hbm4b:s3+s2], $0x80, v3, vm0, $0xb8;
	[tilespmem:$0xDC00] =	vst v63  }
0x4a: {  	v3 =	vld.msk [tilespmem:s1+$0xFFFFFFE8], $0xff;
	_ =	sdelay $0x4  }
0x4b: {  	v54 =	vshll.u32 v3, $0x1  }
0x4c: {  	v3 =	vand.u32 $0x7, v3;
	v4 =	vand.u32 $0xFFFFFFF0, v54  }
0x4d: {  	v3 =	vor.u32 v3, v4  }
0x4e: {  	v3 =	vperm.xlane v3, v0;
	_ =	sdelay $0x1  }
0x4f: {  	v3 =	vadd.s32 v1, v3;
	_ =	sdelay $0x4  }
0x50: {  	[tilespmem:s13], [sflag:$0x1] =	stream.indirect_vreg.gather [hbm4b:s3+s2], $0x80, v3, vm0, $0xb8;
	[tilespmem:$0xDC00] =	vst v63  }
0x51: {  	v3 =	vld [tilespmem:s1+$0xFFFFFFF0];
	_ =	sdelay $0x4  }
0x52: {  	v55 =	vshll.u32 v3, $0x1  }
0x53: {  	v3 =	vand.u32 $0x7, v3;
	v4 =	vand.u32 $0xFFFFFFF0, v55  }
0x54: {  	v3 =	vor.u32 v3, v4  }
0x55: {  	v4 =	vperm.xlane v3, v0;
	_ =	sdelay $0x1  }
0x56: {  	v3 =	vperm.xlane v3, v2;
	v4 =	vadd.s32 v1, v4;
	_ =	sdelay $0x1  }
0x57: {  	v3 =	vadd.s32 v1, v3;
	_ =	sdelay $0x2  }
0x58: {  	[tilespmem:s14], [sflag:$0x1] =	stream.indirect_vreg.gather [hbm4b:s3+s2], $0x80, v4, vm0, $0xb8;
	[tilespmem:$0xDC00] =	vst v63  }
0x59: {  	_ = 	snop  }
0x5a: {  	[tilespmem:s15], [sflag:$0x1] =	stream.indirect_vreg.gather [hbm4b:s3+s2], $0x80, v3, vm0, $0xb8;
	[tilespmem:$0xDC00] =	vst v63  }
0x5b: {  	v3 =	vld [tilespmem:s1+$0x0];
	_ =	sdelay $0x4  }
0x5c: {  	v56 =	vshll.u32 v3, $0x1  }
0x5d: {  	v3 =	vand.u32 $0x7, v3;
	v4 =	vand.u32 $0xFFFFFFF0, v56  }
0x5e: {  	v3 =	vor.u32 v3, v4  }
0x5f: {  	v4 =	vperm.xlane v3, v0;
	_ =	sdelay $0x1  }
0x60: {  	v3 =	vperm.xlane v3, v2;
	v4 =	vadd.s32 v1, v4;
	_ =	sdelay $0x1  }
0x61: {  	v3 =	vadd.s32 v1, v3;
	_ =	sdelay $0x2  }
0x62: {  	[tilespmem:s16], [sflag:$0x1] =	stream.indirect_vreg.gather [hbm4b:s3+s2], $0x80, v4, vm0, $0xb8;
	[tilespmem:$0xDC00] =	vst v63  }
0x63: {  	_ = 	snop  }
0x64: {  	[tilespmem:s17], [sflag:$0x1] =	stream.indirect_vreg.gather [hbm4b:s3+s2], $0x80, v3, vm0, $0xb8;
	[tilespmem:$0xDC00] =	vst v63  }
0x65: {  	v3 =	vld.msk [tilespmem:s1+$0x10], $0xff;
	_ =	sdelay $0x4  }
0x66: {  	v57 =	vshll.u32 v3, $0x1  }
0x67: {  	v3 =	vand.u32 $0x7, v3;
	v4 =	vand.u32 $0xFFFFFFF0, v57  }
0x68: {  	v3 =	vor.u32 v3, v4  }
0x69: {  	v3 =	vperm.xlane v3, v0;
	_ =	sdelay $0x1  }
0x6a: {  	v3 =	vadd.s32 v1, v3;
	_ =	sdelay $0x4  }
0x6b: {  	[tilespmem:s18], [sflag:$0x1] =	stream.indirect_vreg.gather [hbm4b:s3+s2], $0x80, v3, vm0, $0xb8;
	[tilespmem:$0xDC00] =	vst v63  }
0x6c: {  	v3 =	vld [tilespmem:s1+$0x18];
	_ =	sdelay $0x4  }
0x6d: {  	v58 =	vshll.u32 v3, $0x1  }
0x6e: {  	v3 =	vand.u32 $0x7, v3;
	v4 =	vand.u32 $0xFFFFFFF0, v58  }
0x6f: {  	v3 =	vor.u32 v3, v4  }
0x70: {  	v4 =	vperm.xlane v3, v0;
	_ =	sdelay $0x1  }
0x71: {  	v3 =	vperm.xlane v3, v2;
	v4 =	vadd.s32 v1, v4;
	_ =	sdelay $0x1  }
0x72: {  	v3 =	vadd.s32 v1, v3;
	_ =	sdelay $0x2  }
0x73: {  	[tilespmem:s19], [sflag:$0x1] =	stream.indirect_vreg.gather [hbm4b:s3+s2], $0x80, v4, vm0, $0xb8;
	[tilespmem:$0xDC00] =	vst v63  }
0x74: {  	_ = 	snop  }
0x75: {  	[tilespmem:s20], [sflag:$0x1] =	stream.indirect_vreg.gather [hbm4b:s3+s2], $0x80, v3, vm0, $0xb8;
	[tilespmem:$0xDC00] =	vst v63  }
0x76: {  	v3 =	vld [tilespmem:s1+$0x28];
	_ =	sdelay $0x4  }
0x77: {  	v59 =	vshll.u32 v3, $0x1  }
0x78: {  	v3 =	vand.u32 $0x7, v3;
	v4 =	vand.u32 $0xFFFFFFF0, v59  }
0x79: {  	v3 =	vor.u32 v3, v4  }
0x7a: {  	v4 =	vperm.xlane v3, v0;
	_ =	sdelay $0x1  }
0x7b: {  	v3 =	vperm.xlane v3, v2;
	v4 =	vadd.s32 v1, v4;
	_ =	sdelay $0x1  }
0x7c: {  	v3 =	vadd.s32 v1, v3;
	_ =	sdelay $0x2  }
0x7d: {  	[tilespmem:s21], [sflag:$0x1] =	stream.indirect_vreg.gather [hbm4b:s3+s2], $0x80, v4, vm0, $0xb8;
	[tilespmem:$0xDC00] =	vst v63  }
0x7e: {  	_ = 	snop  }
0x7f: {  	[tilespmem:s22], [sflag:$0x1] =	stream.indirect_vreg.gather [hbm4b:s3+s2], $0x80, v3, vm0, $0xb8;
	[tilespmem:$0xDC00] =	vst v63  }
0x80: {  	v3 =	vld.msk [tilespmem:s1+$0x38], $0xff;
	_ =	sdelay $0x4  }
0x81: {  	v60 =	vshll.u32 v3, $0x1  }
0x82: {  	v3 =	vand.u32 $0x7, v3;
	v4 =	vand.u32 $0xFFFFFFF0, v60  }
0x83: {  	v3 =	vor.u32 v3, v4  }
0x84: {  	v3 =	vperm.xlane v3, v0;
	_ =	sdelay $0x1  }
0x85: {  	v3 =	vadd.s32 v1, v3;
	_ =	sdelay $0x4  }
0x86: {  	[tilespmem:s23], [sflag:$0x1] =	stream.indirect_vreg.gather [hbm4b:s3+s2], $0x80, v3, vm0, $0xb8;
	[tilespmem:$0xDC00] =	vst v63  }
0x87: {  	v3 =	vld [tilespmem:s1+$0x40];
	_ =	sdelay $0x4  }
0x88: {  	v61 =	vshll.u32 v3, $0x1  }
0x89: {  	v3 =	vand.u32 $0x7, v3;
	v4 =	vand.u32 $0xFFFFFFF0, v61  }
0x8a: {  	v3 =	vor.u32 v3, v4  }
0x8b: {  	v4 =	vperm.xlane v3, v0;
	_ =	sdelay $0x1  }
0x8c: {  	v3 =	vperm.xlane v3, v2;
	v4 =	vadd.s32 v1, v4;
	_ =	sdelay $0x1  }
0x8d: {  	v3 =	vadd.s32 v1, v3;
	_ =	sdelay $0x2  }
0x8e: {  	[tilespmem:s24], [sflag:$0x1] =	stream.indirect_vreg.gather [hbm4b:s3+s2], $0x80, v4, vm0, $0xb8;
	[tilespmem:$0xDC00] =	vst v63  }
0x8f: {  	_ = 	snop  }
0x90: {  	[tilespmem:s25], [sflag:$0x1] =	stream.indirect_vreg.gather [hbm4b:s3+s2], $0x80, v3, vm0, $0xb8;
	[tilespmem:$0xDC00] =	vst v63  }
0x91: {  	v3 =	vld [tilespmem:s1+$0x50];
	_ =	sdelay $0x4  }
0x92: {  	v62 =	vshll.u32 v3, $0x1  }
0x93: {  	v3 =	vand.u32 $0x7, v3;
	v4 =	vand.u32 $0xFFFFFFF0, v62  }
0x94: {  	v3 =	vor.u32 v3, v4  }
0x95: {  	v4 =	vperm.xlane v3, v0;
	_ =	sdelay $0x1  }
0x96: {  	v3 =	vperm.xlane v3, v2;
	v4 =	vadd.s32 v1, v4;
	_ =	sdelay $0x1  }
0x97: {  	v3 =	vadd.s32 v1, v3;
	_ =	sdelay $0x2  }
0x98: {  	[tilespmem:s26], [sflag:$0x1] =	stream.indirect_vreg.gather [hbm4b:s3+s2], $0x80, v4, vm0, $0xb8;
	[tilespmem:$0xDC00] =	vst v63  }
0x99: {  	_ = 	snop  }
0x9a: {  	[tilespmem:s28], [sflag:$0x1] =	stream.indirect_vreg.gather [hbm4b:s3+s2], $0x80, v3, vm0, $0xb8;
	[tilespmem:$0xDC00] =	vst v63  }
0x9b: {  	v3 =	vld.msk [tilespmem:s1+$0x60], $0xff;
	_ =	sdelay $0x4  }
0x9c: {  	v63 =	vshll.u32 v3, $0x1  }
0x9d: {  	v3 =	vand.u32 $0x7, v3;
	v4 =	vand.u32 $0xFFFFFFF0, v63  }
0x9e: {  	v3 =	vor.u32 v3, v4  }
0x9f: {  	v3 =	vperm.xlane v3, v0;
	_ =	sdelay $0x1  }
0xa0: {  	v3 =	vadd.s32 v1, v3;
	_ =	sdelay $0x4  }
0xa1: {  	[tilespmem:s29], [sflag:$0x1] =	stream.indirect_vreg.gather [hbm4b:s3+s2], $0x80, v3, vm0, $0xb8;
	[tilespmem:$0xDC00] =	vst v63  }
0xa2: {  	_ =	swait.ge [sflag:s30], $0x2800  }
0xa3: {  	[sflag:s30] =	ssyncset.done $0x0  }
0xa4: {  	[sflag:s30] =	ssyncadd.s32 $0xFFFFD800  }
0xa5: {  	_ =	swait.ge [sflag:s30], $0x2800  }
0xa6: {  	[sflag:s30] =	ssyncset.done $0x0  }
0xa7: {  	[sflag:s30] =	ssyncadd.s32 $0xFFFFD800  }
0xa8: {  	_ =	swait.ge [sflag:s30], $0x2800  }
0xa9: {  	[sflag:s30] =	ssyncset.done $0x0  }
0xaa: {  	[sflag:s30] =	ssyncadd.s32 $0xFFFFD800  }
0xab: {  	_ =	swait.ge [sflag:s30], $0x2800  }
0xac: {  	[sflag:s30] =	ssyncset.done $0x0  }
0xad: {  	[sflag:s30] =	ssyncadd.s32 $0xFFFFD800  }
0xae: {  	_ =	swait.ge [sflag:s30], $0x2800  }
0xaf: {  	p0 =	sne.s32 s0, $0x25800;
	s5 =	rddreg [dreg:$0x2];
	[sflag:s30] =	ssyncset.done $0x0  }
.Ltmp0:
0xb0: {  	[sflag:s30] =	ssyncadd.s32 $0xFFFFD800;
	s4 =	sadd.s32 s0, s5;
	(pc) =	sbr.rel @p0 .LBB2_2-.Ltmp0, $4  }
0xb1: {  	[hbm4b:s4+s2] =	stream.linear.scatter [tilespmem:s7], [sflag:$0x2], $0xC800, $0x38;
	[tilespmem:$0xDC00] =	vst v63  }
0xb2: {  	_ =	swait.ge [sflag:s6], $0xC800  }
0xb3: {  	[sflag:s6] =	ssyncset.done $0x0  }
0xb4: {  	s1 =	sadd.s32 $0xC8, s1;
	s0 =	sadd.s32 $0x1900, s0;
	[sflag:s6] =	ssyncadd.s32 $0xFFFF3800  }
0xb5: {  	s31 =	sadd.s32 $0x1, s31;
	s0 =	rddreg [dreg:$0x7]  }
0xb6: {  	p0 =	sne.s32 s31, s0  }
.Ltmp1:
0xb7: {  	_ = 	snop;
	(pc) =	sbr.rel @p0 .LBB2_1-.Ltmp1, $1  }
0xb8: {  	_ =	sdelay $0x3  }
0xb9: {  	_ =	sfence.sel $0x180000  }
0xba: {  	[bflag:$0x0] =	sbarrier.arrive $0xFFFF  }
0xbb: {  	_ =	strace $0x90000047  }
0xbc: {  	s0 =	stileid.u32;
	[bflag:$0x2] =	sbarrier.arrive $0xFFFF  }
0xbd: {  	p0 =	sne.s32 s0, $0x0;
	s0 =	rddreg [dreg:$0x1]  }
0xbe: {  	s0 =	sadd.s32 @!p0 $0x100000, s0  }
0xbf: {  	[sflag:s0] =	ssyncadd.tile.s32 @!p0 $0x1;
	_ =	shalt  }
.Lfunc_end2:
_tile_overlayer_lowered:
.L_overlay_start_2:
0xc0: {  	(tag) =	ssettag $0x2  }
0xc1: {  	s0 =	rddreg [dreg:$0x0];
	s2 =	stileid.u32  }
0xc2: {  	s1 =	rddreg [dreg:$0x1];
	p0 =	sne.s32 s2, $0x0  }
0xc3: {  	s3 =	rddreg [dreg:$0x2];
	[bflag:$0x3] =	sbarrier.arrive $0xFFFF;
	s2 =	simm.s32 @!p0 $0x1C02  }
0xc4: {  	[timem:s3], [sflag:s2] =	dma.local @!p0 [hbm:s0], s1  }
0xc5: {  	s0 =	simm.s32 @!p0 $0x2  }
0xc6: {  	_ =	swait.ge @!p0 [sflag:s0], s1  }
0xc7: {  	s1 =	ssub.s32 @!p0 $0x0, s1;
	[sflag:s0] =	ssyncset.done @!p0 $0x0  }
0xc8: {  	[sflag:s0] =	ssyncadd.s32 @!p0 s1  }
0xc9: {  	[bflag:$0x3] =	sbarrier.arrive $0xFFFF  }
0xca: {  	_ =	shalt  }

</sc_bundles>
